<compile_context>
chip_gen: v7x
topology: tpu7x:2x2x1
jax: 0.10.2.dev20260603
libtpu: 0.0.44.dev20260713+nightly
codegen_flags: <defaults>
</compile_context>

<pallas_src>
import functools

import jax
import jax.numpy as jnp
from jax import lax
from jax.experimental import pallas as pl
from jax.experimental.pallas import tpu as pltpu
from jax.experimental.pallas import tpu_sc as plsc

N = 10000
E = 160000
SI, VI = 128, 16
SE, VE = 16, 1
SO, VO = 128, 16
H0 = 2 * VI + VE
H0P = 48
ROW = 192

EDGE_BLK = 4000
NODE_BLK = 1000


def _pad2(a, r, c):
    return jnp.pad(a, ((0, r - a.shape[0]), (0, c - a.shape[1])))


TBL = 176


def _node_kernel(xs_ref, xv_ref, wsrc_ref, wdst_ref, osrc_ref, odst_ref):
    xs = xs_ref[...]
    xv = xv_ref[...]
    osrc_ref[:, 0:128] = jnp.dot(xs, wsrc_ref[...], preferred_element_type=jnp.float32)
    osrc_ref[:, 128:176] = xv
    odst_ref[:, 0:128] = jnp.dot(xs, wdst_ref[...], preferred_element_type=jnp.float32)
    odst_ref[:, 128:176] = xv


def _node_tables(x_s, xv48, w_ssrc, w_sdst, interpret=False):
    grid = (N // NODE_BLK,)
    return pl.pallas_call(
        _node_kernel,
        grid=grid,
        in_specs=[
            pl.BlockSpec((NODE_BLK, SI), lambda i: (i, 0)),
            pl.BlockSpec((NODE_BLK, 48), lambda i: (i, 0)),
            pl.BlockSpec((SI, SO), lambda i: (0, 0)),
            pl.BlockSpec((SI, SO), lambda i: (0, 0)),
        ],
        out_specs=[
            pl.BlockSpec((NODE_BLK, TBL), lambda i: (i, 0)),
            pl.BlockSpec((NODE_BLK, TBL), lambda i: (i, 0)),
        ],
        out_shape=[
            jax.ShapeDtypeStruct((N, TBL), jnp.float32),
            jax.ShapeDtypeStruct((N, TBL), jnp.float32),
        ],
        interpret=interpret,
    )(x_s, xv48, w_ssrc, w_sdst)


GK = 128
NCHUNK = E // GK
_NC, _NS = 2, 16
_NW = _NC * _NS
_ITERS = (NCHUNK + _NW - 1) // _NW


_BASE_CH = NCHUNK // _NW
_EXTRA = NCHUNK - _BASE_CH * _NW


def _gather_body(nchunk, tsrc, tdst, src_hbm, dst_hbm, out_s, out_v,
                 idx_s0, idx_d0, idx_s1, idx_d1, bs0, bd0, bs1, bd1,
                 gsem0, gsem1, osem0, osem1):
    base = nchunk // _NW
    extra = nchunk % _NW
    wid = lax.axis_index("s") * _NC + lax.axis_index("c")
    nc = jnp.where(wid < extra, base + 1, base)
    start = base * wid + jnp.minimum(wid, extra)

    idx_s = (idx_s0, idx_s1)
    idx_d = (idx_d0, idx_d1)
    bs = (bs0, bs1)
    bd = (bd0, bd1)
    gsem = (gsem0, gsem1)
    osem = (osem0, osem1)

    def load_idx(c, p):
        off = (start + c) * GK
        pltpu.sync_copy(src_hbm.at[pl.ds(off, GK)], idx_s[p])
        pltpu.sync_copy(dst_hbm.at[pl.ds(off, GK)], idx_d[p])

    def start_gather(p):
        pltpu.async_copy(tsrc.at[idx_s[p]], bs[p], gsem[p])
        pltpu.async_copy(tdst.at[idx_d[p]], bd[p], gsem[p])

    def wait_gather(p):
        pltpu.make_async_copy(tsrc.at[idx_s[p]], bs[p], gsem[p]).wait()
        pltpu.make_async_copy(tdst.at[idx_d[p]], bd[p], gsem[p]).wait()

    def tec(p):
        b_s, b_d = bs[p], bd[p]

        zero16 = jnp.zeros((16,), jnp.float32)

        def row(k, _):
            for l in range(8):
                sl = pl.ds(16 * l, 16)
                b_s[k, sl] = b_s[k, sl] + b_d[k, sl]
            for l in range(3):
                s_sl = pl.ds(128 + 16 * l, 16)
                b_d[k, pl.ds(16 * l, 16)] = b_s[k, s_sl]
                b_d[k, pl.ds(48 + 16 * l, 16)] = b_d[k, s_sl]
            b_d[k, pl.ds(96, 16)] = zero16
            b_d[k, pl.ds(112, 16)] = zero16
            return 0

        lax.fori_loop(0, GK, row, 0)

    def start_out(c, p):
        off = (start + c) * GK
        pltpu.async_copy(bs[p].at[:, pl.ds(0, 128)],
                         out_s.at[pl.ds(off, GK)], osem[p])
        pltpu.async_copy(bd[p].at[:, pl.ds(0, 128)],
                         out_v.at[pl.ds(off, GK)], osem[p])

    def wait_out(p):
        pltpu.make_async_copy(bs[p].at[:, pl.ds(0, 128)],
                              out_s.at[pl.ds(0, GK)], osem[p]).wait()
        pltpu.make_async_copy(bd[p].at[:, pl.ds(0, 128)],
                              out_v.at[pl.ds(0, GK)], osem[p]).wait()

    load_idx(0, 0)
    start_gather(0)

    def half(i, p):
        @pl.when(i < nc)
        def _():
            @pl.when(i >= 1)
            def _():
                wait_out(1 - p)

            @pl.when(i + 1 < nc)
            def _():
                load_idx(i + 1, 1 - p)
                start_gather(1 - p)

            wait_gather(p)
            tec(p)
            start_out(i, p)

    def body2(i2, _):
        half(2 * i2, 0)
        half(2 * i2 + 1, 1)
        return 0

    maxnc = base + (1 if extra else 0)
    lax.fori_loop(0, (maxnc + 1) // 2, body2, 0)

    last = (nc - 1) % 2

    @pl.when(last == 0)
    def _():
        wait_out(0)

    @pl.when(last == 1)
    def _():
        wait_out(1)


def _sc_gather(tsrc, tdst, src, dst, e):
    f32 = jnp.float32
    return pl.kernel(
        functools.partial(_gather_body, e // GK),
        out_type=[
            jax.ShapeDtypeStruct((e, 128), f32),
            jax.ShapeDtypeStruct((e, 128), f32),
        ],
        mesh=plsc.VectorSubcoreMesh(core_axis_name="c", subcore_axis_name="s"),
        scratch_types=[
            pltpu.VMEM((GK,), jnp.int32),
            pltpu.VMEM((GK,), jnp.int32),
            pltpu.VMEM((GK,), jnp.int32),
            pltpu.VMEM((GK,), jnp.int32),
            pltpu.VMEM((GK, TBL), f32),
            pltpu.VMEM((GK, TBL), f32),
            pltpu.VMEM((GK, TBL), f32),
            pltpu.VMEM((GK, TBL), f32),
            pltpu.SemaphoreType.DMA,
            pltpu.SemaphoreType.DMA,
            pltpu.SemaphoreType.DMA,
            pltpu.SemaphoreType.DMA,
        ],
        compiler_params=pltpu.CompilerParams(use_tc_tiling_on_sc=False),
    )(tsrc, tdst, src, dst)


def _edge_kernel(gs_ref, gv_ref, eas_ref, eav_ref,
                 w_se_ref, b0_ref, wbig_ref, we_ref, s0m_ref, wsvn_ref,
                 wv0_ref, wsv0_ref, bsv0_ref,
                 wh1_ref, ws1_ref, wvn1_ref, b1_ref, wv1_ref, wsv1_ref, bsv1_ref,
                 s1m_ref,
                 wh2_ref, ws2_ref, wvn2_ref, b2_ref, wv2_ref, wsv2_ref, bsv2_ref,
                 out1_ref, out2_ref):
    f32 = jnp.float32

    def dot(a, b):
        return jnp.dot(a, b, preferred_element_type=f32)

    def sig(x):
        return 1.0 / (1.0 + jnp.exp(-x))

    gs = gs_ref[...]
    gv = gv_ref[...]
    eas = eas_ref[...]
    eav = eav_ref[...]

    vh = dot(gv, wbig_ref[...]) + dot(eav, we_ref[...])
    vn = jnp.sqrt(jnp.clip(dot(vh * vh, s0m_ref[...]), 1e-8, None))
    s0 = (gs + dot(eas, w_se_ref[...]) + dot(vn, wsvn_ref[...]) + b0_ref[...])
    gate0 = sig(dot(sig(s0), wsv0_ref[...]) + bsv0_ref[...])
    v0 = dot(vh, wv0_ref[...]) * gate0
    s0 = jax.nn.relu(s0)

    vh1 = dot(v0, wh1_ref[...])
    vn1 = jnp.sqrt(jnp.clip(dot(vh1 * vh1, s1m_ref[...]), 1e-8, None))
    s1 = dot(s0, ws1_ref[...]) + dot(vn1, wvn1_ref[...]) + b1_ref[...]
    gate1 = sig(dot(sig(s1), wsv1_ref[...]) + bsv1_ref[...])
    v1 = dot(vh1, wv1_ref[...]) * gate1
    s1 = jax.nn.relu(s1)

    vh2 = dot(v1, wh2_ref[...])
    vn2 = jnp.sqrt(jnp.clip(dot(vh2 * vh2, s1m_ref[...]), 1e-8, None))
    s2 = dot(s1, ws2_ref[...]) + dot(vn2, wvn2_ref[...]) + b2_ref[...]
    gate2 = sig(dot(s2, wsv2_ref[...]) + bsv2_ref[...])
    v2 = dot(vh2, wv2_ref[...]) * gate2

    out1_ref[...] = s2
    out2_ref[...] = jnp.concatenate(
        [v2, jnp.ones((s2.shape[0], 16), f32),
         jnp.zeros((s2.shape[0], 64), f32)], axis=1)


def _edge_gvp(gs, gv, eas, eav, wts, e=E, interpret=False):
    B = EDGE_BLK
    grid = (e // B,)
    full = lambda s: pl.BlockSpec(s, lambda i: (0, 0))
    in_specs = [
        pl.BlockSpec((B, SO), lambda i: (i, 0)),
        pl.BlockSpec((B, 128), lambda i: (i, 0)),
        pl.BlockSpec((B, SE), lambda i: (i, 0)),
        pl.BlockSpec((B, 3), lambda i: (i, 0)),
    ] + [full(w.shape) for w in wts]
    return pl.pallas_call(
        _edge_kernel,
        grid=grid,
        in_specs=in_specs,
        out_specs=[
            pl.BlockSpec((B, 128), lambda i: (i, 0)),
            pl.BlockSpec((B, 128), lambda i: (i, 0)),
        ],
        out_shape=[
            jax.ShapeDtypeStruct((e, 128), jnp.float32),
            jax.ShapeDtypeStruct((e, 128), jnp.float32),
        ],
        interpret=interpret,
    )(gs, gv, eas, eav, *wts)


SK = 128
SCHUNKS = E // SK
_SITERS = (SCHUNKS + _NS - 1) // _NS
NPT = N // _NS
NZC = 125


def _scatter_body(nhchunk, m1, m2, d2, o1, o2,
                  idx0, idx1, buf0, buf1, stage, acc, msem0, msem1):
    sbase = nhchunk // _NS
    sextra = nhchunk % _NS
    c = lax.axis_index("c")
    s = lax.axis_index("s")
    nc = jnp.where(s < sextra, sbase + 1, sbase)
    start = sbase * s + jnp.minimum(s, sextra)

    idx = (idx0, idx1)
    buf = (buf0, buf1)
    msem = (msem0, msem1)

    def zrow(k, _):
        for l in range(8):
            stage[k, pl.ds(16 * l, 16)] = jnp.zeros((16,), jnp.float32)
        return 0

    lax.fori_loop(0, NZC, zrow, 0)
    for j in range(NPT // NZC):
        pltpu.sync_copy(stage, acc.at[pl.ds(NPT * s + NZC * j, NZC)])
    plsc.subcore_barrier()

    def accumulate(m):
        def load(i, p):
            cid = start + i
            pltpu.sync_copy(d2.at[cid], idx[p])
            pltpu.async_copy(m.at[pl.ds(cid * SK, SK)], buf[p], msem[p])

        def waitm(p):
            pltpu.make_async_copy(m.at[pl.ds(0, SK)], buf[p], msem[p]).wait()

        load(0, 0)

        def half(i, p):
            @pl.when(i < nc)
            def _():
                @pl.when(i + 1 < nc)
                def _():
                    load(i + 1, 1 - p)

                waitm(p)
                pltpu.sync_copy(buf[p], acc.at[idx[p]], add=True)

        def body2(i2, _):
            half(2 * i2, 0)
            half(2 * i2 + 1, 1)
            return 0

        maxnc = sbase + (1 if sextra else 0)
        lax.fori_loop(0, (maxnc + 1) // 2, body2, 0)

    @pl.when(c == 0)
    def _():
        accumulate(m1)

    @pl.when(c == 1)
    def _():
        accumulate(m2)

    plsc.subcore_barrier()

    def writeout(o):
        for j in range(NPT // NZC):
            sl = pl.ds(NPT * s + NZC * j, NZC)
            pltpu.sync_copy(acc.at[sl], stage)
            pltpu.sync_copy(stage, o.at[sl])

    @pl.when(c == 0)
    def _():
        writeout(o1)

    @pl.when(c == 1)
    def _():
        writeout(o2)


def _sc_scatter(m1, m2, d2):
    f32 = jnp.float32
    return pl.kernel(
        functools.partial(_scatter_body, SCHUNKS),
        out_type=[
            jax.ShapeDtypeStruct((N, 128), f32),
            jax.ShapeDtypeStruct((N, 128), f32),
        ],
        mesh=plsc.VectorSubcoreMesh(core_axis_name="c", subcore_axis_name="s"),
        scratch_types=[
            pltpu.VMEM((SK,), jnp.int32),
            pltpu.VMEM((SK,), jnp.int32),
            pltpu.VMEM((SK, 128), f32),
            pltpu.VMEM((SK, 128), f32),
            pltpu.VMEM((NZC, 128), f32),
            pltpu.VMEM_SHARED((N, 128), f32),
            pltpu.SemaphoreType.DMA,
            pltpu.SemaphoreType.DMA,
        ],
        compiler_params=pltpu.CompilerParams(use_tc_tiling_on_sc=False),
    )(m1, m2, d2)


def _combine_kernel(p1_ref, p2_ref, xs_ref, xv_ref, os_ref, ov_ref):
    p1 = p1_ref[...]
    p2 = p2_ref[...]
    cnt = jnp.clip(p2[:, 48:49], 1.0, None)
    recip = 1.0 / cnt
    os_ref[...] = xs_ref[...] + p1 * recip
    ov_ref[...] = xv_ref[...] + p2[:, 0:48] * recip


def _combine(p1, p2, x_s, xv48, interpret=False):
    grid = (N // NODE_BLK,)
    return pl.pallas_call(
        _combine_kernel,
        grid=grid,
        in_specs=[
            pl.BlockSpec((NODE_BLK, 128), lambda i: (i, 0)),
            pl.BlockSpec((NODE_BLK, 128), lambda i: (i, 0)),
            pl.BlockSpec((NODE_BLK, SI), lambda i: (i, 0)),
            pl.BlockSpec((NODE_BLK, 48), lambda i: (i, 0)),
        ],
        out_specs=[
            pl.BlockSpec((NODE_BLK, SI), lambda i: (i, 0)),
            pl.BlockSpec((NODE_BLK, 48), lambda i: (i, 0)),
        ],
        out_shape=[
            jax.ShapeDtypeStruct((N, SI), jnp.float32),
            jax.ShapeDtypeStruct((N, 48), jnp.float32),
        ],
        interpret=interpret,
    )(p1, p2, x_s, xv48)


def _split_weights(params):
    p0, p1, p2 = params['layer0'], params['layer1'], params['layer2']
    eye3 = jnp.eye(3, dtype=jnp.float32)
    ws0 = p0['ws_w']
    w_ssrc = ws0[:SI]
    w_se = ws0[SI:SI + SE]
    w_sdst = ws0[SI + SE:SI + SE + SI]
    w_svn = _pad2(ws0[SI + SE + SI:], H0P, SO)
    wh0 = p0['wh']
    whs = _pad2(wh0[:VI], VI, H0P)
    whe = _pad2(wh0[VI:VI + VE], VE, H0P)
    whd = _pad2(wh0[VI + VE:], VI, H0P)
    wv0 = _pad2(p0['wv'], H0P, VO)
    wbig = jnp.concatenate([jnp.kron(eye3, whs), jnp.kron(eye3, whd),
                            jnp.zeros((32, 3 * H0P), jnp.float32)], axis=0)
    we = jnp.kron(eye3, whe)
    s0m = jnp.tile(jnp.eye(H0P, dtype=jnp.float32), (3, 1))
    s1m = jnp.tile(jnp.eye(VO, dtype=jnp.float32), (3, 1))
    wts = (
        w_se, p0['ws_b'][None, :], wbig, we, s0m, w_svn,
        jnp.kron(eye3, wv0),
        jnp.tile(p0['wsv_w'], (1, 3)),
        jnp.tile(p0['wsv_b'], (3,))[None, :],
        jnp.kron(eye3, p1['wh']),
        p1['ws_w'][:SO], p1['ws_w'][SO:], p1['ws_b'][None, :],
        jnp.kron(eye3, p1['wv']),
        jnp.tile(p1['wsv_w'], (1, 3)), jnp.tile(p1['wsv_b'], (3,))[None, :],
        s1m,
        jnp.kron(eye3, p2['wh']),
        p2['ws_w'][:SO], p2['ws_w'][SO:], p2['ws_b'][None, :],
        jnp.kron(eye3, p2['wv']),
        jnp.tile(p2['wsv_w'], (1, 3)), jnp.tile(p2['wsv_b'], (3,))[None, :],
    )
    return w_ssrc, w_sdst, wts


def kernel(x_s, x_v, edge_index, edge_attr_s, edge_attr_v, params):
    src, dst = edge_index[0], edge_index[1]
    w_ssrc, w_sdst, wts = _split_weights(params)

    xv48 = jnp.swapaxes(x_v, 1, 2).reshape(N, 48)
    ts_src, ts_dst = _node_tables(x_s, xv48, w_ssrc, w_sdst)
    eav = edge_attr_v.reshape(E, 3)

    gs, gv = _sc_gather(ts_src, ts_dst, src, dst, E)
    m1, m2 = _edge_gvp(gs, gv, edge_attr_s, eav, wts, E)
    p1, p2 = _sc_scatter(m1, m2, dst.reshape(SCHUNKS, SK))

    out_s, out_v48 = _combine(p1, p2, x_s, xv48)
    out_v = jnp.swapaxes(out_v48.reshape(N, 3, VI), 1, 2)
    return (out_s, out_v)

# --- scband reference (transcript-rebuilt; emitter-appended) ---
"""Pipeline reference for scband-gvpconv-9663676416046 (READ-ONLY COPY).

The authoritative reference and input builder live on the scoring server;
editing this copy changes nothing except your own understanding.
"""

import jax, jax.numpy as jnp
import numpy as np

N_NODES = 10000
N_EDGES = 160000
SI, VI = 128, 16
SE, VE = 16, 1
SO, VO = 128, 16


def _gvp_params(key, si, vi, so, vo):
    h = max(vi, vo)
    k = jax.random.split(key, 4)
    return {
        'wh': jax.random.normal(k[0], (vi, h), jnp.float32) * (1.0 / np.sqrt(vi)),
        'ws_w': jax.random.normal(k[1], (h + si, so), jnp.float32) * (1.0 / np.sqrt(h + si)),
        'ws_b': jnp.zeros((so,), jnp.float32),
        'wv': jax.random.normal(k[2], (h, vo), jnp.float32) * (1.0 / np.sqrt(h)),
        'wsv_w': jax.random.normal(k[3], (so, vo), jnp.float32) * (1.0 / np.sqrt(so)),
        'wsv_b': jnp.zeros((vo,), jnp.float32),
    }


def setup_inputs(seed: int = 0):
    key = jax.random.key(seed)
    ks = jax.random.split(key, 8)
    x_s = jax.random.normal(ks[0], (N_NODES, SI), jnp.float32)
    x_v = jax.random.normal(ks[1], (N_NODES, VI, 3), jnp.float32)
    edge_index = jax.random.randint(ks[2], (2, N_EDGES), 0, N_NODES, jnp.int32)
    edge_attr_s = jax.random.normal(ks[3], (N_EDGES, SE), jnp.float32)
    edge_attr_v = jax.random.normal(ks[4], (N_EDGES, VE, 3), jnp.float32)
    params = {
        'layer0': _gvp_params(ks[5], 2 * SI + SE, 2 * VI + VE, SO, VO),
        'layer1': _gvp_params(ks[6], SO, VO, SO, VO),
        'layer2': _gvp_params(ks[7], SO, VO, SO, VO),
    }
    return {'x_s': x_s, 'x_v': x_v, 'edge_index': edge_index,
            'edge_attr_s': edge_attr_s, 'edge_attr_v': edge_attr_v, 'params': params}


def _gvp(s, v, p, scalar_act, vector_act, vector_gate=True):
    # v: [..., vi, 3] -> transpose -> [..., 3, vi]
    vt = jnp.swapaxes(v, -1, -2)
    vh = vt @ p['wh']                                    # [..., 3, h]
    vn = jnp.sqrt(jnp.clip(jnp.sum(jnp.square(vh), axis=-2), 1e-8, None))  # [..., h]
    s_out = jnp.concatenate([s, vn], axis=-1) @ p['ws_w'] + p['ws_b']
    v_out = jnp.swapaxes(vh @ p['wv'], -1, -2)           # [..., vo, 3]
    if vector_gate:
        g_in = vector_act(s_out) if vector_act is not None else s_out
        gate = g_in @ p['wsv_w'] + p['wsv_b']
        v_out = v_out * jax.nn.sigmoid(gate)[..., None]
    if scalar_act is not None:
        s_out = scalar_act(s_out)
    return s_out, v_out


def _forward(x_s, x_v, edge_attr_s, edge_attr_v, params, edge_index):
    src = edge_index[0]
    dst = edge_index[1]
    # message inputs: tuple_cat(x_j, edge_attr, x_i)
    m_s = jnp.concatenate([x_s[src], edge_attr_s, x_s[dst]], axis=-1)   # [E, 2*SI+SE]
    m_v = jnp.concatenate([x_v[src], edge_attr_v, x_v[dst]], axis=-2)   # [E, 2*VI+VE, 3]
    m_s, m_v = _gvp(m_s, m_v, params['layer0'], jax.nn.relu, jax.nn.sigmoid)
    m_s, m_v = _gvp(m_s, m_v, params['layer1'], jax.nn.relu, jax.nn.sigmoid)
    m_s, m_v = _gvp(m_s, m_v, params['layer2'], None, None)
    n = x_s.shape[0]
    s_agg = jax.ops.segment_sum(m_s, dst, num_segments=n)
    v_agg = jax.ops.segment_sum(m_v, dst, num_segments=n)
    cnt = jnp.clip(jax.ops.segment_sum(jnp.ones((dst.shape[0],), jnp.float32), dst, num_segments=n), 1.0, None)
    s_agg = s_agg / cnt[:, None]
    v_agg = v_agg / cnt[:, None, None]
    # shortcut: in_dims == out_dims -> Identity; dropout inactive in eval
    return (x_s + s_agg, x_v + v_agg)


def reference(x_s, x_v, edge_index, edge_attr_s, edge_attr_v, params):
    return _forward(x_s, x_v, edge_attr_s, edge_attr_v, params, edge_index)

if __name__ == "__main__":
    import jax
    _d = setup_inputs()
    print(jax.jit(kernel)(*tuple(_d.values())))

</pallas_src>

<mosaic_0001>
#map = affine_map<(d0, d1) -> (0, 0)>
#map1 = affine_map<(d0, d1) -> (0)>
module attributes {stable_mosaic.version = 14 : i64} {
  func.func @_gather_body(%arg0: i32, %arg1: i32, %arg2: memref<10000x176xf32, #tpu.memory_space<hbm>>, %arg3: memref<10000x176xf32, #tpu.memory_space<hbm>>, %arg4: memref<160000xi32, #tpu.memory_space<hbm>>, %arg5: memref<160000xi32, #tpu.memory_space<hbm>>, %arg6: memref<160000x128xf32, #tpu.memory_space<hbm>>, %arg7: memref<160000x128xf32, #tpu.memory_space<hbm>>, %arg8: memref<128xi32, #tpu.memory_space<vmem>>, %arg9: memref<128xi32, #tpu.memory_space<vmem>>, %arg10: memref<128xi32, #tpu.memory_space<vmem>>, %arg11: memref<128xi32, #tpu.memory_space<vmem>>, %arg12: memref<128x176xf32, #tpu.memory_space<vmem>>, %arg13: memref<128x176xf32, #tpu.memory_space<vmem>>, %arg14: memref<128x176xf32, #tpu.memory_space<vmem>>, %arg15: memref<128x176xf32, #tpu.memory_space<vmem>>, %arg16: memref<!tpu.dma_semaphore, #tpu.memory_space<semaphore_mem>>, %arg17: memref<!tpu.dma_semaphore, #tpu.memory_space<semaphore_mem>>, %arg18: memref<!tpu.dma_semaphore, #tpu.memory_space<semaphore_mem>>, %arg19: memref<!tpu.dma_semaphore, #tpu.memory_space<semaphore_mem>>) attributes {dimension_semantics = [#tpu.dimension_semantics<core_parallel>, #tpu.dimension_semantics<subcore_parallel>], iteration_bounds = array<i64: 2, 16>, scalar_prefetch = 0 : i64, scratch_operands = 12 : i64, tpu.core_type = #tpu.core_type<sc_vector_subcore>, window_params = [{transform_indices = #map}, {transform_indices = #map}, {transform_indices = #map1}, {transform_indices = #map1}, {transform_indices = #map}, {transform_indices = #map}]} {
    %mul3A = arith.constant 2 : i32
    %mul3A_0 = arith.muli %arg1, %mul3A : i32
    %add3A = arith.addi %mul3A_0, %arg0 : i32
    %lt3A = arith.constant 2 : i32
    %lt3A_1 = arith.cmpi slt, %add3A, %lt3A : i32
    %jit3A = arith.constant 40 : i32
    %jit3A_2 = arith.constant 39 : i32
    %select_n3A = arith.select %lt3A_1, %jit3A, %jit3A_2 : i32
    %mul3A_3 = arith.constant 39 : i32
    %mul3A_4 = arith.muli %mul3A_3, %add3A : i32
    %min3A = arith.constant 2 : i32
    %min3A_5 = arith.minsi %add3A, %min3A : i32
    %add3A_6 = arith.addi %mul3A_4, %min3A_5 : i32
    %add3A_7 = arith.constant 0 : i32
    %add3A_8 = arith.addi %add3A_6, %add3A_7 : i32
    %mul3A_9 = arith.constant 128 : i32
    %mul3A_10 = arith.muli %add3A_8, %mul3A_9 : i32
    "tpu.region"() ({
      %run_scoped3A = tpu.sem_alloc : memref<!tpu.dma_semaphore, #tpu.memory_space<semaphore_mem>>
      %dma_start3A_43 = tpu.memref_slice %arg4[%mul3A_10] : memref<160000xi32, #tpu.memory_space<hbm>> -> memref<128xi32, #tpu.memory_space<hbm>>
      %dma_start3A_44 = tpu.memref_slice %arg4[%mul3A_10] : memref<160000xi32, #tpu.memory_space<hbm>> -> memref<128xi32, #tpu.memory_space<hbm>>
      tpu.enqueue_dma source(%dma_start3A_44 : memref<128xi32, #tpu.memory_space<hbm>>) target(%arg8 : memref<128xi32, #tpu.memory_space<vmem>>) target_semaphore(%run_scoped3A : memref<!tpu.dma_semaphore, #tpu.memory_space<semaphore_mem>>)
      %dma_wait3A = tpu.memref_slice %arg4[%mul3A_10] : memref<160000xi32, #tpu.memory_space<hbm>> -> memref<128xi32, #tpu.memory_space<hbm>>
      %dma_wait3A_45 = tpu.memref_slice %arg4[%mul3A_10] : memref<160000xi32, #tpu.memory_space<hbm>> -> memref<128xi32, #tpu.memory_space<hbm>>
      tpu.wait_dma2 semaphore(%run_scoped3A : memref<!tpu.dma_semaphore, #tpu.memory_space<semaphore_mem>>) src(%dma_wait3A_45 : memref<128xi32, #tpu.memory_space<hbm>>) dst(%arg8 : memref<128xi32, #tpu.memory_space<vmem>>)
      tpu.yield
    }) : () -> ()
    "tpu.region"() ({
      %run_scoped3A = tpu.sem_alloc : memref<!tpu.dma_semaphore, #tpu.memory_space<semaphore_mem>>
      %dma_start3A_43 = tpu.memref_slice %arg5[%mul3A_10] : memref<160000xi32, #tpu.memory_space<hbm>> -> memref<128xi32, #tpu.memory_space<hbm>>
      %dma_start3A_44 = tpu.memref_slice %arg5[%mul3A_10] : memref<160000xi32, #tpu.memory_space<hbm>> -> memref<128xi32, #tpu.memory_space<hbm>>
      tpu.enqueue_dma source(%dma_start3A_44 : memref<128xi32, #tpu.memory_space<hbm>>) target(%arg9 : memref<128xi32, #tpu.memory_space<vmem>>) target_semaphore(%run_scoped3A : memref<!tpu.dma_semaphore, #tpu.memory_space<semaphore_mem>>)
      %dma_wait3A = tpu.memref_slice %arg5[%mul3A_10] : memref<160000xi32, #tpu.memory_space<hbm>> -> memref<128xi32, #tpu.memory_space<hbm>>
      %dma_wait3A_45 = tpu.memref_slice %arg5[%mul3A_10] : memref<160000xi32, #tpu.memory_space<hbm>> -> memref<128xi32, #tpu.memory_space<hbm>>
      tpu.wait_dma2 semaphore(%run_scoped3A : memref<!tpu.dma_semaphore, #tpu.memory_space<semaphore_mem>>) src(%dma_wait3A_45 : memref<128xi32, #tpu.memory_space<hbm>>) dst(%arg9 : memref<128xi32, #tpu.memory_space<vmem>>)
      tpu.yield
    }) : () -> ()
    %dma_start3A = arith.constant 0 : i32
    %dma_start3A_11 = arith.constant 0 : i32
    %dma_start3A_12 = tpu.memref_slice %arg2[%dma_start3A, %dma_start3A_11] : memref<10000x176xf32, #tpu.memory_space<hbm>> -> memref<10000x176xf32, #tpu.memory_space<hbm>>
    tpu.enqueue_indirect_dma source(%dma_start3A_12 : memref<10000x176xf32, #tpu.memory_space<hbm>>) target(%arg12 : memref<128x176xf32, #tpu.memory_space<vmem>>) offsets(%arg8 : memref<128xi32, #tpu.memory_space<vmem>>) semaphore(%arg16 : memref<!tpu.dma_semaphore, #tpu.memory_space<semaphore_mem>>)
    %dma_start3A_13 = arith.constant 0 : i32
    %dma_start3A_14 = arith.constant 0 : i32
    %dma_start3A_15 = tpu.memref_slice %arg3[%dma_start3A_13, %dma_start3A_14] : memref<10000x176xf32, #tpu.memory_space<hbm>> -> memref<10000x176xf32, #tpu.memory_space<hbm>>
    tpu.enqueue_indirect_dma source(%dma_start3A_15 : memref<10000x176xf32, #tpu.memory_space<hbm>>) target(%arg13 : memref<128x176xf32, #tpu.memory_space<vmem>>) offsets(%arg9 : memref<128xi32, #tpu.memory_space<vmem>>) semaphore(%arg16 : memref<!tpu.dma_semaphore, #tpu.memory_space<semaphore_mem>>)
    %scan3A = arith.constant 0 : i32
    %scan3A_16 = arith.constant 0 : i32
    %scan3A_17 = arith.constant 20 : i32
    %scan3A_18 = arith.addi %scan3A_16, %scan3A_17 : i32
    %scan3A_19 = arith.constant 1 : i32
    %scan3A_20 = scf.for %scan3A_43 = %scan3A_16 to %scan3A_18 step %scan3A_19 iter_args(%scan3A_44 = %scan3A) -> (i32)  : i32 {
      %mul3A_45 = arith.constant 2 : i32
      %mul3A_46 = arith.muli %mul3A_45, %scan3A_43 : i32
      %lt3A_47 = arith.cmpi slt, %mul3A_46, %select_n3A : i32
      %convert_element_type3A_48 = arith.extui %lt3A_47 : i1 to i32
      %cond3A_49 = arith.constant 0 : i32
      %cond3A_50 = arith.cmpi ne, %convert_element_type3A_48, %cond3A_49 : i32
      scf.if %cond3A_50 {
        %ge3A = arith.constant 1 : i32
        %ge3A_60 = arith.cmpi sge, %mul3A_46, %ge3A : i32
        %convert_element_type3A_61 = arith.extui %ge3A_60 : i1 to i32
        %cond3A_62 = arith.constant 0 : i32
        %cond3A_63 = arith.cmpi ne, %convert_element_type3A_61, %cond3A_62 : i32
        scf.if %cond3A_63 {
          %dma_wait3A_106 = arith.constant 0 : i32
          %dma_wait3A_107 = arith.constant 0 : i32
          %dma_wait3A_108 = tpu.memref_slice %arg14[%dma_wait3A_106, %dma_wait3A_107] : memref<128x176xf32, #tpu.memory_space<vmem>> -> memref<128x128xf32, #tpu.memory_space<vmem>>
          %dma_wait3A_109 = arith.constant 0 : i32
          %dma_wait3A_110 = arith.constant 0 : i32
          %dma_wait3A_111 = tpu.memref_slice %arg6[%dma_wait3A_109, %dma_wait3A_110] : memref<160000x128xf32, #tpu.memory_space<hbm>> -> memref<128x128xf32, #tpu.memory_space<hbm>>
          %dma_wait3A_112 = arith.constant 0 : i32
          %dma_wait3A_113 = arith.constant 0 : i32
          %dma_wait3A_114 = tpu.memref_slice %arg6[%dma_wait3A_112, %dma_wait3A_113] : memref<160000x128xf32, #tpu.memory_space<hbm>> -> memref<128x128xf32, #tpu.memory_space<hbm>>
          %dma_wait3A_115 = arith.constant 0 : i32
          %dma_wait3A_116 = arith.constant 0 : i32
          %dma_wait3A_117 = tpu.memref_slice %arg14[%dma_wait3A_115, %dma_wait3A_116] : memref<128x176xf32, #tpu.memory_space<vmem>> -> memref<128x128xf32, #tpu.memory_space<vmem>>
          tpu.wait_dma2 semaphore(%arg19 : memref<!tpu.dma_semaphore, #tpu.memory_space<semaphore_mem>>) src(%dma_wait3A_117 : memref<128x128xf32, #tpu.memory_space<vmem>>) dst(%dma_wait3A_114 : memref<128x128xf32, #tpu.memory_space<hbm>>)
          %dma_wait3A_118 = arith.constant 0 : i32
          %dma_wait3A_119 = arith.constant 0 : i32
          %dma_wait3A_120 = tpu.memref_slice %arg15[%dma_wait3A_118, %dma_wait3A_119] : memref<128x176xf32, #tpu.memory_space<vmem>> -> memref<128x128xf32, #tpu.memory_space<vmem>>
          %dma_wait3A_121 = arith.constant 0 : i32
          %dma_wait3A_122 = arith.constant 0 : i32
          %dma_wait3A_123 = tpu.memref_slice %arg7[%dma_wait3A_121, %dma_wait3A_122] : memref<160000x128xf32, #tpu.memory_space<hbm>> -> memref<128x128xf32, #tpu.memory_space<hbm>>
          %dma_wait3A_124 = arith.constant 0 : i32
          %dma_wait3A_125 = arith.constant 0 : i32
          %dma_wait3A_126 = tpu.memref_slice %arg7[%dma_wait3A_124, %dma_wait3A_125] : memref<160000x128xf32, #tpu.memory_space<hbm>> -> memref<128x128xf32, #tpu.memory_space<hbm>>
          %dma_wait3A_127 = arith.constant 0 : i32
          %dma_wait3A_128 = arith.constant 0 : i32
          %dma_wait3A_129 = tpu.memref_slice %arg15[%dma_wait3A_127, %dma_wait3A_128] : memref<128x176xf32, #tpu.memory_space<vmem>> -> memref<128x128xf32, #tpu.memory_space<vmem>>
          tpu.wait_dma2 semaphore(%arg19 : memref<!tpu.dma_semaphore, #tpu.memory_space<semaphore_mem>>) src(%dma_wait3A_129 : memref<128x128xf32, #tpu.memory_space<vmem>>) dst(%dma_wait3A_126 : memref<128x128xf32, #tpu.memory_space<hbm>>)
        } else {
        }
        %add3A_64 = arith.constant 1 : i32
        %add3A_65 = arith.addi %mul3A_46, %add3A_64 : i32
        %lt3A_66 = arith.cmpi slt, %add3A_65, %select_n3A : i32
        %convert_element_type3A_67 = arith.extui %lt3A_66 : i1 to i32
        %cond3A_68 = arith.constant 0 : i32
        %cond3A_69 = arith.cmpi ne, %convert_element_type3A_67, %cond3A_68 : i32
        scf.if %cond3A_69 {
          %add3A_106 = arith.constant 1 : i32
          %add3A_107 = arith.addi %mul3A_46, %add3A_106 : i32
          %add3A_108 = arith.addi %add3A_6, %add3A_107 : i32
          %mul3A_109 = arith.constant 128 : i32
          %mul3A_110 = arith.muli %add3A_108, %mul3A_109 : i32
          "tpu.region"() ({
            %run_scoped3A = tpu.sem_alloc : memref<!tpu.dma_semaphore, #tpu.memory_space<semaphore_mem>>
            %dma_start3A_117 = tpu.memref_slice %arg4[%mul3A_110] : memref<160000xi32, #tpu.memory_space<hbm>> -> memref<128xi32, #tpu.memory_space<hbm>>
            %dma_start3A_118 = tpu.memref_slice %arg4[%mul3A_110] : memref<160000xi32, #tpu.memory_space<hbm>> -> memref<128xi32, #tpu.memory_space<hbm>>
            tpu.enqueue_dma source(%dma_start3A_118 : memref<128xi32, #tpu.memory_space<hbm>>) target(%arg10 : memref<128xi32, #tpu.memory_space<vmem>>) target_semaphore(%run_scoped3A : memref<!tpu.dma_semaphore, #tpu.memory_space<semaphore_mem>>)
            %dma_wait3A_119 = tpu.memref_slice %arg4[%mul3A_110] : memref<160000xi32, #tpu.memory_space<hbm>> -> memref<128xi32, #tpu.memory_space<hbm>>
            %dma_wait3A_120 = tpu.memref_slice %arg4[%mul3A_110] : memref<160000xi32, #tpu.memory_space<hbm>> -> memref<128xi32, #tpu.memory_space<hbm>>
            tpu.wait_dma2 semaphore(%run_scoped3A : memref<!tpu.dma_semaphore, #tpu.memory_space<semaphore_mem>>) src(%dma_wait3A_120 : memref<128xi32, #tpu.memory_space<hbm>>) dst(%arg10 : memref<128xi32, #tpu.memory_space<vmem>>)
            tpu.yield
          }) : () -> ()
          "tpu.region"() ({
            %run_scoped3A = tpu.sem_alloc : memref<!tpu.dma_semaphore, #tpu.memory_space<semaphore_mem>>
            %dma_start3A_117 = tpu.memref_slice %arg5[%mul3A_110] : memref<160000xi32, #tpu.memory_space<hbm>> -> memref<128xi32, #tpu.memory_space<hbm>>
            %dma_start3A_118 = tpu.memref_slice %arg5[%mul3A_110] : memref<160000xi32, #tpu.memory_space<hbm>> -> memref<128xi32, #tpu.memory_space<hbm>>
            tpu.enqueue_dma source(%dma_start3A_118 : memref<128xi32, #tpu.memory_space<hbm>>) target(%arg11 : memref<128xi32, #tpu.memory_space<vmem>>) target_semaphore(%run_scoped3A : memref<!tpu.dma_semaphore, #tpu.memory_space<semaphore_mem>>)
            %dma_wait3A_119 = tpu.memref_slice %arg5[%mul3A_110] : memref<160000xi32, #tpu.memory_space<hbm>> -> memref<128xi32, #tpu.memory_space<hbm>>
            %dma_wait3A_120 = tpu.memref_slice %arg5[%mul3A_110] : memref<160000xi32, #tpu.memory_space<hbm>> -> memref<128xi32, #tpu.memory_space<hbm>>
            tpu.wait_dma2 semaphore(%run_scoped3A : memref<!tpu.dma_semaphore, #tpu.memory_space<semaphore_mem>>) src(%dma_wait3A_120 : memref<128xi32, #tpu.memory_space<hbm>>) dst(%arg11 : memref<128xi32, #tpu.memory_space<vmem>>)
            tpu.yield
          }) : () -> ()
          %dma_start3A_111 = arith.constant 0 : i32
          %dma_start3A_112 = arith.constant 0 : i32
          %dma_start3A_113 = tpu.memref_slice %arg2[%dma_start3A_111, %dma_start3A_112] : memref<10000x176xf32, #tpu.memory_space<hbm>> -> memref<10000x176xf32, #tpu.memory_space<hbm>>
          tpu.enqueue_indirect_dma source(%dma_start3A_113 : memref<10000x176xf32, #tpu.memory_space<hbm>>) target(%arg14 : memref<128x176xf32, #tpu.memory_space<vmem>>) offsets(%arg10 : memref<128xi32, #tpu.memory_space<vmem>>) semaphore(%arg17 : memref<!tpu.dma_semaphore, #tpu.memory_space<semaphore_mem>>)
          %dma_start3A_114 = arith.constant 0 : i32
          %dma_start3A_115 = arith.constant 0 : i32
          %dma_start3A_116 = tpu.memref_slice %arg3[%dma_start3A_114, %dma_start3A_115] : memref<10000x176xf32, #tpu.memory_space<hbm>> -> memref<10000x176xf32, #tpu.memory_space<hbm>>
          tpu.enqueue_indirect_dma source(%dma_start3A_116 : memref<10000x176xf32, #tpu.memory_space<hbm>>) target(%arg15 : memref<128x176xf32, #tpu.memory_space<vmem>>) offsets(%arg11 : memref<128xi32, #tpu.memory_space<vmem>>) semaphore(%arg17 : memref<!tpu.dma_semaphore, #tpu.memory_space<semaphore_mem>>)
        } else {
        }
        %dma_wait3A = arith.constant 0 : i32
        %dma_wait3A_70 = arith.constant 0 : i32
        %dma_wait3A_71 = tpu.memref_slice %arg2[%dma_wait3A, %dma_wait3A_70] : memref<10000x176xf32, #tpu.memory_space<hbm>> -> memref<10000x176xf32, #tpu.memory_space<hbm>>
        tpu.wait_indirect_dma semaphore(%arg16 : memref<!tpu.dma_semaphore, #tpu.memory_space<semaphore_mem>>) src(%dma_wait3A_71 : memref<10000x176xf32, #tpu.memory_space<hbm>>) dst(%arg12 : memref<128x176xf32, #tpu.memory_space<vmem>>)
        %dma_wait3A_72 = arith.constant 0 : i32
        %dma_wait3A_73 = arith.constant 0 : i32
        %dma_wait3A_74 = tpu.memref_slice %arg3[%dma_wait3A_72, %dma_wait3A_73] : memref<10000x176xf32, #tpu.memory_space<hbm>> -> memref<10000x176xf32, #tpu.memory_space<hbm>>
        tpu.wait_indirect_dma semaphore(%arg16 : memref<!tpu.dma_semaphore, #tpu.memory_space<semaphore_mem>>) src(%dma_wait3A_74 : memref<10000x176xf32, #tpu.memory_space<hbm>>) dst(%arg13 : memref<128x176xf32, #tpu.memory_space<vmem>>)
        %broadcast_in_dim3A = arith.constant 0.000000e+00 : f32
        %broadcast_in_dim3A_75 = vector.broadcast %broadcast_in_dim3A : f32 to vector<16xf32>
        %scan3A_76 = arith.constant 0 : i32
        %scan3A_77 = arith.constant 0 : i32
        %scan3A_78 = arith.constant 128 : i32
        %scan3A_79 = arith.addi %scan3A_77, %scan3A_78 : i32
        %scan3A_80 = arith.constant 1 : i32
        %scan3A_81 = scf.for %scan3A_106 = %scan3A_77 to %scan3A_79 step %scan3A_80 iter_args(%scan3A_107 = %scan3A_76) -> (i32)  : i32 {
          %get3A = arith.index_cast %scan3A_106 : i32 to index
          %get3A_108 = arith.constant 0 : index
          %get3A_109 = tpu.vector_load %arg12[%get3A, %get3A_108] {strides = array<i32>} : memref<128x176xf32, #tpu.memory_space<vmem>>, vector<1x16xf32>,
          %get3A_110 = vector.shape_cast %get3A_109 : vector<1x16xf32> to vector<16xf32>
          %get3A_111 = arith.index_cast %scan3A_106 : i32 to index
          %get3A_112 = arith.constant 0 : index
          %get3A_113 = tpu.vector_load %arg13[%get3A_111, %get3A_112] {strides = array<i32>} : memref<128x176xf32, #tpu.memory_space<vmem>>, vector<1x16xf32>,
          %get3A_114 = vector.shape_cast %get3A_113 : vector<1x16xf32> to vector<16xf32>
          %add3A_115 = arith.addf %get3A_110, %get3A_114 : vector<16xf32>
          %swap3A = arith.index_cast %scan3A_106 : i32 to index
          %swap3A_116 = arith.constant 0 : index
          %swap3A_117 = tpu.vector_load %arg12[%swap3A, %swap3A_116] {strides = array<i32>} : memref<128x176xf32, #tpu.memory_space<vmem>>, vector<1x16xf32>,
          %swap3A_118 = vector.shape_cast %swap3A_117 : vector<1x16xf32> to vector<16xf32>
          %swap3A_119 = vector.shape_cast %add3A_115 : vector<16xf32> to vector<1x16xf32>
          tpu.vector_store %arg12[%swap3A, %swap3A_116], %swap3A_119 {strides = array<i32>} : memref<128x176xf32, #tpu.memory_space<vmem>>, vector<1x16xf32>,
          %get3A_120 = arith.index_cast %scan3A_106 : i32 to index
          %get3A_121 = arith.constant 16 : index
          %get3A_122 = tpu.vector_load %arg12[%get3A_120, %get3A_121] {strides = array<i32>} : memref<128x176xf32, #tpu.memory_space<vmem>>, vector<1x16xf32>,
          %get3A_123 = vector.shape_cast %get3A_122 : vector<1x16xf32> to vector<16xf32>
          %get3A_124 = arith.index_cast %scan3A_106 : i32 to index
          %get3A_125 = arith.constant 16 : index
          %get3A_126 = tpu.vector_load %arg13[%get3A_124, %get3A_125] {strides = array<i32>} : memref<128x176xf32, #tpu.memory_space<vmem>>, vector<1x16xf32>,
          %get3A_127 = vector.shape_cast %get3A_126 : vector<1x16xf32> to vector<16xf32>
          %add3A_128 = arith.addf %get3A_123, %get3A_127 : vector<16xf32>
          %swap3A_129 = arith.index_cast %scan3A_106 : i32 to index
          %swap3A_130 = arith.constant 16 : index
          %swap3A_131 = tpu.vector_load %arg12[%swap3A_129, %swap3A_130] {strides = array<i32>} : memref<128x176xf32, #tpu.memory_space<vmem>>, vector<1x16xf32>,
          %swap3A_132 = vector.shape_cast %swap3A_131 : vector<1x16xf32> to vector<16xf32>
          %swap3A_133 = vector.shape_cast %add3A_128 : vector<16xf32> to vector<1x16xf32>
          tpu.vector_store %arg12[%swap3A_129, %swap3A_130], %swap3A_133 {strides = array<i32>} : memref<128x176xf32, #tpu.memory_space<vmem>>, vector<1x16xf32>,
          %get3A_134 = arith.index_cast %scan3A_106 : i32 to index
          %get3A_135 = arith.constant 32 : index
          %get3A_136 = tpu.vector_load %arg12[%get3A_134, %get3A_135] {strides = array<i32>} : memref<128x176xf32, #tpu.memory_space<vmem>>, vector<1x16xf32>,
          %get3A_137 = vector.shape_cast %get3A_136 : vector<1x16xf32> to vector<16xf32>
          %get3A_138 = arith.index_cast %scan3A_106 : i32 to index
          %get3A_139 = arith.constant 32 : index
          %get3A_140 = tpu.vector_load %arg13[%get3A_138, %get3A_139] {strides = array<i32>} : memref<128x176xf32, #tpu.memory_space<vmem>>, vector<1x16xf32>,
          %get3A_141 = vector.shape_cast %get3A_140 : vector<1x16xf32> to vector<16xf32>
          %add3A_142 = arith.addf %get3A_137, %get3A_141 : vector<16xf32>
          %swap3A_143 = arith.index_cast %scan3A_106 : i32 to index
          %swap3A_144 = arith.constant 32 : index
          %swap3A_145 = tpu.vector_load %arg12[%swap3A_143, %swap3A_144] {strides = array<i32>} : memref<128x176xf32, #tpu.memory_space<vmem>>, vector<1x16xf32>,
          %swap3A_146 = vector.shape_cast %swap3A_145 : vector<1x16xf32> to vector<16xf32>
          %swap3A_147 = vector.shape_cast %add3A_142 : vector<16xf32> to vector<1x16xf32>
          tpu.vector_store %arg12[%swap3A_143, %swap3A_144], %swap3A_147 {strides = array<i32>} : memref<128x176xf32, #tpu.memory_space<vmem>>, vector<1x16xf32>,
          %get3A_148 = arith.index_cast %scan3A_106 : i32 to index
          %get3A_149 = arith.constant 48 : index
          %get3A_150 = tpu.vector_load %arg12[%get3A_148, %get3A_149] {strides = array<i32>} : memref<128x176xf32, #tpu.memory_space<vmem>>, vector<1x16xf32>,
          %get3A_151 = vector.shape_cast %get3A_150 : vector<1x16xf32> to vector<16xf32>
          %get3A_152 = arith.index_cast %scan3A_106 : i32 to index
          %get3A_153 = arith.constant 48 : index
          %get3A_154 = tpu.vector_load %arg13[%get3A_152, %get3A_153] {strides = array<i32>} : memref<128x176xf32, #tpu.memory_space<vmem>>, vector<1x16xf32>,
          %get3A_155 = vector.shape_cast %get3A_154 : vector<1x16xf32> to vector<16xf32>
          %add3A_156 = arith.addf %get3A_151, %get3A_155 : vector<16xf32>
          %swap3A_157 = arith.index_cast %scan3A_106 : i32 to index
          %swap3A_158 = arith.constant 48 : index
          %swap3A_159 = tpu.vector_load %arg12[%swap3A_157, %swap3A_158] {strides = array<i32>} : memref<128x176xf32, #tpu.memory_space<vmem>>, vector<1x16xf32>,
          %swap3A_160 = vector.shape_cast %swap3A_159 : vector<1x16xf32> to vector<16xf32>
          %swap3A_161 = vector.shape_cast %add3A_156 : vector<16xf32> to vector<1x16xf32>
          tpu.vector_store %arg12[%swap3A_157, %swap3A_158], %swap3A_161 {strides = array<i32>} : memref<128x176xf32, #tpu.memory_space<vmem>>, vector<1x16xf32>,
          %get3A_162 = arith.index_cast %scan3A_106 : i32 to index
          %get3A_163 = arith.constant 64 : index
          %get3A_164 = tpu.vector_load %arg12[%get3A_162, %get3A_163] {strides = array<i32>} : memref<128x176xf32, #tpu.memory_space<vmem>>, vector<1x16xf32>,
          %get3A_165 = vector.shape_cast %get3A_164 : vector<1x16xf32> to vector<16xf32>
          %get3A_166 = arith.index_cast %scan3A_106 : i32 to index
          %get3A_167 = arith.constant 64 : index
          %get3A_168 = tpu.vector_load %arg13[%get3A_166, %get3A_167] {strides = array<i32>} : memref<128x176xf32, #tpu.memory_space<vmem>>, vector<1x16xf32>,
          %get3A_169 = vector.shape_cast %get3A_168 : vector<1x16xf32> to vector<16xf32>
          %add3A_170 = arith.addf %get3A_165, %get3A_169 : vector<16xf32>
          %swap3A_171 = arith.index_cast %scan3A_106 : i32 to index
          %swap3A_172 = arith.constant 64 : index
          %swap3A_173 = tpu.vector_load %arg12[%swap3A_171, %swap3A_172] {strides = array<i32>} : memref<128x176xf32, #tpu.memory_space<vmem>>, vector<1x16xf32>,
          %swap3A_174 = vector.shape_cast %swap3A_173 : vector<1x16xf32> to vector<16xf32>
          %swap3A_175 = vector.shape_cast %add3A_170 : vector<16xf32> to vector<1x16xf32>
          tpu.vector_store %arg12[%swap3A_171, %swap3A_172], %swap3A_175 {strides = array<i32>} : memref<128x176xf32, #tpu.memory_space<vmem>>, vector<1x16xf32>,
          %get3A_176 = arith.index_cast %scan3A_106 : i32 to index
          %get3A_177 = arith.constant 80 : index
          %get3A_178 = tpu.vector_load %arg12[%get3A_176, %get3A_177] {strides = array<i32>} : memref<128x176xf32, #tpu.memory_space<vmem>>, vector<1x16xf32>,
          %get3A_179 = vector.shape_cast %get3A_178 : vector<1x16xf32> to vector<16xf32>
          %get3A_180 = arith.index_cast %scan3A_106 : i32 to index
          %get3A_181 = arith.constant 80 : index
          %get3A_182 = tpu.vector_load %arg13[%get3A_180, %get3A_181] {strides = array<i32>} : memref<128x176xf32, #tpu.memory_space<vmem>>, vector<1x16xf32>,
          %get3A_183 = vector.shape_cast %get3A_182 : vector<1x16xf32> to vector<16xf32>
          %add3A_184 = arith.addf %get3A_179, %get3A_183 : vector<16xf32>
          %swap3A_185 = arith.index_cast %scan3A_106 : i32 to index
          %swap3A_186 = arith.constant 80 : index
          %swap3A_187 = tpu.vector_load %arg12[%swap3A_185, %swap3A_186] {strides = array<i32>} : memref<128x176xf32, #tpu.memory_space<vmem>>, vector<1x16xf32>,
          %swap3A_188 = vector.shape_cast %swap3A_187 : vector<1x16xf32> to vector<16xf32>
          %swap3A_189 = vector.shape_cast %add3A_184 : vector<16xf32> to vector<1x16xf32>
          tpu.vector_store %arg12[%swap3A_185, %swap3A_186], %swap3A_189 {strides = array<i32>} : memref<128x176xf32, #tpu.memory_space<vmem>>, vector<1x16xf32>,
          %get3A_190 = arith.index_cast %scan3A_106 : i32 to index
          %get3A_191 = arith.constant 96 : index
          %get3A_192 = tpu.vector_load %arg12[%get3A_190, %get3A_191] {strides = array<i32>} : memref<128x176xf32, #tpu.memory_space<vmem>>, vector<1x16xf32>,
          %get3A_193 = vector.shape_cast %get3A_192 : vector<1x16xf32> to vector<16xf32>
          %get3A_194 = arith.index_cast %scan3A_106 : i32 to index
          %get3A_195 = arith.constant 96 : index
          %get3A_196 = tpu.vector_load %arg13[%get3A_194, %get3A_195] {strides = array<i32>} : memref<128x176xf32, #tpu.memory_space<vmem>>, vector<1x16xf32>,
          %get3A_197 = vector.shape_cast %get3A_196 : vector<1x16xf32> to vector<16xf32>
          %add3A_198 = arith.addf %get3A_193, %get3A_197 : vector<16xf32>
          %swap3A_199 = arith.index_cast %scan3A_106 : i32 to index
          %swap3A_200 = arith.constant 96 : index
          %swap3A_201 = tpu.vector_load %arg12[%swap3A_199, %swap3A_200] {strides = array<i32>} : memref<128x176xf32, #tpu.memory_space<vmem>>, vector<1x16xf32>,
          %swap3A_202 = vector.shape_cast %swap3A_201 : vector<1x16xf32> to vector<16xf32>
          %swap3A_203 = vector.shape_cast %add3A_198 : vector<16xf32> to vector<1x16xf32>
          tpu.vector_store %arg12[%swap3A_199, %swap3A_200], %swap3A_203 {strides = array<i32>} : memref<128x176xf32, #tpu.memory_space<vmem>>, vector<1x16xf32>,
          %get3A_204 = arith.index_cast %scan3A_106 : i32 to index
          %get3A_205 = arith.constant 112 : index
          %get3A_206 = tpu.vector_load %arg12[%get3A_204, %get3A_205] {strides = array<i32>} : memref<128x176xf32, #tpu.memory_space<vmem>>, vector<1x16xf32>,
          %get3A_207 = vector.shape_cast %get3A_206 : vector<1x16xf32> to vector<16xf32>
          %get3A_208 = arith.index_cast %scan3A_106 : i32 to index
          %get3A_209 = arith.constant 112 : index
          %get3A_210 = tpu.vector_load %arg13[%get3A_208, %get3A_209] {strides = array<i32>} : memref<128x176xf32, #tpu.memory_space<vmem>>, vector<1x16xf32>,
          %get3A_211 = vector.shape_cast %get3A_210 : vector<1x16xf32> to vector<16xf32>
          %add3A_212 = arith.addf %get3A_207, %get3A_211 : vector<16xf32>
          %swap3A_213 = arith.index_cast %scan3A_106 : i32 to index
          %swap3A_214 = arith.constant 112 : index
          %swap3A_215 = tpu.vector_load %arg12[%swap3A_213, %swap3A_214] {strides = array<i32>} : memref<128x176xf32, #tpu.memory_space<vmem>>, vector<1x16xf32>,
          %swap3A_216 = vector.shape_cast %swap3A_215 : vector<1x16xf32> to vector<16xf32>
          %swap3A_217 = vector.shape_cast %add3A_212 : vector<16xf32> to vector<1x16xf32>
          tpu.vector_store %arg12[%swap3A_213, %swap3A_214], %swap3A_217 {strides = array<i32>} : memref<128x176xf32, #tpu.memory_space<vmem>>, vector<1x16xf32>,
          %get3A_218 = arith.index_cast %scan3A_106 : i32 to index
          %get3A_219 = arith.constant 128 : index
          %get3A_220 = tpu.vector_load %arg12[%get3A_218, %get3A_219] {strides = array<i32>} : memref<128x176xf32, #tpu.memory_space<vmem>>, vector<1x16xf32>,
          %get3A_221 = vector.shape_cast %get3A_220 : vector<1x16xf32> to vector<16xf32>
          %swap3A_222 = arith.index_cast %scan3A_106 : i32 to index
          %swap3A_223 = arith.constant 0 : index
          %swap3A_224 = tpu.vector_load %arg13[%swap3A_222, %swap3A_223] {strides = array<i32>} : memref<128x176xf32, #tpu.memory_space<vmem>>, vector<1x16xf32>,
          %swap3A_225 = vector.shape_cast %swap3A_224 : vector<1x16xf32> to vector<16xf32>
          %swap3A_226 = vector.shape_cast %get3A_221 : vector<16xf32> to vector<1x16xf32>
          tpu.vector_store %arg13[%swap3A_222, %swap3A_223], %swap3A_226 {strides = array<i32>} : memref<128x176xf32, #tpu.memory_space<vmem>>, vector<1x16xf32>,
          %get3A_227 = arith.index_cast %scan3A_106 : i32 to index
          %get3A_228 = arith.constant 128 : index
          %get3A_229 = tpu.vector_load %arg13[%get3A_227, %get3A_228] {strides = array<i32>} : memref<128x176xf32, #tpu.memory_space<vmem>>, vector<1x16xf32>,
          %get3A_230 = vector.shape_cast %get3A_229 : vector<1x16xf32> to vector<16xf32>
          %swap3A_231 = arith.index_cast %scan3A_106 : i32 to index
          %swap3A_232 = arith.constant 48 : index
          %swap3A_233 = tpu.vector_load %arg13[%swap3A_231, %swap3A_232] {strides = array<i32>} : memref<128x176xf32, #tpu.memory_space<vmem>>, vector<1x16xf32>,
          %swap3A_234 = vector.shape_cast %swap3A_233 : vector<1x16xf32> to vector<16xf32>
          %swap3A_235 = vector.shape_cast %get3A_230 : vector<16xf32> to vector<1x16xf32>
          tpu.vector_store %arg13[%swap3A_231, %swap3A_232], %swap3A_235 {strides = array<i32>} : memref<128x176xf32, #tpu.memory_space<vmem>>, vector<1x16xf32>,
          %get3A_236 = arith.index_cast %scan3A_106 : i32 to index
          %get3A_237 = arith.constant 144 : index
          %get3A_238 = tpu.vector_load %arg12[%get3A_236, %get3A_237] {strides = array<i32>} : memref<128x176xf32, #tpu.memory_space<vmem>>, vector<1x16xf32>,
          %get3A_239 = vector.shape_cast %get3A_238 : vector<1x16xf32> to vector<16xf32>
          %swap3A_240 = arith.index_cast %scan3A_106 : i32 to index
          %swap3A_241 = arith.constant 16 : index
          %swap3A_242 = tpu.vector_load %arg13[%swap3A_240, %swap3A_241] {strides = array<i32>} : memref<128x176xf32, #tpu.memory_space<vmem>>, vector<1x16xf32>,
          %swap3A_243 = vector.shape_cast %swap3A_242 : vector<1x16xf32> to vector<16xf32>
          %swap3A_244 = vector.shape_cast %get3A_239 : vector<16xf32> to vector<1x16xf32>
          tpu.vector_store %arg13[%swap3A_240, %swap3A_241], %swap3A_244 {strides = array<i32>} : memref<128x176xf32, #tpu.memory_space<vmem>>, vector<1x16xf32>,
          %get3A_245 = arith.index_cast %scan3A_106 : i32 to index
          %get3A_246 = arith.constant 144 : index
          %get3A_247 = tpu.vector_load %arg13[%get3A_245, %get3A_246] {strides = array<i32>} : memref<128x176xf32, #tpu.memory_space<vmem>>, vector<1x16xf32>,
          %get3A_248 = vector.shape_cast %get3A_247 : vector<1x16xf32> to vector<16xf32>
          %swap3A_249 = arith.index_cast %scan3A_106 : i32 to index
          %swap3A_250 = arith.constant 64 : index
          %swap3A_251 = tpu.vector_load %arg13[%swap3A_249, %swap3A_250] {strides = array<i32>} : memref<128x176xf32, #tpu.memory_space<vmem>>, vector<1x16xf32>,
          %swap3A_252 = vector.shape_cast %swap3A_251 : vector<1x16xf32> to vector<16xf32>
          %swap3A_253 = vector.shape_cast %get3A_248 : vector<16xf32> to vector<1x16xf32>
          tpu.vector_store %arg13[%swap3A_249, %swap3A_250], %swap3A_253 {strides = array<i32>} : memref<128x176xf32, #tpu.memory_space<vmem>>, vector<1x16xf32>,
          %get3A_254 = arith.index_cast %scan3A_106 : i32 to index
          %get3A_255 = arith.constant 160 : index
          %get3A_256 = tpu.vector_load %arg12[%get3A_254, %get3A_255] {strides = array<i32>} : memref<128x176xf32, #tpu.memory_space<vmem>>, vector<1x16xf32>,
          %get3A_257 = vector.shape_cast %get3A_256 : vector<1x16xf32> to vector<16xf32>
          %swap3A_258 = arith.index_cast %scan3A_106 : i32 to index
          %swap3A_259 = arith.constant 32 : index
          %swap3A_260 = tpu.vector_load %arg13[%swap3A_258, %swap3A_259] {strides = array<i32>} : memref<128x176xf32, #tpu.memory_space<vmem>>, vector<1x16xf32>,
          %swap3A_261 = vector.shape_cast %swap3A_260 : vector<1x16xf32> to vector<16xf32>
          %swap3A_262 = vector.shape_cast %get3A_257 : vector<16xf32> to vector<1x16xf32>
          tpu.vector_store %arg13[%swap3A_258, %swap3A_259], %swap3A_262 {strides = array<i32>} : memref<128x176xf32, #tpu.memory_space<vmem>>, vector<1x16xf32>,
          %get3A_263 = arith.index_cast %scan3A_106 : i32 to index
          %get3A_264 = arith.constant 160 : index
          %get3A_265 = tpu.vector_load %arg13[%get3A_263, %get3A_264] {strides = array<i32>} : memref<128x176xf32, #tpu.memory_space<vmem>>, vector<1x16xf32>,
          %get3A_266 = vector.shape_cast %get3A_265 : vector<1x16xf32> to vector<16xf32>
          %swap3A_267 = arith.index_cast %scan3A_106 : i32 to index
          %swap3A_268 = arith.constant 80 : index
          %swap3A_269 = tpu.vector_load %arg13[%swap3A_267, %swap3A_268] {strides = array<i32>} : memref<128x176xf32, #tpu.memory_space<vmem>>, vector<1x16xf32>,
          %swap3A_270 = vector.shape_cast %swap3A_269 : vector<1x16xf32> to vector<16xf32>
          %swap3A_271 = vector.shape_cast %get3A_266 : vector<16xf32> to vector<1x16xf32>
          tpu.vector_store %arg13[%swap3A_267, %swap3A_268], %swap3A_271 {strides = array<i32>} : memref<128x176xf32, #tpu.memory_space<vmem>>, vector<1x16xf32>,
          %swap3A_272 = arith.index_cast %scan3A_106 : i32 to index
          %swap3A_273 = arith.constant 96 : index
          %swap3A_274 = tpu.vector_load %arg13[%swap3A_272, %swap3A_273] {strides = array<i32>} : memref<128x176xf32, #tpu.memory_space<vmem>>, vector<1x16xf32>,
          %swap3A_275 = vector.shape_cast %swap3A_274 : vector<1x16xf32> to vector<16xf32>
          %swap3A_276 = vector.shape_cast %broadcast_in_dim3A_75 : vector<16xf32> to vector<1x16xf32>
          tpu.vector_store %arg13[%swap3A_272, %swap3A_273], %swap3A_276 {strides = array<i32>} : memref<128x176xf32, #tpu.memory_space<vmem>>, vector<1x16xf32>,
          %swap3A_277 = arith.index_cast %scan3A_106 : i32 to index
          %swap3A_278 = arith.constant 112 : index
          %swap3A_279 = tpu.vector_load %arg13[%swap3A_277, %swap3A_278] {strides = array<i32>} : memref<128x176xf32, #tpu.memory_space<vmem>>, vector<1x16xf32>,
          %swap3A_280 = vector.shape_cast %swap3A_279 : vector<1x16xf32> to vector<16xf32>
          %swap3A_281 = vector.shape_cast %broadcast_in_dim3A_75 : vector<16xf32> to vector<1x16xf32>
          tpu.vector_store %arg13[%swap3A_277, %swap3A_278], %swap3A_281 {strides = array<i32>} : memref<128x176xf32, #tpu.memory_space<vmem>>, vector<1x16xf32>,
          %scan3A_282 = arith.constant 0 : i32
          scf.yield %scan3A_282 : i32
        }
        %scan3A_82 = arith.constant 128 : i32
        %add3A_83 = arith.addi %add3A_6, %mul3A_46 : i32
        %mul3A_84 = arith.constant 128 : i32
        %mul3A_85 = arith.muli %add3A_83, %mul3A_84 : i32
        %dma_start3A_86 = arith.constant 0 : i32
        %dma_start3A_87 = arith.constant 0 : i32
        %dma_start3A_88 = tpu.memref_slice %arg12[%dma_start3A_86, %dma_start3A_87] : memref<128x176xf32, #tpu.memory_space<vmem>> -> memref<128x128xf32, #tpu.memory_space<vmem>>
        %dma_start3A_89 = arith.constant 0 : i32
        %dma_start3A_90 = tpu.memref_slice %arg6[%mul3A_85, %dma_start3A_89] : memref<160000x128xf32, #tpu.memory_space<hbm>> -> memref<128x128xf32, #tpu.memory_space<hbm>>
        %dma_start3A_91 = arith.constant 0 : i32
        %dma_start3A_92 = tpu.memref_slice %arg6[%mul3A_85, %dma_start3A_91] : memref<160000x128xf32, #tpu.memory_space<hbm>> -> memref<128x128xf32, #tpu.memory_space<hbm>>
        %dma_start3A_93 = arith.constant 0 : i32
        %dma_start3A_94 = arith.constant 0 : i32
        %dma_start3A_95 = tpu.memref_slice %arg12[%dma_start3A_93, %dma_start3A_94] : memref<128x176xf32, #tpu.memory_space<vmem>> -> memref<128x128xf32, #tpu.memory_space<vmem>>
        tpu.enqueue_dma source(%dma_start3A_95 : memref<128x128xf32, #tpu.memory_space<vmem>>) target(%dma_start3A_92 : memref<128x128xf32, #tpu.memory_space<hbm>>) target_semaphore(%arg18 : memref<!tpu.dma_semaphore, #tpu.memory_space<semaphore_mem>>)
        %dma_start3A_96 = arith.constant 0 : i32
        %dma_start3A_97 = arith.constant 0 : i32
        %dma_start3A_98 = tpu.memref_slice %arg13[%dma_start3A_96, %dma_start3A_97] : memref<128x176xf32, #tpu.memory_space<vmem>> -> memref<128x128xf32, #tpu.memory_space<vmem>>
        %dma_start3A_99 = arith.constant 0 : i32
        %dma_start3A_100 = tpu.memref_slice %arg7[%mul3A_85, %dma_start3A_99] : memref<160000x128xf32, #tpu.memory_space<hbm>> -> memref<128x128xf32, #tpu.memory_space<hbm>>
        %dma_start3A_101 = arith.constant 0 : i32
        %dma_start3A_102 = tpu.memref_slice %arg7[%mul3A_85, %dma_start3A_101] : memref<160000x128xf32, #tpu.memory_space<hbm>> -> memref<128x128xf32, #tpu.memory_space<hbm>>
        %dma_start3A_103 = arith.constant 0 : i32
        %dma_start3A_104 = arith.constant 0 : i32
        %dma_start3A_105 = tpu.memref_slice %arg13[%dma_start3A_103, %dma_start3A_104] : memref<128x176xf32, #tpu.memory_space<vmem>> -> memref<128x128xf32, #tpu.memory_space<vmem>>
        tpu.enqueue_dma source(%dma_start3A_105 : memref<128x128xf32, #tpu.memory_space<vmem>>) target(%dma_start3A_102 : memref<128x128xf32, #tpu.memory_space<hbm>>) target_semaphore(%arg18 : memref<!tpu.dma_semaphore, #tpu.memory_space<semaphore_mem>>)
      } else {
      }
      %mul3A_51 = arith.constant 2 : i32
      %mul3A_52 = arith.muli %mul3A_51, %scan3A_43 : i32
      %add3A_53 = arith.constant 1 : i32
      %add3A_54 = arith.addi %mul3A_52, %add3A_53 : i32
      %lt3A_55 = arith.cmpi slt, %add3A_54, %select_n3A : i32
      %convert_element_type3A_56 = arith.extui %lt3A_55 : i1 to i32
      %cond3A_57 = arith.constant 0 : i32
      %cond3A_58 = arith.cmpi ne, %convert_element_type3A_56, %cond3A_57 : i32
      scf.if %cond3A_58 {
        %ge3A = arith.constant 1 : i32
        %ge3A_60 = arith.cmpi sge, %add3A_54, %ge3A : i32
        %convert_element_type3A_61 = arith.extui %ge3A_60 : i1 to i32
        %cond3A_62 = arith.constant 0 : i32
        %cond3A_63 = arith.cmpi ne, %convert_element_type3A_61, %cond3A_62 : i32
        scf.if %cond3A_63 {
          %dma_wait3A_106 = arith.constant 0 : i32
          %dma_wait3A_107 = arith.constant 0 : i32
          %dma_wait3A_108 = tpu.memref_slice %arg12[%dma_wait3A_106, %dma_wait3A_107] : memref<128x176xf32, #tpu.memory_space<vmem>> -> memref<128x128xf32, #tpu.memory_space<vmem>>
          %dma_wait3A_109 = arith.constant 0 : i32
          %dma_wait3A_110 = arith.constant 0 : i32
          %dma_wait3A_111 = tpu.memref_slice %arg6[%dma_wait3A_109, %dma_wait3A_110] : memref<160000x128xf32, #tpu.memory_space<hbm>> -> memref<128x128xf32, #tpu.memory_space<hbm>>
          %dma_wait3A_112 = arith.constant 0 : i32
          %dma_wait3A_113 = arith.constant 0 : i32
          %dma_wait3A_114 = tpu.memref_slice %arg6[%dma_wait3A_112, %dma_wait3A_113] : memref<160000x128xf32, #tpu.memory_space<hbm>> -> memref<128x128xf32, #tpu.memory_space<hbm>>
          %dma_wait3A_115 = arith.constant 0 : i32
          %dma_wait3A_116 = arith.constant 0 : i32
          %dma_wait3A_117 = tpu.memref_slice %arg12[%dma_wait3A_115, %dma_wait3A_116] : memref<128x176xf32, #tpu.memory_space<vmem>> -> memref<128x128xf32, #tpu.memory_space<vmem>>
          tpu.wait_dma2 semaphore(%arg18 : memref<!tpu.dma_semaphore, #tpu.memory_space<semaphore_mem>>) src(%dma_wait3A_117 : memref<128x128xf32, #tpu.memory_space<vmem>>) dst(%dma_wait3A_114 : memref<128x128xf32, #tpu.memory_space<hbm>>)
          %dma_wait3A_118 = arith.constant 0 : i32
          %dma_wait3A_119 = arith.constant 0 : i32
          %dma_wait3A_120 = tpu.memref_slice %arg13[%dma_wait3A_118, %dma_wait3A_119] : memref<128x176xf32, #tpu.memory_space<vmem>> -> memref<128x128xf32, #tpu.memory_space<vmem>>
          %dma_wait3A_121 = arith.constant 0 : i32
          %dma_wait3A_122 = arith.constant 0 : i32
          %dma_wait3A_123 = tpu.memref_slice %arg7[%dma_wait3A_121, %dma_wait3A_122] : memref<160000x128xf32, #tpu.memory_space<hbm>> -> memref<128x128xf32, #tpu.memory_space<hbm>>
          %dma_wait3A_124 = arith.constant 0 : i32
          %dma_wait3A_125 = arith.constant 0 : i32
          %dma_wait3A_126 = tpu.memref_slice %arg7[%dma_wait3A_124, %dma_wait3A_125] : memref<160000x128xf32, #tpu.memory_space<hbm>> -> memref<128x128xf32, #tpu.memory_space<hbm>>
          %dma_wait3A_127 = arith.constant 0 : i32
          %dma_wait3A_128 = arith.constant 0 : i32
          %dma_wait3A_129 = tpu.memref_slice %arg13[%dma_wait3A_127, %dma_wait3A_128] : memref<128x176xf32, #tpu.memory_space<vmem>> -> memref<128x128xf32, #tpu.memory_space<vmem>>
          tpu.wait_dma2 semaphore(%arg18 : memref<!tpu.dma_semaphore, #tpu.memory_space<semaphore_mem>>) src(%dma_wait3A_129 : memref<128x128xf32, #tpu.memory_space<vmem>>) dst(%dma_wait3A_126 : memref<128x128xf32, #tpu.memory_space<hbm>>)
        } else {
        }
        %add3A_64 = arith.constant 1 : i32
        %add3A_65 = arith.addi %add3A_54, %add3A_64 : i32
        %lt3A_66 = arith.cmpi slt, %add3A_65, %select_n3A : i32
        %convert_element_type3A_67 = arith.extui %lt3A_66 : i1 to i32
        %cond3A_68 = arith.constant 0 : i32
        %cond3A_69 = arith.cmpi ne, %convert_element_type3A_67, %cond3A_68 : i32
        scf.if %cond3A_69 {
          %add3A_106 = arith.constant 1 : i32
          %add3A_107 = arith.addi %add3A_54, %add3A_106 : i32
          %add3A_108 = arith.addi %add3A_6, %add3A_107 : i32
          %mul3A_109 = arith.constant 128 : i32
          %mul3A_110 = arith.muli %add3A_108, %mul3A_109 : i32
          "tpu.region"() ({
            %run_scoped3A = tpu.sem_alloc : memref<!tpu.dma_semaphore, #tpu.memory_space<semaphore_mem>>
            %dma_start3A_117 = tpu.memref_slice %arg4[%mul3A_110] : memref<160000xi32, #tpu.memory_space<hbm>> -> memref<128xi32, #tpu.memory_space<hbm>>
            %dma_start3A_118 = tpu.memref_slice %arg4[%mul3A_110] : memref<160000xi32, #tpu.memory_space<hbm>> -> memref<128xi32, #tpu.memory_space<hbm>>
            tpu.enqueue_dma source(%dma_start3A_118 : memref<128xi32, #tpu.memory_space<hbm>>) target(%arg8 : memref<128xi32, #tpu.memory_space<vmem>>) target_semaphore(%run_scoped3A : memref<!tpu.dma_semaphore, #tpu.memory_space<semaphore_mem>>)
            %dma_wait3A_119 = tpu.memref_slice %arg4[%mul3A_110] : memref<160000xi32, #tpu.memory_space<hbm>> -> memref<128xi32, #tpu.memory_space<hbm>>
            %dma_wait3A_120 = tpu.memref_slice %arg4[%mul3A_110] : memref<160000xi32, #tpu.memory_space<hbm>> -> memref<128xi32, #tpu.memory_space<hbm>>
            tpu.wait_dma2 semaphore(%run_scoped3A : memref<!tpu.dma_semaphore, #tpu.memory_space<semaphore_mem>>) src(%dma_wait3A_120 : memref<128xi32, #tpu.memory_space<hbm>>) dst(%arg8 : memref<128xi32, #tpu.memory_space<vmem>>)
            tpu.yield
          }) : () -> ()
          "tpu.region"() ({
            %run_scoped3A = tpu.sem_alloc : memref<!tpu.dma_semaphore, #tpu.memory_space<semaphore_mem>>
            %dma_start3A_117 = tpu.memref_slice %arg5[%mul3A_110] : memref<160000xi32, #tpu.memory_space<hbm>> -> memref<128xi32, #tpu.memory_space<hbm>>
            %dma_start3A_118 = tpu.memref_slice %arg5[%mul3A_110] : memref<160000xi32, #tpu.memory_space<hbm>> -> memref<128xi32, #tpu.memory_space<hbm>>
            tpu.enqueue_dma source(%dma_start3A_118 : memref<128xi32, #tpu.memory_space<hbm>>) target(%arg9 : memref<128xi32, #tpu.memory_space<vmem>>) target_semaphore(%run_scoped3A : memref<!tpu.dma_semaphore, #tpu.memory_space<semaphore_mem>>)
            %dma_wait3A_119 = tpu.memref_slice %arg5[%mul3A_110] : memref<160000xi32, #tpu.memory_space<hbm>> -> memref<128xi32, #tpu.memory_space<hbm>>
            %dma_wait3A_120 = tpu.memref_slice %arg5[%mul3A_110] : memref<160000xi32, #tpu.memory_space<hbm>> -> memref<128xi32, #tpu.memory_space<hbm>>
            tpu.wait_dma2 semaphore(%run_scoped3A : memref<!tpu.dma_semaphore, #tpu.memory_space<semaphore_mem>>) src(%dma_wait3A_120 : memref<128xi32, #tpu.memory_space<hbm>>) dst(%arg9 : memref<128xi32, #tpu.memory_space<vmem>>)
            tpu.yield
          }) : () -> ()
          %dma_start3A_111 = arith.constant 0 : i32
          %dma_start3A_112 = arith.constant 0 : i32
          %dma_start3A_113 = tpu.memref_slice %arg2[%dma_start3A_111, %dma_start3A_112] : memref<10000x176xf32, #tpu.memory_space<hbm>> -> memref<10000x176xf32, #tpu.memory_space<hbm>>
          tpu.enqueue_indirect_dma source(%dma_start3A_113 : memref<10000x176xf32, #tpu.memory_space<hbm>>) target(%arg12 : memref<128x176xf32, #tpu.memory_space<vmem>>) offsets(%arg8 : memref<128xi32, #tpu.memory_space<vmem>>) semaphore(%arg16 : memref<!tpu.dma_semaphore, #tpu.memory_space<semaphore_mem>>)
          %dma_start3A_114 = arith.constant 0 : i32
          %dma_start3A_115 = arith.constant 0 : i32
          %dma_start3A_116 = tpu.memref_slice %arg3[%dma_start3A_114, %dma_start3A_115] : memref<10000x176xf32, #tpu.memory_space<hbm>> -> memref<10000x176xf32, #tpu.memory_space<hbm>>
          tpu.enqueue_indirect_dma source(%dma_start3A_116 : memref<10000x176xf32, #tpu.memory_space<hbm>>) target(%arg13 : memref<128x176xf32, #tpu.memory_space<vmem>>) offsets(%arg9 : memref<128xi32, #tpu.memory_space<vmem>>) semaphore(%arg16 : memref<!tpu.dma_semaphore, #tpu.memory_space<semaphore_mem>>)
        } else {
        }
        %dma_wait3A = arith.constant 0 : i32
        %dma_wait3A_70 = arith.constant 0 : i32
        %dma_wait3A_71 = tpu.memref_slice %arg2[%dma_wait3A, %dma_wait3A_70] : memref<10000x176xf32, #tpu.memory_space<hbm>> -> memref<10000x176xf32, #tpu.memory_space<hbm>>
        tpu.wait_indirect_dma semaphore(%arg17 : memref<!tpu.dma_semaphore, #tpu.memory_space<semaphore_mem>>) src(%dma_wait3A_71 : memref<10000x176xf32, #tpu.memory_space<hbm>>) dst(%arg14 : memref<128x176xf32, #tpu.memory_space<vmem>>)
        %dma_wait3A_72 = arith.constant 0 : i32
        %dma_wait3A_73 = arith.constant 0 : i32
        %dma_wait3A_74 = tpu.memref_slice %arg3[%dma_wait3A_72, %dma_wait3A_73] : memref<10000x176xf32, #tpu.memory_space<hbm>> -> memref<10000x176xf32, #tpu.memory_space<hbm>>
        tpu.wait_indirect_dma semaphore(%arg17 : memref<!tpu.dma_semaphore, #tpu.memory_space<semaphore_mem>>) src(%dma_wait3A_74 : memref<10000x176xf32, #tpu.memory_space<hbm>>) dst(%arg15 : memref<128x176xf32, #tpu.memory_space<vmem>>)
        %broadcast_in_dim3A = arith.constant 0.000000e+00 : f32
        %broadcast_in_dim3A_75 = vector.broadcast %broadcast_in_dim3A : f32 to vector<16xf32>
        %scan3A_76 = arith.constant 0 : i32
        %scan3A_77 = arith.constant 0 : i32
        %scan3A_78 = arith.constant 128 : i32
        %scan3A_79 = arith.addi %scan3A_77, %scan3A_78 : i32
        %scan3A_80 = arith.constant 1 : i32
        %scan3A_81 = scf.for %scan3A_106 = %scan3A_77 to %scan3A_79 step %scan3A_80 iter_args(%scan3A_107 = %scan3A_76) -> (i32)  : i32 {
          %get3A = arith.index_cast %scan3A_106 : i32 to index
          %get3A_108 = arith.constant 0 : index
          %get3A_109 = tpu.vector_load %arg14[%get3A, %get3A_108] {strides = array<i32>} : memref<128x176xf32, #tpu.memory_space<vmem>>, vector<1x16xf32>,
          %get3A_110 = vector.shape_cast %get3A_109 : vector<1x16xf32> to vector<16xf32>
          %get3A_111 = arith.index_cast %scan3A_106 : i32 to index
          %get3A_112 = arith.constant 0 : index
          %get3A_113 = tpu.vector_load %arg15[%get3A_111, %get3A_112] {strides = array<i32>} : memref<128x176xf32, #tpu.memory_space<vmem>>, vector<1x16xf32>,
          %get3A_114 = vector.shape_cast %get3A_113 : vector<1x16xf32> to vector<16xf32>
          %add3A_115 = arith.addf %get3A_110, %get3A_114 : vector<16xf32>
          %swap3A = arith.index_cast %scan3A_106 : i32 to index
          %swap3A_116 = arith.constant 0 : index
          %swap3A_117 = tpu.vector_load %arg14[%swap3A, %swap3A_116] {strides = array<i32>} : memref<128x176xf32, #tpu.memory_space<vmem>>, vector<1x16xf32>,
          %swap3A_118 = vector.shape_cast %swap3A_117 : vector<1x16xf32> to vector<16xf32>
          %swap3A_119 = vector.shape_cast %add3A_115 : vector<16xf32> to vector<1x16xf32>
          tpu.vector_store %arg14[%swap3A, %swap3A_116], %swap3A_119 {strides = array<i32>} : memref<128x176xf32, #tpu.memory_space<vmem>>, vector<1x16xf32>,
          %get3A_120 = arith.index_cast %scan3A_106 : i32 to index
          %get3A_121 = arith.constant 16 : index
          %get3A_122 = tpu.vector_load %arg14[%get3A_120, %get3A_121] {strides = array<i32>} : memref<128x176xf32, #tpu.memory_space<vmem>>, vector<1x16xf32>,
          %get3A_123 = vector.shape_cast %get3A_122 : vector<1x16xf32> to vector<16xf32>
          %get3A_124 = arith.index_cast %scan3A_106 : i32 to index
          %get3A_125 = arith.constant 16 : index
          %get3A_126 = tpu.vector_load %arg15[%get3A_124, %get3A_125] {strides = array<i32>} : memref<128x176xf32, #tpu.memory_space<vmem>>, vector<1x16xf32>,
          %get3A_127 = vector.shape_cast %get3A_126 : vector<1x16xf32> to vector<16xf32>
          %add3A_128 = arith.addf %get3A_123, %get3A_127 : vector<16xf32>
          %swap3A_129 = arith.index_cast %scan3A_106 : i32 to index
          %swap3A_130 = arith.constant 16 : index
          %swap3A_131 = tpu.vector_load %arg14[%swap3A_129, %swap3A_130] {strides = array<i32>} : memref<128x176xf32, #tpu.memory_space<vmem>>, vector<1x16xf32>,
          %swap3A_132 = vector.shape_cast %swap3A_131 : vector<1x16xf32> to vector<16xf32>
          %swap3A_133 = vector.shape_cast %add3A_128 : vector<16xf32> to vector<1x16xf32>
          tpu.vector_store %arg14[%swap3A_129, %swap3A_130], %swap3A_133 {strides = array<i32>} : memref<128x176xf32, #tpu.memory_space<vmem>>, vector<1x16xf32>,
          %get3A_134 = arith.index_cast %scan3A_106 : i32 to index
          %get3A_135 = arith.constant 32 : index
          %get3A_136 = tpu.vector_load %arg14[%get3A_134, %get3A_135] {strides = array<i32>} : memref<128x176xf32, #tpu.memory_space<vmem>>, vector<1x16xf32>,
          %get3A_137 = vector.shape_cast %get3A_136 : vector<1x16xf32> to vector<16xf32>
          %get3A_138 = arith.index_cast %scan3A_106 : i32 to index
          %get3A_139 = arith.constant 32 : index
          %get3A_140 = tpu.vector_load %arg15[%get3A_138, %get3A_139] {strides = array<i32>} : memref<128x176xf32, #tpu.memory_space<vmem>>, vector<1x16xf32>,
          %get3A_141 = vector.shape_cast %get3A_140 : vector<1x16xf32> to vector<16xf32>
          %add3A_142 = arith.addf %get3A_137, %get3A_141 : vector<16xf32>
          %swap3A_143 = arith.index_cast %scan3A_106 : i32 to index
          %swap3A_144 = arith.constant 32 : index
          %swap3A_145 = tpu.vector_load %arg14[%swap3A_143, %swap3A_144] {strides = array<i32>} : memref<128x176xf32, #tpu.memory_space<vmem>>, vector<1x16xf32>,
          %swap3A_146 = vector.shape_cast %swap3A_145 : vector<1x16xf32> to vector<16xf32>
          %swap3A_147 = vector.shape_cast %add3A_142 : vector<16xf32> to vector<1x16xf32>
          tpu.vector_store %arg14[%swap3A_143, %swap3A_144], %swap3A_147 {strides = array<i32>} : memref<128x176xf32, #tpu.memory_space<vmem>>, vector<1x16xf32>,
          %get3A_148 = arith.index_cast %scan3A_106 : i32 to index
          %get3A_149 = arith.constant 48 : index
          %get3A_150 = tpu.vector_load %arg14[%get3A_148, %get3A_149] {strides = array<i32>} : memref<128x176xf32, #tpu.memory_space<vmem>>, vector<1x16xf32>,
          %get3A_151 = vector.shape_cast %get3A_150 : vector<1x16xf32> to vector<16xf32>
          %get3A_152 = arith.index_cast %scan3A_106 : i32 to index
          %get3A_153 = arith.constant 48 : index
          %get3A_154 = tpu.vector_load %arg15[%get3A_152, %get3A_153] {strides = array<i32>} : memref<128x176xf32, #tpu.memory_space<vmem>>, vector<1x16xf32>,
          %get3A_155 = vector.shape_cast %get3A_154 : vector<1x16xf32> to vector<16xf32>
          %add3A_156 = arith.addf %get3A_151, %get3A_155 : vector<16xf32>
          %swap3A_157 = arith.index_cast %scan3A_106 : i32 to index
          %swap3A_158 = arith.constant 48 : index
          %swap3A_159 = tpu.vector_load %arg14[%swap3A_157, %swap3A_158] {strides = array<i32>} : memref<128x176xf32, #tpu.memory_space<vmem>>, vector<1x16xf32>,
          %swap3A_160 = vector.shape_cast %swap3A_159 : vector<1x16xf32> to vector<16xf32>
          %swap3A_161 = vector.shape_cast %add3A_156 : vector<16xf32> to vector<1x16xf32>
          tpu.vector_store %arg14[%swap3A_157, %swap3A_158], %swap3A_161 {strides = array<i32>} : memref<128x176xf32, #tpu.memory_space<vmem>>, vector<1x16xf32>,
          %get3A_162 = arith.index_cast %scan3A_106 : i32 to index
          %get3A_163 = arith.constant 64 : index
          %get3A_164 = tpu.vector_load %arg14[%get3A_162, %get3A_163] {strides = array<i32>} : memref<128x176xf32, #tpu.memory_space<vmem>>, vector<1x16xf32>,
          %get3A_165 = vector.shape_cast %get3A_164 : vector<1x16xf32> to vector<16xf32>
          %get3A_166 = arith.index_cast %scan3A_106 : i32 to index
          %get3A_167 = arith.constant 64 : index
          %get3A_168 = tpu.vector_load %arg15[%get3A_166, %get3A_167] {strides = array<i32>} : memref<128x176xf32, #tpu.memory_space<vmem>>, vector<1x16xf32>,
          %get3A_169 = vector.shape_cast %get3A_168 : vector<1x16xf32> to vector<16xf32>
          %add3A_170 = arith.addf %get3A_165, %get3A_169 : vector<16xf32>
          %swap3A_171 = arith.index_cast %scan3A_106 : i32 to index
          %swap3A_172 = arith.constant 64 : index
          %swap3A_173 = tpu.vector_load %arg14[%swap3A_171, %swap3A_172] {strides = array<i32>} : memref<128x176xf32, #tpu.memory_space<vmem>>, vector<1x16xf32>,
          %swap3A_174 = vector.shape_cast %swap3A_173 : vector<1x16xf32> to vector<16xf32>
          %swap3A_175 = vector.shape_cast %add3A_170 : vector<16xf32> to vector<1x16xf32>
          tpu.vector_store %arg14[%swap3A_171, %swap3A_172], %swap3A_175 {strides = array<i32>} : memref<128x176xf32, #tpu.memory_space<vmem>>, vector<1x16xf32>,
          %get3A_176 = arith.index_cast %scan3A_106 : i32 to index
          %get3A_177 = arith.constant 80 : index
          %get3A_178 = tpu.vector_load %arg14[%get3A_176, %get3A_177] {strides = array<i32>} : memref<128x176xf32, #tpu.memory_space<vmem>>, vector<1x16xf32>,
          %get3A_179 = vector.shape_cast %get3A_178 : vector<1x16xf32> to vector<16xf32>
          %get3A_180 = arith.index_cast %scan3A_106 : i32 to index
          %get3A_181 = arith.constant 80 : index
          %get3A_182 = tpu.vector_load %arg15[%get3A_180, %get3A_181] {strides = array<i32>} : memref<128x176xf32, #tpu.memory_space<vmem>>, vector<1x16xf32>,
          %get3A_183 = vector.shape_cast %get3A_182 : vector<1x16xf32> to vector<16xf32>
          %add3A_184 = arith.addf %get3A_179, %get3A_183 : vector<16xf32>
          %swap3A_185 = arith.index_cast %scan3A_106 : i32 to index
          %swap3A_186 = arith.constant 80 : index
          %swap3A_187 = tpu.vector_load %arg14[%swap3A_185, %swap3A_186] {strides = array<i32>} : memref<128x176xf32, #tpu.memory_space<vmem>>, vector<1x16xf32>,
          %swap3A_188 = vector.shape_cast %swap3A_187 : vector<1x16xf32> to vector<16xf32>
          %swap3A_189 = vector.shape_cast %add3A_184 : vector<16xf32> to vector<1x16xf32>
          tpu.vector_store %arg14[%swap3A_185, %swap3A_186], %swap3A_189 {strides = array<i32>} : memref<128x176xf32, #tpu.memory_space<vmem>>, vector<1x16xf32>,
          %get3A_190 = arith.index_cast %scan3A_106 : i32 to index
          %get3A_191 = arith.constant 96 : index
          %get3A_192 = tpu.vector_load %arg14[%get3A_190, %get3A_191] {strides = array<i32>} : memref<128x176xf32, #tpu.memory_space<vmem>>, vector<1x16xf32>,
          %get3A_193 = vector.shape_cast %get3A_192 : vector<1x16xf32> to vector<16xf32>
          %get3A_194 = arith.index_cast %scan3A_106 : i32 to index
          %get3A_195 = arith.constant 96 : index
          %get3A_196 = tpu.vector_load %arg15[%get3A_194, %get3A_195] {strides = array<i32>} : memref<128x176xf32, #tpu.memory_space<vmem>>, vector<1x16xf32>,
          %get3A_197 = vector.shape_cast %get3A_196 : vector<1x16xf32> to vector<16xf32>
          %add3A_198 = arith.addf %get3A_193, %get3A_197 : vector<16xf32>
          %swap3A_199 = arith.index_cast %scan3A_106 : i32 to index
          %swap3A_200 = arith.constant 96 : index
          %swap3A_201 = tpu.vector_load %arg14[%swap3A_199, %swap3A_200] {strides = array<i32>} : memref<128x176xf32, #tpu.memory_space<vmem>>, vector<1x16xf32>,
          %swap3A_202 = vector.shape_cast %swap3A_201 : vector<1x16xf32> to vector<16xf32>
          %swap3A_203 = vector.shape_cast %add3A_198 : vector<16xf32> to vector<1x16xf32>
          tpu.vector_store %arg14[%swap3A_199, %swap3A_200], %swap3A_203 {strides = array<i32>} : memref<128x176xf32, #tpu.memory_space<vmem>>, vector<1x16xf32>,
          %get3A_204 = arith.index_cast %scan3A_106 : i32 to index
          %get3A_205 = arith.constant 112 : index
          %get3A_206 = tpu.vector_load %arg14[%get3A_204, %get3A_205] {strides = array<i32>} : memref<128x176xf32, #tpu.memory_space<vmem>>, vector<1x16xf32>,
          %get3A_207 = vector.shape_cast %get3A_206 : vector<1x16xf32> to vector<16xf32>
          %get3A_208 = arith.index_cast %scan3A_106 : i32 to index
          %get3A_209 = arith.constant 112 : index
          %get3A_210 = tpu.vector_load %arg15[%get3A_208, %get3A_209] {strides = array<i32>} : memref<128x176xf32, #tpu.memory_space<vmem>>, vector<1x16xf32>,
          %get3A_211 = vector.shape_cast %get3A_210 : vector<1x16xf32> to vector<16xf32>
          %add3A_212 = arith.addf %get3A_207, %get3A_211 : vector<16xf32>
          %swap3A_213 = arith.index_cast %scan3A_106 : i32 to index
          %swap3A_214 = arith.constant 112 : index
          %swap3A_215 = tpu.vector_load %arg14[%swap3A_213, %swap3A_214] {strides = array<i32>} : memref<128x176xf32, #tpu.memory_space<vmem>>, vector<1x16xf32>,
          %swap3A_216 = vector.shape_cast %swap3A_215 : vector<1x16xf32> to vector<16xf32>
          %swap3A_217 = vector.shape_cast %add3A_212 : vector<16xf32> to vector<1x16xf32>
          tpu.vector_store %arg14[%swap3A_213, %swap3A_214], %swap3A_217 {strides = array<i32>} : memref<128x176xf32, #tpu.memory_space<vmem>>, vector<1x16xf32>,
          %get3A_218 = arith.index_cast %scan3A_106 : i32 to index
          %get3A_219 = arith.constant 128 : index
          %get3A_220 = tpu.vector_load %arg14[%get3A_218, %get3A_219] {strides = array<i32>} : memref<128x176xf32, #tpu.memory_space<vmem>>, vector<1x16xf32>,
          %get3A_221 = vector.shape_cast %get3A_220 : vector<1x16xf32> to vector<16xf32>
          %swap3A_222 = arith.index_cast %scan3A_106 : i32 to index
          %swap3A_223 = arith.constant 0 : index
          %swap3A_224 = tpu.vector_load %arg15[%swap3A_222, %swap3A_223] {strides = array<i32>} : memref<128x176xf32, #tpu.memory_space<vmem>>, vector<1x16xf32>,
          %swap3A_225 = vector.shape_cast %swap3A_224 : vector<1x16xf32> to vector<16xf32>
          %swap3A_226 = vector.shape_cast %get3A_221 : vector<16xf32> to vector<1x16xf32>
          tpu.vector_store %arg15[%swap3A_222, %swap3A_223], %swap3A_226 {strides = array<i32>} : memref<128x176xf32, #tpu.memory_space<vmem>>, vector<1x16xf32>,
          %get3A_227 = arith.index_cast %scan3A_106 : i32 to index
          %get3A_228 = arith.constant 128 : index
          %get3A_229 = tpu.vector_load %arg15[%get3A_227, %get3A_228] {strides = array<i32>} : memref<128x176xf32, #tpu.memory_space<vmem>>, vector<1x16xf32>,
          %get3A_230 = vector.shape_cast %get3A_229 : vector<1x16xf32> to vector<16xf32>
          %swap3A_231 = arith.index_cast %scan3A_106 : i32 to index
          %swap3A_232 = arith.constant 48 : index
          %swap3A_233 = tpu.vector_load %arg15[%swap3A_231, %swap3A_232] {strides = array<i32>} : memref<128x176xf32, #tpu.memory_space<vmem>>, vector<1x16xf32>,
          %swap3A_234 = vector.shape_cast %swap3A_233 : vector<1x16xf32> to vector<16xf32>
          %swap3A_235 = vector.shape_cast %get3A_230 : vector<16xf32> to vector<1x16xf32>
          tpu.vector_store %arg15[%swap3A_231, %swap3A_232], %swap3A_235 {strides = array<i32>} : memref<128x176xf32, #tpu.memory_space<vmem>>, vector<1x16xf32>,
          %get3A_236 = arith.index_cast %scan3A_106 : i32 to index
          %get3A_237 = arith.constant 144 : index
          %get3A_238 = tpu.vector_load %arg14[%get3A_236, %get3A_237] {strides = array<i32>} : memref<128x176xf32, #tpu.memory_space<vmem>>, vector<1x16xf32>,
          %get3A_239 = vector.shape_cast %get3A_238 : vector<1x16xf32> to vector<16xf32>
          %swap3A_240 = arith.index_cast %scan3A_106 : i32 to index
          %swap3A_241 = arith.constant 16 : index
          %swap3A_242 = tpu.vector_load %arg15[%swap3A_240, %swap3A_241] {strides = array<i32>} : memref<128x176xf32, #tpu.memory_space<vmem>>, vector<1x16xf32>,
          %swap3A_243 = vector.shape_cast %swap3A_242 : vector<1x16xf32> to vector<16xf32>
          %swap3A_244 = vector.shape_cast %get3A_239 : vector<16xf32> to vector<1x16xf32>
          tpu.vector_store %arg15[%swap3A_240, %swap3A_241], %swap3A_244 {strides = array<i32>} : memref<128x176xf32, #tpu.memory_space<vmem>>, vector<1x16xf32>,
          %get3A_245 = arith.index_cast %scan3A_106 : i32 to index
          %get3A_246 = arith.constant 144 : index
          %get3A_247 = tpu.vector_load %arg15[%get3A_245, %get3A_246] {strides = array<i32>} : memref<128x176xf32, #tpu.memory_space<vmem>>, vector<1x16xf32>,
          %get3A_248 = vector.shape_cast %get3A_247 : vector<1x16xf32> to vector<16xf32>
          %swap3A_249 = arith.index_cast %scan3A_106 : i32 to index
          %swap3A_250 = arith.constant 64 : index
          %swap3A_251 = tpu.vector_load %arg15[%swap3A_249, %swap3A_250] {strides = array<i32>} : memref<128x176xf32, #tpu.memory_space<vmem>>, vector<1x16xf32>,
          %swap3A_252 = vector.shape_cast %swap3A_251 : vector<1x16xf32> to vector<16xf32>
          %swap3A_253 = vector.shape_cast %get3A_248 : vector<16xf32> to vector<1x16xf32>
          tpu.vector_store %arg15[%swap3A_249, %swap3A_250], %swap3A_253 {strides = array<i32>} : memref<128x176xf32, #tpu.memory_space<vmem>>, vector<1x16xf32>,
          %get3A_254 = arith.index_cast %scan3A_106 : i32 to index
          %get3A_255 = arith.constant 160 : index
          %get3A_256 = tpu.vector_load %arg14[%get3A_254, %get3A_255] {strides = array<i32>} : memref<128x176xf32, #tpu.memory_space<vmem>>, vector<1x16xf32>,
          %get3A_257 = vector.shape_cast %get3A_256 : vector<1x16xf32> to vector<16xf32>
          %swap3A_258 = arith.index_cast %scan3A_106 : i32 to index
          %swap3A_259 = arith.constant 32 : index
          %swap3A_260 = tpu.vector_load %arg15[%swap3A_258, %swap3A_259] {strides = array<i32>} : memref<128x176xf32, #tpu.memory_space<vmem>>, vector<1x16xf32>,
          %swap3A_261 = vector.shape_cast %swap3A_260 : vector<1x16xf32> to vector<16xf32>
          %swap3A_262 = vector.shape_cast %get3A_257 : vector<16xf32> to vector<1x16xf32>
          tpu.vector_store %arg15[%swap3A_258, %swap3A_259], %swap3A_262 {strides = array<i32>} : memref<128x176xf32, #tpu.memory_space<vmem>>, vector<1x16xf32>,
          %get3A_263 = arith.index_cast %scan3A_106 : i32 to index
          %get3A_264 = arith.constant 160 : index
          %get3A_265 = tpu.vector_load %arg15[%get3A_263, %get3A_264] {strides = array<i32>} : memref<128x176xf32, #tpu.memory_space<vmem>>, vector<1x16xf32>,
          %get3A_266 = vector.shape_cast %get3A_265 : vector<1x16xf32> to vector<16xf32>
          %swap3A_267 = arith.index_cast %scan3A_106 : i32 to index
          %swap3A_268 = arith.constant 80 : index
          %swap3A_269 = tpu.vector_load %arg15[%swap3A_267, %swap3A_268] {strides = array<i32>} : memref<128x176xf32, #tpu.memory_space<vmem>>, vector<1x16xf32>,
          %swap3A_270 = vector.shape_cast %swap3A_269 : vector<1x16xf32> to vector<16xf32>
          %swap3A_271 = vector.shape_cast %get3A_266 : vector<16xf32> to vector<1x16xf32>
          tpu.vector_store %arg15[%swap3A_267, %swap3A_268], %swap3A_271 {strides = array<i32>} : memref<128x176xf32, #tpu.memory_space<vmem>>, vector<1x16xf32>,
          %swap3A_272 = arith.index_cast %scan3A_106 : i32 to index
          %swap3A_273 = arith.constant 96 : index
          %swap3A_274 = tpu.vector_load %arg15[%swap3A_272, %swap3A_273] {strides = array<i32>} : memref<128x176xf32, #tpu.memory_space<vmem>>, vector<1x16xf32>,
          %swap3A_275 = vector.shape_cast %swap3A_274 : vector<1x16xf32> to vector<16xf32>
          %swap3A_276 = vector.shape_cast %broadcast_in_dim3A_75 : vector<16xf32> to vector<1x16xf32>
          tpu.vector_store %arg15[%swap3A_272, %swap3A_273], %swap3A_276 {strides = array<i32>} : memref<128x176xf32, #tpu.memory_space<vmem>>, vector<1x16xf32>,
          %swap3A_277 = arith.index_cast %scan3A_106 : i32 to index
          %swap3A_278 = arith.constant 112 : index
          %swap3A_279 = tpu.vector_load %arg15[%swap3A_277, %swap3A_278] {strides = array<i32>} : memref<128x176xf32, #tpu.memory_space<vmem>>, vector<1x16xf32>,
          %swap3A_280 = vector.shape_cast %swap3A_279 : vector<1x16xf32> to vector<16xf32>
          %swap3A_281 = vector.shape_cast %broadcast_in_dim3A_75 : vector<16xf32> to vector<1x16xf32>
          tpu.vector_store %arg15[%swap3A_277, %swap3A_278], %swap3A_281 {strides = array<i32>} : memref<128x176xf32, #tpu.memory_space<vmem>>, vector<1x16xf32>,
          %scan3A_282 = arith.constant 0 : i32
          scf.yield %scan3A_282 : i32
        }
        %scan3A_82 = arith.constant 128 : i32
        %add3A_83 = arith.addi %add3A_6, %add3A_54 : i32
        %mul3A_84 = arith.constant 128 : i32
        %mul3A_85 = arith.muli %add3A_83, %mul3A_84 : i32
        %dma_start3A_86 = arith.constant 0 : i32
        %dma_start3A_87 = arith.constant 0 : i32
        %dma_start3A_88 = tpu.memref_slice %arg14[%dma_start3A_86, %dma_start3A_87] : memref<128x176xf32, #tpu.memory_space<vmem>> -> memref<128x128xf32, #tpu.memory_space<vmem>>
        %dma_start3A_89 = arith.constant 0 : i32
        %dma_start3A_90 = tpu.memref_slice %arg6[%mul3A_85, %dma_start3A_89] : memref<160000x128xf32, #tpu.memory_space<hbm>> -> memref<128x128xf32, #tpu.memory_space<hbm>>
        %dma_start3A_91 = arith.constant 0 : i32
        %dma_start3A_92 = tpu.memref_slice %arg6[%mul3A_85, %dma_start3A_91] : memref<160000x128xf32, #tpu.memory_space<hbm>> -> memref<128x128xf32, #tpu.memory_space<hbm>>
        %dma_start3A_93 = arith.constant 0 : i32
        %dma_start3A_94 = arith.constant 0 : i32
        %dma_start3A_95 = tpu.memref_slice %arg14[%dma_start3A_93, %dma_start3A_94] : memref<128x176xf32, #tpu.memory_space<vmem>> -> memref<128x128xf32, #tpu.memory_space<vmem>>
        tpu.enqueue_dma source(%dma_start3A_95 : memref<128x128xf32, #tpu.memory_space<vmem>>) target(%dma_start3A_92 : memref<128x128xf32, #tpu.memory_space<hbm>>) target_semaphore(%arg19 : memref<!tpu.dma_semaphore, #tpu.memory_space<semaphore_mem>>)
        %dma_start3A_96 = arith.constant 0 : i32
        %dma_start3A_97 = arith.constant 0 : i32
        %dma_start3A_98 = tpu.memref_slice %arg15[%dma_start3A_96, %dma_start3A_97] : memref<128x176xf32, #tpu.memory_space<vmem>> -> memref<128x128xf32, #tpu.memory_space<vmem>>
        %dma_start3A_99 = arith.constant 0 : i32
        %dma_start3A_100 = tpu.memref_slice %arg7[%mul3A_85, %dma_start3A_99] : memref<160000x128xf32, #tpu.memory_space<hbm>> -> memref<128x128xf32, #tpu.memory_space<hbm>>
        %dma_start3A_101 = arith.constant 0 : i32
        %dma_start3A_102 = tpu.memref_slice %arg7[%mul3A_85, %dma_start3A_101] : memref<160000x128xf32, #tpu.memory_space<hbm>> -> memref<128x128xf32, #tpu.memory_space<hbm>>
        %dma_start3A_103 = arith.constant 0 : i32
        %dma_start3A_104 = arith.constant 0 : i32
        %dma_start3A_105 = tpu.memref_slice %arg15[%dma_start3A_103, %dma_start3A_104] : memref<128x176xf32, #tpu.memory_space<vmem>> -> memref<128x128xf32, #tpu.memory_space<vmem>>
        tpu.enqueue_dma source(%dma_start3A_105 : memref<128x128xf32, #tpu.memory_space<vmem>>) target(%dma_start3A_102 : memref<128x128xf32, #tpu.memory_space<hbm>>) target_semaphore(%arg19 : memref<!tpu.dma_semaphore, #tpu.memory_space<semaphore_mem>>)
      } else {
      }
      %scan3A_59 = arith.constant 0 : i32
      scf.yield %scan3A_59 : i32
    }
    %scan3A_21 = arith.constant 20 : i32
    %sub3A = arith.constant 1 : i32
    %sub3A_22 = arith.subi %select_n3A, %sub3A : i32
    %jit3A_23 = arith.constant 2 : i32
    %eq3A = arith.constant 0 : i32
    %eq3A_24 = arith.cmpi eq, %jit3A_23, %eq3A : i32
    %jit3A_25 = arith.constant 1 : i32
    %select_n3A_26 = arith.select %eq3A_24, %jit3A_25, %jit3A_23 : i32
    %rem3A = arith.remsi %sub3A_22, %select_n3A_26 : i32
    %ne3A = arith.constant 0 : i32
    %ne3A_27 = arith.cmpi ne, %rem3A, %ne3A : i32
    %lt3A_28 = arith.constant 0 : i32
    %lt3A_29 = arith.cmpi slt, %rem3A, %lt3A_28 : i32
    %lt3A_30 = arith.constant 0 : i32
    %lt3A_31 = arith.cmpi slt, %select_n3A_26, %lt3A_30 : i32
    %ne3A_32 = arith.xori %lt3A_29, %lt3A_31 : i1
    %and3A = arith.andi %ne3A_32, %ne3A_27 : i1
    %add3A_33 = arith.addi %rem3A, %select_n3A_26 : i32
    %select_n3A_34 = arith.select %and3A, %add3A_33, %rem3A : i32
    %eq3A_35 = arith.constant 0 : i32
    %eq3A_36 = arith.cmpi eq, %select_n3A_34, %eq3A_35 : i32
    %convert_element_type3A = arith.extui %eq3A_36 : i1 to i32
    %cond3A = arith.constant 0 : i32
    %cond3A_37 = arith.cmpi ne, %convert_element_type3A, %cond3A : i32
    scf.if %cond3A_37 {
      %dma_wait3A = arith.constant 0 : i32
      %dma_wait3A_43 = arith.constant 0 : i32
      %dma_wait3A_44 = tpu.memref_slice %arg12[%dma_wait3A, %dma_wait3A_43] : memref<128x176xf32, #tpu.memory_space<vmem>> -> memref<128x128xf32, #tpu.memory_space<vmem>>
      %dma_wait3A_45 = arith.constant 0 : i32
      %dma_wait3A_46 = arith.constant 0 : i32
      %dma_wait3A_47 = tpu.memref_slice %arg6[%dma_wait3A_45, %dma_wait3A_46] : memref<160000x128xf32, #tpu.memory_space<hbm>> -> memref<128x128xf32, #tpu.memory_space<hbm>>
      %dma_wait3A_48 = arith.constant 0 : i32
      %dma_wait3A_49 = arith.constant 0 : i32
      %dma_wait3A_50 = tpu.memref_slice %arg6[%dma_wait3A_48, %dma_wait3A_49] : memref<160000x128xf32, #tpu.memory_space<hbm>> -> memref<128x128xf32, #tpu.memory_space<hbm>>
      %dma_wait3A_51 = arith.constant 0 : i32
      %dma_wait3A_52 = arith.constant 0 : i32
      %dma_wait3A_53 = tpu.memref_slice %arg12[%dma_wait3A_51, %dma_wait3A_52] : memref<128x176xf32, #tpu.memory_space<vmem>> -> memref<128x128xf32, #tpu.memory_space<vmem>>
      tpu.wait_dma2 semaphore(%arg18 : memref<!tpu.dma_semaphore, #tpu.memory_space<semaphore_mem>>) src(%dma_wait3A_53 : memref<128x128xf32, #tpu.memory_space<vmem>>) dst(%dma_wait3A_50 : memref<128x128xf32, #tpu.memory_space<hbm>>)
      %dma_wait3A_54 = arith.constant 0 : i32
      %dma_wait3A_55 = arith.constant 0 : i32
      %dma_wait3A_56 = tpu.memref_slice %arg13[%dma_wait3A_54, %dma_wait3A_55] : memref<128x176xf32, #tpu.memory_space<vmem>> -> memref<128x128xf32, #tpu.memory_space<vmem>>
      %dma_wait3A_57 = arith.constant 0 : i32
      %dma_wait3A_58 = arith.constant 0 : i32
      %dma_wait3A_59 = tpu.memref_slice %arg7[%dma_wait3A_57, %dma_wait3A_58] : memref<160000x128xf32, #tpu.memory_space<hbm>> -> memref<128x128xf32, #tpu.memory_space<hbm>>
      %dma_wait3A_60 = arith.constant 0 : i32
      %dma_wait3A_61 = arith.constant 0 : i32
      %dma_wait3A_62 = tpu.memref_slice %arg7[%dma_wait3A_60, %dma_wait3A_61] : memref<160000x128xf32, #tpu.memory_space<hbm>> -> memref<128x128xf32, #tpu.memory_space<hbm>>
      %dma_wait3A_63 = arith.constant 0 : i32
      %dma_wait3A_64 = arith.constant 0 : i32
      %dma_wait3A_65 = tpu.memref_slice %arg13[%dma_wait3A_63, %dma_wait3A_64] : memref<128x176xf32, #tpu.memory_space<vmem>> -> memref<128x128xf32, #tpu.memory_space<vmem>>
      tpu.wait_dma2 semaphore(%arg18 : memref<!tpu.dma_semaphore, #tpu.memory_space<semaphore_mem>>) src(%dma_wait3A_65 : memref<128x128xf32, #tpu.memory_space<vmem>>) dst(%dma_wait3A_62 : memref<128x128xf32, #tpu.memory_space<hbm>>)
    } else {
    }
    %eq3A_38 = arith.constant 1 : i32
    %eq3A_39 = arith.cmpi eq, %select_n3A_34, %eq3A_38 : i32
    %convert_element_type3A_40 = arith.extui %eq3A_39 : i1 to i32
    %cond3A_41 = arith.constant 0 : i32
    %cond3A_42 = arith.cmpi ne, %convert_element_type3A_40, %cond3A_41 : i32
    scf.if %cond3A_42 {
      %dma_wait3A = arith.constant 0 : i32
      %dma_wait3A_43 = arith.constant 0 : i32
      %dma_wait3A_44 = tpu.memref_slice %arg14[%dma_wait3A, %dma_wait3A_43] : memref<128x176xf32, #tpu.memory_space<vmem>> -> memref<128x128xf32, #tpu.memory_space<vmem>>
      %dma_wait3A_45 = arith.constant 0 : i32
      %dma_wait3A_46 = arith.constant 0 : i32
      %dma_wait3A_47 = tpu.memref_slice %arg6[%dma_wait3A_45, %dma_wait3A_46] : memref<160000x128xf32, #tpu.memory_space<hbm>> -> memref<128x128xf32, #tpu.memory_space<hbm>>
      %dma_wait3A_48 = arith.constant 0 : i32
      %dma_wait3A_49 = arith.constant 0 : i32
      %dma_wait3A_50 = tpu.memref_slice %arg6[%dma_wait3A_48, %dma_wait3A_49] : memref<160000x128xf32, #tpu.memory_space<hbm>> -> memref<128x128xf32, #tpu.memory_space<hbm>>
      %dma_wait3A_51 = arith.constant 0 : i32
      %dma_wait3A_52 = arith.constant 0 : i32
      %dma_wait3A_53 = tpu.memref_slice %arg14[%dma_wait3A_51, %dma_wait3A_52] : memref<128x176xf32, #tpu.memory_space<vmem>> -> memref<128x128xf32, #tpu.memory_space<vmem>>
      tpu.wait_dma2 semaphore(%arg19 : memref<!tpu.dma_semaphore, #tpu.memory_space<semaphore_mem>>) src(%dma_wait3A_53 : memref<128x128xf32, #tpu.memory_space<vmem>>) dst(%dma_wait3A_50 : memref<128x128xf32, #tpu.memory_space<hbm>>)
      %dma_wait3A_54 = arith.constant 0 : i32
      %dma_wait3A_55 = arith.constant 0 : i32
      %dma_wait3A_56 = tpu.memref_slice %arg15[%dma_wait3A_54, %dma_wait3A_55] : memref<128x176xf32, #tpu.memory_space<vmem>> -> memref<128x128xf32, #tpu.memory_space<vmem>>
      %dma_wait3A_57 = arith.constant 0 : i32
      %dma_wait3A_58 = arith.constant 0 : i32
      %dma_wait3A_59 = tpu.memref_slice %arg7[%dma_wait3A_57, %dma_wait3A_58] : memref<160000x128xf32, #tpu.memory_space<hbm>> -> memref<128x128xf32, #tpu.memory_space<hbm>>
      %dma_wait3A_60 = arith.constant 0 : i32
      %dma_wait3A_61 = arith.constant 0 : i32
      %dma_wait3A_62 = tpu.memref_slice %arg7[%dma_wait3A_60, %dma_wait3A_61] : memref<160000x128xf32, #tpu.memory_space<hbm>> -> memref<128x128xf32, #tpu.memory_space<hbm>>
      %dma_wait3A_63 = arith.constant 0 : i32
      %dma_wait3A_64 = arith.constant 0 : i32
      %dma_wait3A_65 = tpu.memref_slice %arg15[%dma_wait3A_63, %dma_wait3A_64] : memref<128x176xf32, #tpu.memory_space<vmem>> -> memref<128x128xf32, #tpu.memory_space<vmem>>
      tpu.wait_dma2 semaphore(%arg19 : memref<!tpu.dma_semaphore, #tpu.memory_space<semaphore_mem>>) src(%dma_wait3A_65 : memref<128x128xf32, #tpu.memory_space<vmem>>) dst(%dma_wait3A_62 : memref<128x128xf32, #tpu.memory_space<hbm>>)
    } else {
    }
    return
  }
}

#map = affine_map<(d0, d1) -> (0, 0)>
module attributes {stable_mosaic.version = 14 : i64} {
  func.func @_scatter_body(%arg0: i32, %arg1: i32, %arg2: memref<160000x128xf32, #tpu.memory_space<hbm>>, %arg3: memref<160000x128xf32, #tpu.memory_space<hbm>>, %arg4: memref<1250x128xi32, #tpu.memory_space<hbm>>, %arg5: memref<10000x128xf32, #tpu.memory_space<hbm>>, %arg6: memref<10000x128xf32, #tpu.memory_space<hbm>>, %arg7: memref<128xi32, #tpu.memory_space<vmem>>, %arg8: memref<128xi32, #tpu.memory_space<vmem>>, %arg9: memref<128x128xf32, #tpu.memory_space<vmem>>, %arg10: memref<128x128xf32, #tpu.memory_space<vmem>>, %arg11: memref<125x128xf32, #tpu.memory_space<vmem>>, %arg12: memref<10000x128xf32, #tpu.memory_space<vmem_shared>>, %arg13: memref<!tpu.dma_semaphore, #tpu.memory_space<semaphore_mem>>, %arg14: memref<!tpu.dma_semaphore, #tpu.memory_space<semaphore_mem>>) attributes {dimension_semantics = [#tpu.dimension_semantics<core_parallel>, #tpu.dimension_semantics<subcore_parallel>], iteration_bounds = array<i64: 2, 16>, scalar_prefetch = 0 : i64, scratch_operands = 8 : i64, tpu.core_type = #tpu.core_type<sc_vector_subcore>, window_params = [{transform_indices = #map}, {transform_indices = #map}, {transform_indices = #map}, {transform_indices = #map}, {transform_indices = #map}]} {
    %lt3A = arith.constant 2 : i32
    %lt3A_0 = arith.cmpi slt, %arg1, %lt3A : i32
    %jit3A = arith.constant 79 : i32
    %jit3A_1 = arith.constant 78 : i32
    %select_n3A = arith.select %lt3A_0, %jit3A, %jit3A_1 : i32
    %mul3A = arith.constant 78 : i32
    %mul3A_2 = arith.muli %mul3A, %arg1 : i32
    %min3A = arith.constant 2 : i32
    %min3A_3 = arith.minsi %arg1, %min3A : i32
    %add3A = arith.addi %mul3A_2, %min3A_3 : i32
    %scan3A = arith.constant 0 : i32
    %scan3A_4 = arith.constant 0 : i32
    %scan3A_5 = arith.constant 125 : i32
    %scan3A_6 = arith.addi %scan3A_4, %scan3A_5 : i32
    %scan3A_7 = arith.constant 1 : i32
    %scan3A_8 = scf.for %scan3A_48 = %scan3A_4 to %scan3A_6 step %scan3A_7 iter_args(%scan3A_49 = %scan3A) -> (i32)  : i32 {
      %broadcast_in_dim3A = arith.constant 0.000000e+00 : f32
      %broadcast_in_dim3A_50 = vector.broadcast %broadcast_in_dim3A : f32 to vector<16xf32>
      %swap3A = arith.index_cast %scan3A_48 : i32 to index
      %swap3A_51 = arith.constant 0 : index
      %swap3A_52 = tpu.vector_load %arg11[%swap3A, %swap3A_51] {strides = array<i32>} : memref<125x128xf32, #tpu.memory_space<vmem>>, vector<1x16xf32>,
      %swap3A_53 = vector.shape_cast %swap3A_52 : vector<1x16xf32> to vector<16xf32>
      %swap3A_54 = vector.shape_cast %broadcast_in_dim3A_50 : vector<16xf32> to vector<1x16xf32>
      tpu.vector_store %arg11[%swap3A, %swap3A_51], %swap3A_54 {strides = array<i32>} : memref<125x128xf32, #tpu.memory_space<vmem>>, vector<1x16xf32>,
      %broadcast_in_dim3A_55 = arith.constant 0.000000e+00 : f32
      %broadcast_in_dim3A_56 = vector.broadcast %broadcast_in_dim3A_55 : f32 to vector<16xf32>
      %swap3A_57 = arith.index_cast %scan3A_48 : i32 to index
      %swap3A_58 = arith.constant 16 : index
      %swap3A_59 = tpu.vector_load %arg11[%swap3A_57, %swap3A_58] {strides = array<i32>} : memref<125x128xf32, #tpu.memory_space<vmem>>, vector<1x16xf32>,
      %swap3A_60 = vector.shape_cast %swap3A_59 : vector<1x16xf32> to vector<16xf32>
      %swap3A_61 = vector.shape_cast %broadcast_in_dim3A_56 : vector<16xf32> to vector<1x16xf32>
      tpu.vector_store %arg11[%swap3A_57, %swap3A_58], %swap3A_61 {strides = array<i32>} : memref<125x128xf32, #tpu.memory_space<vmem>>, vector<1x16xf32>,
      %broadcast_in_dim3A_62 = arith.constant 0.000000e+00 : f32
      %broadcast_in_dim3A_63 = vector.broadcast %broadcast_in_dim3A_62 : f32 to vector<16xf32>
      %swap3A_64 = arith.index_cast %scan3A_48 : i32 to index
      %swap3A_65 = arith.constant 32 : index
      %swap3A_66 = tpu.vector_load %arg11[%swap3A_64, %swap3A_65] {strides = array<i32>} : memref<125x128xf32, #tpu.memory_space<vmem>>, vector<1x16xf32>,
      %swap3A_67 = vector.shape_cast %swap3A_66 : vector<1x16xf32> to vector<16xf32>
      %swap3A_68 = vector.shape_cast %broadcast_in_dim3A_63 : vector<16xf32> to vector<1x16xf32>
      tpu.vector_store %arg11[%swap3A_64, %swap3A_65], %swap3A_68 {strides = array<i32>} : memref<125x128xf32, #tpu.memory_space<vmem>>, vector<1x16xf32>,
      %broadcast_in_dim3A_69 = arith.constant 0.000000e+00 : f32
      %broadcast_in_dim3A_70 = vector.broadcast %broadcast_in_dim3A_69 : f32 to vector<16xf32>
      %swap3A_71 = arith.index_cast %scan3A_48 : i32 to index
      %swap3A_72 = arith.constant 48 : index
      %swap3A_73 = tpu.vector_load %arg11[%swap3A_71, %swap3A_72] {strides = array<i32>} : memref<125x128xf32, #tpu.memory_space<vmem>>, vector<1x16xf32>,
      %swap3A_74 = vector.shape_cast %swap3A_73 : vector<1x16xf32> to vector<16xf32>
      %swap3A_75 = vector.shape_cast %broadcast_in_dim3A_70 : vector<16xf32> to vector<1x16xf32>
      tpu.vector_store %arg11[%swap3A_71, %swap3A_72], %swap3A_75 {strides = array<i32>} : memref<125x128xf32, #tpu.memory_space<vmem>>, vector<1x16xf32>,
      %broadcast_in_dim3A_76 = arith.constant 0.000000e+00 : f32
      %broadcast_in_dim3A_77 = vector.broadcast %broadcast_in_dim3A_76 : f32 to vector<16xf32>
      %swap3A_78 = arith.index_cast %scan3A_48 : i32 to index
      %swap3A_79 = arith.constant 64 : index
      %swap3A_80 = tpu.vector_load %arg11[%swap3A_78, %swap3A_79] {strides = array<i32>} : memref<125x128xf32, #tpu.memory_space<vmem>>, vector<1x16xf32>,
      %swap3A_81 = vector.shape_cast %swap3A_80 : vector<1x16xf32> to vector<16xf32>
      %swap3A_82 = vector.shape_cast %broadcast_in_dim3A_77 : vector<16xf32> to vector<1x16xf32>
      tpu.vector_store %arg11[%swap3A_78, %swap3A_79], %swap3A_82 {strides = array<i32>} : memref<125x128xf32, #tpu.memory_space<vmem>>, vector<1x16xf32>,
      %broadcast_in_dim3A_83 = arith.constant 0.000000e+00 : f32
      %broadcast_in_dim3A_84 = vector.broadcast %broadcast_in_dim3A_83 : f32 to vector<16xf32>
      %swap3A_85 = arith.index_cast %scan3A_48 : i32 to index
      %swap3A_86 = arith.constant 80 : index
      %swap3A_87 = tpu.vector_load %arg11[%swap3A_85, %swap3A_86] {strides = array<i32>} : memref<125x128xf32, #tpu.memory_space<vmem>>, vector<1x16xf32>,
      %swap3A_88 = vector.shape_cast %swap3A_87 : vector<1x16xf32> to vector<16xf32>
      %swap3A_89 = vector.shape_cast %broadcast_in_dim3A_84 : vector<16xf32> to vector<1x16xf32>
      tpu.vector_store %arg11[%swap3A_85, %swap3A_86], %swap3A_89 {strides = array<i32>} : memref<125x128xf32, #tpu.memory_space<vmem>>, vector<1x16xf32>,
      %broadcast_in_dim3A_90 = arith.constant 0.000000e+00 : f32
      %broadcast_in_dim3A_91 = vector.broadcast %broadcast_in_dim3A_90 : f32 to vector<16xf32>
      %swap3A_92 = arith.index_cast %scan3A_48 : i32 to index
      %swap3A_93 = arith.constant 96 : index
      %swap3A_94 = tpu.vector_load %arg11[%swap3A_92, %swap3A_93] {strides = array<i32>} : memref<125x128xf32, #tpu.memory_space<vmem>>, vector<1x16xf32>,
      %swap3A_95 = vector.shape_cast %swap3A_94 : vector<1x16xf32> to vector<16xf32>
      %swap3A_96 = vector.shape_cast %broadcast_in_dim3A_91 : vector<16xf32> to vector<1x16xf32>
      tpu.vector_store %arg11[%swap3A_92, %swap3A_93], %swap3A_96 {strides = array<i32>} : memref<125x128xf32, #tpu.memory_space<vmem>>, vector<1x16xf32>,
      %broadcast_in_dim3A_97 = arith.constant 0.000000e+00 : f32
      %broadcast_in_dim3A_98 = vector.broadcast %broadcast_in_dim3A_97 : f32 to vector<16xf32>
      %swap3A_99 = arith.index_cast %scan3A_48 : i32 to index
      %swap3A_100 = arith.constant 112 : index
      %swap3A_101 = tpu.vector_load %arg11[%swap3A_99, %swap3A_100] {strides = array<i32>} : memref<125x128xf32, #tpu.memory_space<vmem>>, vector<1x16xf32>,
      %swap3A_102 = vector.shape_cast %swap3A_101 : vector<1x16xf32> to vector<16xf32>
      %swap3A_103 = vector.shape_cast %broadcast_in_dim3A_98 : vector<16xf32> to vector<1x16xf32>
      tpu.vector_store %arg11[%swap3A_99, %swap3A_100], %swap3A_103 {strides = array<i32>} : memref<125x128xf32, #tpu.memory_space<vmem>>, vector<1x16xf32>,
      %scan3A_104 = arith.constant 0 : i32
      scf.yield %scan3A_104 : i32
    }
    %scan3A_9 = arith.constant 125 : i32
    %mul3A_10 = arith.constant 625 : i32
    %mul3A_11 = arith.muli %mul3A_10, %arg1 : i32
    %add3A_12 = arith.constant 0 : i32
    %add3A_13 = arith.addi %mul3A_11, %add3A_12 : i32
    "tpu.region"() ({
      %run_scoped3A = tpu.sem_alloc : memref<!tpu.dma_semaphore, #tpu.memory_space<semaphore_mem>>
      %dma_start3A = arith.constant 0 : i32
      %dma_start3A_48 = tpu.memref_slice %arg12[%add3A_13, %dma_start3A] : memref<10000x128xf32, #tpu.memory_space<vmem_shared>> -> memref<125x128xf32, #tpu.memory_space<vmem_shared>>
      %dma_start3A_49 = arith.constant 0 : i32
      %dma_start3A_50 = tpu.memref_slice %arg12[%add3A_13, %dma_start3A_49] : memref<10000x128xf32, #tpu.memory_space<vmem_shared>> -> memref<125x128xf32, #tpu.memory_space<vmem_shared>>
      tpu.enqueue_dma source(%arg11 : memref<125x128xf32, #tpu.memory_space<vmem>>) target(%dma_start3A_50 : memref<125x128xf32, #tpu.memory_space<vmem_shared>>) target_semaphore(%run_scoped3A : memref<!tpu.dma_semaphore, #tpu.memory_space<semaphore_mem>>)
      %dma_wait3A = arith.constant 0 : i32
      %dma_wait3A_51 = tpu.memref_slice %arg12[%add3A_13, %dma_wait3A] : memref<10000x128xf32, #tpu.memory_space<vmem_shared>> -> memref<125x128xf32, #tpu.memory_space<vmem_shared>>
      %dma_wait3A_52 = arith.constant 0 : i32
      %dma_wait3A_53 = tpu.memref_slice %arg12[%add3A_13, %dma_wait3A_52] : memref<10000x128xf32, #tpu.memory_space<vmem_shared>> -> memref<125x128xf32, #tpu.memory_space<vmem_shared>>
      tpu.wait_dma2 semaphore(%run_scoped3A : memref<!tpu.dma_semaphore, #tpu.memory_space<semaphore_mem>>) src(%arg11 : memref<125x128xf32, #tpu.memory_space<vmem>>) dst(%dma_wait3A_53 : memref<125x128xf32, #tpu.memory_space<vmem_shared>>)
      tpu.yield
    }) : () -> ()
    %mul3A_14 = arith.constant 625 : i32
    %mul3A_15 = arith.muli %mul3A_14, %arg1 : i32
    %add3A_16 = arith.constant 125 : i32
    %add3A_17 = arith.addi %mul3A_15, %add3A_16 : i32
    "tpu.region"() ({
      %run_scoped3A = tpu.sem_alloc : memref<!tpu.dma_semaphore, #tpu.memory_space<semaphore_mem>>
      %dma_start3A = arith.constant 0 : i32
      %dma_start3A_48 = tpu.memref_slice %arg12[%add3A_17, %dma_start3A] : memref<10000x128xf32, #tpu.memory_space<vmem_shared>> -> memref<125x128xf32, #tpu.memory_space<vmem_shared>>
      %dma_start3A_49 = arith.constant 0 : i32
      %dma_start3A_50 = tpu.memref_slice %arg12[%add3A_17, %dma_start3A_49] : memref<10000x128xf32, #tpu.memory_space<vmem_shared>> -> memref<125x128xf32, #tpu.memory_space<vmem_shared>>
      tpu.enqueue_dma source(%arg11 : memref<125x128xf32, #tpu.memory_space<vmem>>) target(%dma_start3A_50 : memref<125x128xf32, #tpu.memory_space<vmem_shared>>) target_semaphore(%run_scoped3A : memref<!tpu.dma_semaphore, #tpu.memory_space<semaphore_mem>>)
      %dma_wait3A = arith.constant 0 : i32
      %dma_wait3A_51 = tpu.memref_slice %arg12[%add3A_17, %dma_wait3A] : memref<10000x128xf32, #tpu.memory_space<vmem_shared>> -> memref<125x128xf32, #tpu.memory_space<vmem_shared>>
      %dma_wait3A_52 = arith.constant 0 : i32
      %dma_wait3A_53 = tpu.memref_slice %arg12[%add3A_17, %dma_wait3A_52] : memref<10000x128xf32, #tpu.memory_space<vmem_shared>> -> memref<125x128xf32, #tpu.memory_space<vmem_shared>>
      tpu.wait_dma2 semaphore(%run_scoped3A : memref<!tpu.dma_semaphore, #tpu.memory_space<semaphore_mem>>) src(%arg11 : memref<125x128xf32, #tpu.memory_space<vmem>>) dst(%dma_wait3A_53 : memref<125x128xf32, #tpu.memory_space<vmem_shared>>)
      tpu.yield
    }) : () -> ()
    %mul3A_18 = arith.constant 625 : i32
    %mul3A_19 = arith.muli %mul3A_18, %arg1 : i32
    %add3A_20 = arith.constant 250 : i32
    %add3A_21 = arith.addi %mul3A_19, %add3A_20 : i32
    "tpu.region"() ({
      %run_scoped3A = tpu.sem_alloc : memref<!tpu.dma_semaphore, #tpu.memory_space<semaphore_mem>>
      %dma_start3A = arith.constant 0 : i32
      %dma_start3A_48 = tpu.memref_slice %arg12[%add3A_21, %dma_start3A] : memref<10000x128xf32, #tpu.memory_space<vmem_shared>> -> memref<125x128xf32, #tpu.memory_space<vmem_shared>>
      %dma_start3A_49 = arith.constant 0 : i32
      %dma_start3A_50 = tpu.memref_slice %arg12[%add3A_21, %dma_start3A_49] : memref<10000x128xf32, #tpu.memory_space<vmem_shared>> -> memref<125x128xf32, #tpu.memory_space<vmem_shared>>
      tpu.enqueue_dma source(%arg11 : memref<125x128xf32, #tpu.memory_space<vmem>>) target(%dma_start3A_50 : memref<125x128xf32, #tpu.memory_space<vmem_shared>>) target_semaphore(%run_scoped3A : memref<!tpu.dma_semaphore, #tpu.memory_space<semaphore_mem>>)
      %dma_wait3A = arith.constant 0 : i32
      %dma_wait3A_51 = tpu.memref_slice %arg12[%add3A_21, %dma_wait3A] : memref<10000x128xf32, #tpu.memory_space<vmem_shared>> -> memref<125x128xf32, #tpu.memory_space<vmem_shared>>
      %dma_wait3A_52 = arith.constant 0 : i32
      %dma_wait3A_53 = tpu.memref_slice %arg12[%add3A_21, %dma_wait3A_52] : memref<10000x128xf32, #tpu.memory_space<vmem_shared>> -> memref<125x128xf32, #tpu.memory_space<vmem_shared>>
      tpu.wait_dma2 semaphore(%run_scoped3A : memref<!tpu.dma_semaphore, #tpu.memory_space<semaphore_mem>>) src(%arg11 : memref<125x128xf32, #tpu.memory_space<vmem>>) dst(%dma_wait3A_53 : memref<125x128xf32, #tpu.memory_space<vmem_shared>>)
      tpu.yield
    }) : () -> ()
    %mul3A_22 = arith.constant 625 : i32
    %mul3A_23 = arith.muli %mul3A_22, %arg1 : i32
    %add3A_24 = arith.constant 375 : i32
    %add3A_25 = arith.addi %mul3A_23, %add3A_24 : i32
    "tpu.region"() ({
      %run_scoped3A = tpu.sem_alloc : memref<!tpu.dma_semaphore, #tpu.memory_space<semaphore_mem>>
      %dma_start3A = arith.constant 0 : i32
      %dma_start3A_48 = tpu.memref_slice %arg12[%add3A_25, %dma_start3A] : memref<10000x128xf32, #tpu.memory_space<vmem_shared>> -> memref<125x128xf32, #tpu.memory_space<vmem_shared>>
      %dma_start3A_49 = arith.constant 0 : i32
      %dma_start3A_50 = tpu.memref_slice %arg12[%add3A_25, %dma_start3A_49] : memref<10000x128xf32, #tpu.memory_space<vmem_shared>> -> memref<125x128xf32, #tpu.memory_space<vmem_shared>>
      tpu.enqueue_dma source(%arg11 : memref<125x128xf32, #tpu.memory_space<vmem>>) target(%dma_start3A_50 : memref<125x128xf32, #tpu.memory_space<vmem_shared>>) target_semaphore(%run_scoped3A : memref<!tpu.dma_semaphore, #tpu.memory_space<semaphore_mem>>)
      %dma_wait3A = arith.constant 0 : i32
      %dma_wait3A_51 = tpu.memref_slice %arg12[%add3A_25, %dma_wait3A] : memref<10000x128xf32, #tpu.memory_space<vmem_shared>> -> memref<125x128xf32, #tpu.memory_space<vmem_shared>>
      %dma_wait3A_52 = arith.constant 0 : i32
      %dma_wait3A_53 = tpu.memref_slice %arg12[%add3A_25, %dma_wait3A_52] : memref<10000x128xf32, #tpu.memory_space<vmem_shared>> -> memref<125x128xf32, #tpu.memory_space<vmem_shared>>
      tpu.wait_dma2 semaphore(%run_scoped3A : memref<!tpu.dma_semaphore, #tpu.memory_space<semaphore_mem>>) src(%arg11 : memref<125x128xf32, #tpu.memory_space<vmem>>) dst(%dma_wait3A_53 : memref<125x128xf32, #tpu.memory_space<vmem_shared>>)
      tpu.yield
    }) : () -> ()
    %mul3A_26 = arith.constant 625 : i32
    %mul3A_27 = arith.muli %mul3A_26, %arg1 : i32
    %add3A_28 = arith.constant 500 : i32
    %add3A_29 = arith.addi %mul3A_27, %add3A_28 : i32
    "tpu.region"() ({
      %run_scoped3A = tpu.sem_alloc : memref<!tpu.dma_semaphore, #tpu.memory_space<semaphore_mem>>
      %dma_start3A = arith.constant 0 : i32
      %dma_start3A_48 = tpu.memref_slice %arg12[%add3A_29, %dma_start3A] : memref<10000x128xf32, #tpu.memory_space<vmem_shared>> -> memref<125x128xf32, #tpu.memory_space<vmem_shared>>
      %dma_start3A_49 = arith.constant 0 : i32
      %dma_start3A_50 = tpu.memref_slice %arg12[%add3A_29, %dma_start3A_49] : memref<10000x128xf32, #tpu.memory_space<vmem_shared>> -> memref<125x128xf32, #tpu.memory_space<vmem_shared>>
      tpu.enqueue_dma source(%arg11 : memref<125x128xf32, #tpu.memory_space<vmem>>) target(%dma_start3A_50 : memref<125x128xf32, #tpu.memory_space<vmem_shared>>) target_semaphore(%run_scoped3A : memref<!tpu.dma_semaphore, #tpu.memory_space<semaphore_mem>>)
      %dma_wait3A = arith.constant 0 : i32
      %dma_wait3A_51 = tpu.memref_slice %arg12[%add3A_29, %dma_wait3A] : memref<10000x128xf32, #tpu.memory_space<vmem_shared>> -> memref<125x128xf32, #tpu.memory_space<vmem_shared>>
      %dma_wait3A_52 = arith.constant 0 : i32
      %dma_wait3A_53 = tpu.memref_slice %arg12[%add3A_29, %dma_wait3A_52] : memref<10000x128xf32, #tpu.memory_space<vmem_shared>> -> memref<125x128xf32, #tpu.memory_space<vmem_shared>>
      tpu.wait_dma2 semaphore(%run_scoped3A : memref<!tpu.dma_semaphore, #tpu.memory_space<semaphore_mem>>) src(%arg11 : memref<125x128xf32, #tpu.memory_space<vmem>>) dst(%dma_wait3A_53 : memref<125x128xf32, #tpu.memory_space<vmem_shared>>)
      tpu.yield
    }) : () -> ()
    %barrier3A = arith.constant 0 : index
    tpu.barrier barrier_id(%barrier3A)
    %eq3A = arith.constant 0 : i32
    %eq3A_30 = arith.cmpi eq, %arg0, %eq3A : i32
    %convert_element_type3A = arith.extui %eq3A_30 : i1 to i32
    %cond3A = arith.constant 0 : i32
    %cond3A_31 = arith.cmpi ne, %convert_element_type3A, %cond3A : i32
    scf.if %cond3A_31 {
      %add3A_48 = arith.constant 0 : i32
      %add3A_49 = arith.addi %add3A, %add3A_48 : i32
      "tpu.region"() ({
        %run_scoped3A = tpu.sem_alloc : memref<!tpu.dma_semaphore, #tpu.memory_space<semaphore_mem>>
        %dma_start3A_62 = arith.constant 0 : i32
        %dma_start3A_63 = tpu.memref_slice %arg4[%add3A_49, %dma_start3A_62] : memref<1250x128xi32, #tpu.memory_space<hbm>> -> memref<1x128xi32, #tpu.memory_space<hbm>>
        %dma_start3A_64 = tpu.memref_squeeze %dma_start3A_63 : memref<1x128xi32, #tpu.memory_space<hbm>> -> memref<128xi32, #tpu.memory_space<hbm>>
        %dma_start3A_65 = arith.constant 0 : i32
        %dma_start3A_66 = tpu.memref_slice %arg4[%add3A_49, %dma_start3A_65] : memref<1250x128xi32, #tpu.memory_space<hbm>> -> memref<1x128xi32, #tpu.memory_space<hbm>>
        %dma_start3A_67 = tpu.memref_squeeze %dma_start3A_66 : memref<1x128xi32, #tpu.memory_space<hbm>> -> memref<128xi32, #tpu.memory_space<hbm>>
        tpu.enqueue_dma source(%dma_start3A_67 : memref<128xi32, #tpu.memory_space<hbm>>) target(%arg7 : memref<128xi32, #tpu.memory_space<vmem>>) target_semaphore(%run_scoped3A : memref<!tpu.dma_semaphore, #tpu.memory_space<semaphore_mem>>)
        %dma_wait3A = arith.constant 0 : i32
        %dma_wait3A_68 = tpu.memref_slice %arg4[%add3A_49, %dma_wait3A] : memref<1250x128xi32, #tpu.memory_space<hbm>> -> memref<1x128xi32, #tpu.memory_space<hbm>>
        %dma_wait3A_69 = tpu.memref_squeeze %dma_wait3A_68 : memref<1x128xi32, #tpu.memory_space<hbm>> -> memref<128xi32, #tpu.memory_space<hbm>>
        %dma_wait3A_70 = arith.constant 0 : i32
        %dma_wait3A_71 = tpu.memref_slice %arg4[%add3A_49, %dma_wait3A_70] : memref<1250x128xi32, #tpu.memory_space<hbm>> -> memref<1x128xi32, #tpu.memory_space<hbm>>
        %dma_wait3A_72 = tpu.memref_squeeze %dma_wait3A_71 : memref<1x128xi32, #tpu.memory_space<hbm>> -> memref<128xi32, #tpu.memory_space<hbm>>
        tpu.wait_dma2 semaphore(%run_scoped3A : memref<!tpu.dma_semaphore, #tpu.memory_space<semaphore_mem>>) src(%dma_wait3A_72 : memref<128xi32, #tpu.memory_space<hbm>>) dst(%arg7 : memref<128xi32, #tpu.memory_space<vmem>>)
        tpu.yield
      }) : () -> ()
      %mul3A_50 = arith.constant 128 : i32
      %mul3A_51 = arith.muli %add3A_49, %mul3A_50 : i32
      %dma_start3A = arith.constant 0 : i32
      %dma_start3A_52 = tpu.memref_slice %arg2[%mul3A_51, %dma_start3A] : memref<160000x128xf32, #tpu.memory_space<hbm>> -> memref<128x128xf32, #tpu.memory_space<hbm>>
      %dma_start3A_53 = arith.constant 0 : i32
      %dma_start3A_54 = tpu.memref_slice %arg2[%mul3A_51, %dma_start3A_53] : memref<160000x128xf32, #tpu.memory_space<hbm>> -> memref<128x128xf32, #tpu.memory_space<hbm>>
      tpu.enqueue_dma source(%dma_start3A_54 : memref<128x128xf32, #tpu.memory_space<hbm>>) target(%arg9 : memref<128x128xf32, #tpu.memory_space<vmem>>) target_semaphore(%arg13 : memref<!tpu.dma_semaphore, #tpu.memory_space<semaphore_mem>>)
      %scan3A_55 = arith.constant 0 : i32
      %scan3A_56 = arith.constant 0 : i32
      %scan3A_57 = arith.constant 40 : i32
      %scan3A_58 = arith.addi %scan3A_56, %scan3A_57 : i32
      %scan3A_59 = arith.constant 1 : i32
      %scan3A_60 = scf.for %scan3A_62 = %scan3A_56 to %scan3A_58 step %scan3A_59 iter_args(%scan3A_63 = %scan3A_55) -> (i32)  : i32 {
        %mul3A_64 = arith.constant 2 : i32
        %mul3A_65 = arith.muli %mul3A_64, %scan3A_62 : i32
        %lt3A_66 = arith.cmpi slt, %mul3A_65, %select_n3A : i32
        %convert_element_type3A_67 = arith.extui %lt3A_66 : i1 to i32
        %cond3A_68 = arith.constant 0 : i32
        %cond3A_69 = arith.cmpi ne, %convert_element_type3A_67, %cond3A_68 : i32
        scf.if %cond3A_69 {
          %add3A_79 = arith.constant 1 : i32
          %add3A_80 = arith.addi %mul3A_65, %add3A_79 : i32
          %lt3A_81 = arith.cmpi slt, %add3A_80, %select_n3A : i32
          %convert_element_type3A_82 = arith.extui %lt3A_81 : i1 to i32
          %cond3A_83 = arith.constant 0 : i32
          %cond3A_84 = arith.cmpi ne, %convert_element_type3A_82, %cond3A_83 : i32
          scf.if %cond3A_84 {
            %add3A_90 = arith.constant 1 : i32
            %add3A_91 = arith.addi %mul3A_65, %add3A_90 : i32
            %add3A_92 = arith.addi %add3A, %add3A_91 : i32
            "tpu.region"() ({
              %run_scoped3A = tpu.sem_alloc : memref<!tpu.dma_semaphore, #tpu.memory_space<semaphore_mem>>
              %dma_start3A_99 = arith.constant 0 : i32
              %dma_start3A_100 = tpu.memref_slice %arg4[%add3A_92, %dma_start3A_99] : memref<1250x128xi32, #tpu.memory_space<hbm>> -> memref<1x128xi32, #tpu.memory_space<hbm>>
              %dma_start3A_101 = tpu.memref_squeeze %dma_start3A_100 : memref<1x128xi32, #tpu.memory_space<hbm>> -> memref<128xi32, #tpu.memory_space<hbm>>
              %dma_start3A_102 = arith.constant 0 : i32
              %dma_start3A_103 = tpu.memref_slice %arg4[%add3A_92, %dma_start3A_102] : memref<1250x128xi32, #tpu.memory_space<hbm>> -> memref<1x128xi32, #tpu.memory_space<hbm>>
              %dma_start3A_104 = tpu.memref_squeeze %dma_start3A_103 : memref<1x128xi32, #tpu.memory_space<hbm>> -> memref<128xi32, #tpu.memory_space<hbm>>
              tpu.enqueue_dma source(%dma_start3A_104 : memref<128xi32, #tpu.memory_space<hbm>>) target(%arg8 : memref<128xi32, #tpu.memory_space<vmem>>) target_semaphore(%run_scoped3A : memref<!tpu.dma_semaphore, #tpu.memory_space<semaphore_mem>>)
              %dma_wait3A_105 = arith.constant 0 : i32
              %dma_wait3A_106 = tpu.memref_slice %arg4[%add3A_92, %dma_wait3A_105] : memref<1250x128xi32, #tpu.memory_space<hbm>> -> memref<1x128xi32, #tpu.memory_space<hbm>>
              %dma_wait3A_107 = tpu.memref_squeeze %dma_wait3A_106 : memref<1x128xi32, #tpu.memory_space<hbm>> -> memref<128xi32, #tpu.memory_space<hbm>>
              %dma_wait3A_108 = arith.constant 0 : i32
              %dma_wait3A_109 = tpu.memref_slice %arg4[%add3A_92, %dma_wait3A_108] : memref<1250x128xi32, #tpu.memory_space<hbm>> -> memref<1x128xi32, #tpu.memory_space<hbm>>
              %dma_wait3A_110 = tpu.memref_squeeze %dma_wait3A_109 : memref<1x128xi32, #tpu.memory_space<hbm>> -> memref<128xi32, #tpu.memory_space<hbm>>
              tpu.wait_dma2 semaphore(%run_scoped3A : memref<!tpu.dma_semaphore, #tpu.memory_space<semaphore_mem>>) src(%dma_wait3A_110 : memref<128xi32, #tpu.memory_space<hbm>>) dst(%arg8 : memref<128xi32, #tpu.memory_space<vmem>>)
              tpu.yield
            }) : () -> ()
            %mul3A_93 = arith.constant 128 : i32
            %mul3A_94 = arith.muli %add3A_92, %mul3A_93 : i32
            %dma_start3A_95 = arith.constant 0 : i32
            %dma_start3A_96 = tpu.memref_slice %arg2[%mul3A_94, %dma_start3A_95] : memref<160000x128xf32, #tpu.memory_space<hbm>> -> memref<128x128xf32, #tpu.memory_space<hbm>>
            %dma_start3A_97 = arith.constant 0 : i32
            %dma_start3A_98 = tpu.memref_slice %arg2[%mul3A_94, %dma_start3A_97] : memref<160000x128xf32, #tpu.memory_space<hbm>> -> memref<128x128xf32, #tpu.memory_space<hbm>>
            tpu.enqueue_dma source(%dma_start3A_98 : memref<128x128xf32, #tpu.memory_space<hbm>>) target(%arg10 : memref<128x128xf32, #tpu.memory_space<vmem>>) target_semaphore(%arg14 : memref<!tpu.dma_semaphore, #tpu.memory_space<semaphore_mem>>)
          } else {
          }
          %dma_wait3A = arith.constant 0 : i32
          %dma_wait3A_85 = arith.constant 0 : i32
          %dma_wait3A_86 = tpu.memref_slice %arg2[%dma_wait3A, %dma_wait3A_85] : memref<160000x128xf32, #tpu.memory_space<hbm>> -> memref<128x128xf32, #tpu.memory_space<hbm>>
          %dma_wait3A_87 = arith.constant 0 : i32
          %dma_wait3A_88 = arith.constant 0 : i32
          %dma_wait3A_89 = tpu.memref_slice %arg2[%dma_wait3A_87, %dma_wait3A_88] : memref<160000x128xf32, #tpu.memory_space<hbm>> -> memref<128x128xf32, #tpu.memory_space<hbm>>
          tpu.wait_dma2 semaphore(%arg13 : memref<!tpu.dma_semaphore, #tpu.memory_space<semaphore_mem>>) src(%dma_wait3A_89 : memref<128x128xf32, #tpu.memory_space<hbm>>) dst(%arg9 : memref<128x128xf32, #tpu.memory_space<vmem>>)
          "tpu.region"() ({
            %run_scoped3A = tpu.sem_alloc : memref<!tpu.dma_semaphore, #tpu.memory_space<semaphore_mem>>
            %dma_start3A_90 = arith.constant 0 : i32
            %dma_start3A_91 = arith.constant 0 : i32
            %dma_start3A_92 = tpu.memref_slice %arg12[%dma_start3A_90, %dma_start3A_91] : memref<10000x128xf32, #tpu.memory_space<vmem_shared>> -> memref<10000x128xf32, #tpu.memory_space<vmem_shared>>
            tpu.enqueue_indirect_dma source(%arg9 : memref<128x128xf32, #tpu.memory_space<vmem>>) target(%dma_start3A_92 : memref<10000x128xf32, #tpu.memory_space<vmem_shared>>) offsets(%arg7 : memref<128xi32, #tpu.memory_space<vmem>>) semaphore(%run_scoped3A : memref<!tpu.dma_semaphore, #tpu.memory_space<semaphore_mem>>) {add = true}
            %dma_wait3A_93 = arith.constant 0 : i32
            %dma_wait3A_94 = arith.constant 0 : i32
            %dma_wait3A_95 = tpu.memref_slice %arg12[%dma_wait3A_93, %dma_wait3A_94] : memref<10000x128xf32, #tpu.memory_space<vmem_shared>> -> memref<10000x128xf32, #tpu.memory_space<vmem_shared>>
            tpu.wait_indirect_dma semaphore(%run_scoped3A : memref<!tpu.dma_semaphore, #tpu.memory_space<semaphore_mem>>) src(%arg9 : memref<128x128xf32, #tpu.memory_space<vmem>>) dst(%dma_wait3A_95 : memref<10000x128xf32, #tpu.memory_space<vmem_shared>>)
            tpu.yield
          }) : () -> ()
        } else {
        }
        %mul3A_70 = arith.constant 2 : i32
        %mul3A_71 = arith.muli %mul3A_70, %scan3A_62 : i32
        %add3A_72 = arith.constant 1 : i32
        %add3A_73 = arith.addi %mul3A_71, %add3A_72 : i32
        %lt3A_74 = arith.cmpi slt, %add3A_73, %select_n3A : i32
        %convert_element_type3A_75 = arith.extui %lt3A_74 : i1 to i32
        %cond3A_76 = arith.constant 0 : i32
        %cond3A_77 = arith.cmpi ne, %convert_element_type3A_75, %cond3A_76 : i32
        scf.if %cond3A_77 {
          %add3A_79 = arith.constant 1 : i32
          %add3A_80 = arith.addi %add3A_73, %add3A_79 : i32
          %lt3A_81 = arith.cmpi slt, %add3A_80, %select_n3A : i32
          %convert_element_type3A_82 = arith.extui %lt3A_81 : i1 to i32
          %cond3A_83 = arith.constant 0 : i32
          %cond3A_84 = arith.cmpi ne, %convert_element_type3A_82, %cond3A_83 : i32
          scf.if %cond3A_84 {
            %add3A_90 = arith.constant 1 : i32
            %add3A_91 = arith.addi %add3A_73, %add3A_90 : i32
            %add3A_92 = arith.addi %add3A, %add3A_91 : i32
            "tpu.region"() ({
              %run_scoped3A = tpu.sem_alloc : memref<!tpu.dma_semaphore, #tpu.memory_space<semaphore_mem>>
              %dma_start3A_99 = arith.constant 0 : i32
              %dma_start3A_100 = tpu.memref_slice %arg4[%add3A_92, %dma_start3A_99] : memref<1250x128xi32, #tpu.memory_space<hbm>> -> memref<1x128xi32, #tpu.memory_space<hbm>>
              %dma_start3A_101 = tpu.memref_squeeze %dma_start3A_100 : memref<1x128xi32, #tpu.memory_space<hbm>> -> memref<128xi32, #tpu.memory_space<hbm>>
              %dma_start3A_102 = arith.constant 0 : i32
              %dma_start3A_103 = tpu.memref_slice %arg4[%add3A_92, %dma_start3A_102] : memref<1250x128xi32, #tpu.memory_space<hbm>> -> memref<1x128xi32, #tpu.memory_space<hbm>>
              %dma_start3A_104 = tpu.memref_squeeze %dma_start3A_103 : memref<1x128xi32, #tpu.memory_space<hbm>> -> memref<128xi32, #tpu.memory_space<hbm>>
              tpu.enqueue_dma source(%dma_start3A_104 : memref<128xi32, #tpu.memory_space<hbm>>) target(%arg7 : memref<128xi32, #tpu.memory_space<vmem>>) target_semaphore(%run_scoped3A : memref<!tpu.dma_semaphore, #tpu.memory_space<semaphore_mem>>)
              %dma_wait3A_105 = arith.constant 0 : i32
              %dma_wait3A_106 = tpu.memref_slice %arg4[%add3A_92, %dma_wait3A_105] : memref<1250x128xi32, #tpu.memory_space<hbm>> -> memref<1x128xi32, #tpu.memory_space<hbm>>
              %dma_wait3A_107 = tpu.memref_squeeze %dma_wait3A_106 : memref<1x128xi32, #tpu.memory_space<hbm>> -> memref<128xi32, #tpu.memory_space<hbm>>
              %dma_wait3A_108 = arith.constant 0 : i32
              %dma_wait3A_109 = tpu.memref_slice %arg4[%add3A_92, %dma_wait3A_108] : memref<1250x128xi32, #tpu.memory_space<hbm>> -> memref<1x128xi32, #tpu.memory_space<hbm>>
              %dma_wait3A_110 = tpu.memref_squeeze %dma_wait3A_109 : memref<1x128xi32, #tpu.memory_space<hbm>> -> memref<128xi32, #tpu.memory_space<hbm>>
              tpu.wait_dma2 semaphore(%run_scoped3A : memref<!tpu.dma_semaphore, #tpu.memory_space<semaphore_mem>>) src(%dma_wait3A_110 : memref<128xi32, #tpu.memory_space<hbm>>) dst(%arg7 : memref<128xi32, #tpu.memory_space<vmem>>)
              tpu.yield
            }) : () -> ()
            %mul3A_93 = arith.constant 128 : i32
            %mul3A_94 = arith.muli %add3A_92, %mul3A_93 : i32
            %dma_start3A_95 = arith.constant 0 : i32
            %dma_start3A_96 = tpu.memref_slice %arg2[%mul3A_94, %dma_start3A_95] : memref<160000x128xf32, #tpu.memory_space<hbm>> -> memref<128x128xf32, #tpu.memory_space<hbm>>
            %dma_start3A_97 = arith.constant 0 : i32
            %dma_start3A_98 = tpu.memref_slice %arg2[%mul3A_94, %dma_start3A_97] : memref<160000x128xf32, #tpu.memory_space<hbm>> -> memref<128x128xf32, #tpu.memory_space<hbm>>
            tpu.enqueue_dma source(%dma_start3A_98 : memref<128x128xf32, #tpu.memory_space<hbm>>) target(%arg9 : memref<128x128xf32, #tpu.memory_space<vmem>>) target_semaphore(%arg13 : memref<!tpu.dma_semaphore, #tpu.memory_space<semaphore_mem>>)
          } else {
          }
          %dma_wait3A = arith.constant 0 : i32
          %dma_wait3A_85 = arith.constant 0 : i32
          %dma_wait3A_86 = tpu.memref_slice %arg2[%dma_wait3A, %dma_wait3A_85] : memref<160000x128xf32, #tpu.memory_space<hbm>> -> memref<128x128xf32, #tpu.memory_space<hbm>>
          %dma_wait3A_87 = arith.constant 0 : i32
          %dma_wait3A_88 = arith.constant 0 : i32
          %dma_wait3A_89 = tpu.memref_slice %arg2[%dma_wait3A_87, %dma_wait3A_88] : memref<160000x128xf32, #tpu.memory_space<hbm>> -> memref<128x128xf32, #tpu.memory_space<hbm>>
          tpu.wait_dma2 semaphore(%arg14 : memref<!tpu.dma_semaphore, #tpu.memory_space<semaphore_mem>>) src(%dma_wait3A_89 : memref<128x128xf32, #tpu.memory_space<hbm>>) dst(%arg10 : memref<128x128xf32, #tpu.memory_space<vmem>>)
          "tpu.region"() ({
            %run_scoped3A = tpu.sem_alloc : memref<!tpu.dma_semaphore, #tpu.memory_space<semaphore_mem>>
            %dma_start3A_90 = arith.constant 0 : i32
            %dma_start3A_91 = arith.constant 0 : i32
            %dma_start3A_92 = tpu.memref_slice %arg12[%dma_start3A_90, %dma_start3A_91] : memref<10000x128xf32, #tpu.memory_space<vmem_shared>> -> memref<10000x128xf32, #tpu.memory_space<vmem_shared>>
            tpu.enqueue_indirect_dma source(%arg10 : memref<128x128xf32, #tpu.memory_space<vmem>>) target(%dma_start3A_92 : memref<10000x128xf32, #tpu.memory_space<vmem_shared>>) offsets(%arg8 : memref<128xi32, #tpu.memory_space<vmem>>) semaphore(%run_scoped3A : memref<!tpu.dma_semaphore, #tpu.memory_space<semaphore_mem>>) {add = true}
            %dma_wait3A_93 = arith.constant 0 : i32
            %dma_wait3A_94 = arith.constant 0 : i32
            %dma_wait3A_95 = tpu.memref_slice %arg12[%dma_wait3A_93, %dma_wait3A_94] : memref<10000x128xf32, #tpu.memory_space<vmem_shared>> -> memref<10000x128xf32, #tpu.memory_space<vmem_shared>>
            tpu.wait_indirect_dma semaphore(%run_scoped3A : memref<!tpu.dma_semaphore, #tpu.memory_space<semaphore_mem>>) src(%arg10 : memref<128x128xf32, #tpu.memory_space<vmem>>) dst(%dma_wait3A_95 : memref<10000x128xf32, #tpu.memory_space<vmem_shared>>)
            tpu.yield
          }) : () -> ()
        } else {
        }
        %scan3A_78 = arith.constant 0 : i32
        scf.yield %scan3A_78 : i32
      }
      %scan3A_61 = arith.constant 40 : i32
    } else {
    }
    %eq3A_32 = arith.constant 1 : i32
    %eq3A_33 = arith.cmpi eq, %arg0, %eq3A_32 : i32
    %convert_element_type3A_34 = arith.extui %eq3A_33 : i1 to i32
    %cond3A_35 = arith.constant 0 : i32
    %cond3A_36 = arith.cmpi ne, %convert_element_type3A_34, %cond3A_35 : i32
    scf.if %cond3A_36 {
      %add3A_48 = arith.constant 0 : i32
      %add3A_49 = arith.addi %add3A, %add3A_48 : i32
      "tpu.region"() ({
        %run_scoped3A = tpu.sem_alloc : memref<!tpu.dma_semaphore, #tpu.memory_space<semaphore_mem>>
        %dma_start3A_62 = arith.constant 0 : i32
        %dma_start3A_63 = tpu.memref_slice %arg4[%add3A_49, %dma_start3A_62] : memref<1250x128xi32, #tpu.memory_space<hbm>> -> memref<1x128xi32, #tpu.memory_space<hbm>>
        %dma_start3A_64 = tpu.memref_squeeze %dma_start3A_63 : memref<1x128xi32, #tpu.memory_space<hbm>> -> memref<128xi32, #tpu.memory_space<hbm>>
        %dma_start3A_65 = arith.constant 0 : i32
        %dma_start3A_66 = tpu.memref_slice %arg4[%add3A_49, %dma_start3A_65] : memref<1250x128xi32, #tpu.memory_space<hbm>> -> memref<1x128xi32, #tpu.memory_space<hbm>>
        %dma_start3A_67 = tpu.memref_squeeze %dma_start3A_66 : memref<1x128xi32, #tpu.memory_space<hbm>> -> memref<128xi32, #tpu.memory_space<hbm>>
        tpu.enqueue_dma source(%dma_start3A_67 : memref<128xi32, #tpu.memory_space<hbm>>) target(%arg7 : memref<128xi32, #tpu.memory_space<vmem>>) target_semaphore(%run_scoped3A : memref<!tpu.dma_semaphore, #tpu.memory_space<semaphore_mem>>)
        %dma_wait3A = arith.constant 0 : i32
        %dma_wait3A_68 = tpu.memref_slice %arg4[%add3A_49, %dma_wait3A] : memref<1250x128xi32, #tpu.memory_space<hbm>> -> memref<1x128xi32, #tpu.memory_space<hbm>>
        %dma_wait3A_69 = tpu.memref_squeeze %dma_wait3A_68 : memref<1x128xi32, #tpu.memory_space<hbm>> -> memref<128xi32, #tpu.memory_space<hbm>>
        %dma_wait3A_70 = arith.constant 0 : i32
        %dma_wait3A_71 = tpu.memref_slice %arg4[%add3A_49, %dma_wait3A_70] : memref<1250x128xi32, #tpu.memory_space<hbm>> -> memref<1x128xi32, #tpu.memory_space<hbm>>
        %dma_wait3A_72 = tpu.memref_squeeze %dma_wait3A_71 : memref<1x128xi32, #tpu.memory_space<hbm>> -> memref<128xi32, #tpu.memory_space<hbm>>
        tpu.wait_dma2 semaphore(%run_scoped3A : memref<!tpu.dma_semaphore, #tpu.memory_space<semaphore_mem>>) src(%dma_wait3A_72 : memref<128xi32, #tpu.memory_space<hbm>>) dst(%arg7 : memref<128xi32, #tpu.memory_space<vmem>>)
        tpu.yield
      }) : () -> ()
      %mul3A_50 = arith.constant 128 : i32
      %mul3A_51 = arith.muli %add3A_49, %mul3A_50 : i32
      %dma_start3A = arith.constant 0 : i32
      %dma_start3A_52 = tpu.memref_slice %arg3[%mul3A_51, %dma_start3A] : memref<160000x128xf32, #tpu.memory_space<hbm>> -> memref<128x128xf32, #tpu.memory_space<hbm>>
      %dma_start3A_53 = arith.constant 0 : i32
      %dma_start3A_54 = tpu.memref_slice %arg3[%mul3A_51, %dma_start3A_53] : memref<160000x128xf32, #tpu.memory_space<hbm>> -> memref<128x128xf32, #tpu.memory_space<hbm>>
      tpu.enqueue_dma source(%dma_start3A_54 : memref<128x128xf32, #tpu.memory_space<hbm>>) target(%arg9 : memref<128x128xf32, #tpu.memory_space<vmem>>) target_semaphore(%arg13 : memref<!tpu.dma_semaphore, #tpu.memory_space<semaphore_mem>>)
      %scan3A_55 = arith.constant 0 : i32
      %scan3A_56 = arith.constant 0 : i32
      %scan3A_57 = arith.constant 40 : i32
      %scan3A_58 = arith.addi %scan3A_56, %scan3A_57 : i32
      %scan3A_59 = arith.constant 1 : i32
      %scan3A_60 = scf.for %scan3A_62 = %scan3A_56 to %scan3A_58 step %scan3A_59 iter_args(%scan3A_63 = %scan3A_55) -> (i32)  : i32 {
        %mul3A_64 = arith.constant 2 : i32
        %mul3A_65 = arith.muli %mul3A_64, %scan3A_62 : i32
        %lt3A_66 = arith.cmpi slt, %mul3A_65, %select_n3A : i32
        %convert_element_type3A_67 = arith.extui %lt3A_66 : i1 to i32
        %cond3A_68 = arith.constant 0 : i32
        %cond3A_69 = arith.cmpi ne, %convert_element_type3A_67, %cond3A_68 : i32
        scf.if %cond3A_69 {
          %add3A_79 = arith.constant 1 : i32
          %add3A_80 = arith.addi %mul3A_65, %add3A_79 : i32
          %lt3A_81 = arith.cmpi slt, %add3A_80, %select_n3A : i32
          %convert_element_type3A_82 = arith.extui %lt3A_81 : i1 to i32
          %cond3A_83 = arith.constant 0 : i32
          %cond3A_84 = arith.cmpi ne, %convert_element_type3A_82, %cond3A_83 : i32
          scf.if %cond3A_84 {
            %add3A_90 = arith.constant 1 : i32
            %add3A_91 = arith.addi %mul3A_65, %add3A_90 : i32
            %add3A_92 = arith.addi %add3A, %add3A_91 : i32
            "tpu.region"() ({
              %run_scoped3A = tpu.sem_alloc : memref<!tpu.dma_semaphore, #tpu.memory_space<semaphore_mem>>
              %dma_start3A_99 = arith.constant 0 : i32
              %dma_start3A_100 = tpu.memref_slice %arg4[%add3A_92, %dma_start3A_99] : memref<1250x128xi32, #tpu.memory_space<hbm>> -> memref<1x128xi32, #tpu.memory_space<hbm>>
              %dma_start3A_101 = tpu.memref_squeeze %dma_start3A_100 : memref<1x128xi32, #tpu.memory_space<hbm>> -> memref<128xi32, #tpu.memory_space<hbm>>
              %dma_start3A_102 = arith.constant 0 : i32
              %dma_start3A_103 = tpu.memref_slice %arg4[%add3A_92, %dma_start3A_102] : memref<1250x128xi32, #tpu.memory_space<hbm>> -> memref<1x128xi32, #tpu.memory_space<hbm>>
              %dma_start3A_104 = tpu.memref_squeeze %dma_start3A_103 : memref<1x128xi32, #tpu.memory_space<hbm>> -> memref<128xi32, #tpu.memory_space<hbm>>
              tpu.enqueue_dma source(%dma_start3A_104 : memref<128xi32, #tpu.memory_space<hbm>>) target(%arg8 : memref<128xi32, #tpu.memory_space<vmem>>) target_semaphore(%run_scoped3A : memref<!tpu.dma_semaphore, #tpu.memory_space<semaphore_mem>>)
              %dma_wait3A_105 = arith.constant 0 : i32
              %dma_wait3A_106 = tpu.memref_slice %arg4[%add3A_92, %dma_wait3A_105] : memref<1250x128xi32, #tpu.memory_space<hbm>> -> memref<1x128xi32, #tpu.memory_space<hbm>>
              %dma_wait3A_107 = tpu.memref_squeeze %dma_wait3A_106 : memref<1x128xi32, #tpu.memory_space<hbm>> -> memref<128xi32, #tpu.memory_space<hbm>>
              %dma_wait3A_108 = arith.constant 0 : i32
              %dma_wait3A_109 = tpu.memref_slice %arg4[%add3A_92, %dma_wait3A_108] : memref<1250x128xi32, #tpu.memory_space<hbm>> -> memref<1x128xi32, #tpu.memory_space<hbm>>
              %dma_wait3A_110 = tpu.memref_squeeze %dma_wait3A_109 : memref<1x128xi32, #tpu.memory_space<hbm>> -> memref<128xi32, #tpu.memory_space<hbm>>
              tpu.wait_dma2 semaphore(%run_scoped3A : memref<!tpu.dma_semaphore, #tpu.memory_space<semaphore_mem>>) src(%dma_wait3A_110 : memref<128xi32, #tpu.memory_space<hbm>>) dst(%arg8 : memref<128xi32, #tpu.memory_space<vmem>>)
              tpu.yield
            }) : () -> ()
            %mul3A_93 = arith.constant 128 : i32
            %mul3A_94 = arith.muli %add3A_92, %mul3A_93 : i32
            %dma_start3A_95 = arith.constant 0 : i32
            %dma_start3A_96 = tpu.memref_slice %arg3[%mul3A_94, %dma_start3A_95] : memref<160000x128xf32, #tpu.memory_space<hbm>> -> memref<128x128xf32, #tpu.memory_space<hbm>>
            %dma_start3A_97 = arith.constant 0 : i32
            %dma_start3A_98 = tpu.memref_slice %arg3[%mul3A_94, %dma_start3A_97] : memref<160000x128xf32, #tpu.memory_space<hbm>> -> memref<128x128xf32, #tpu.memory_space<hbm>>
            tpu.enqueue_dma source(%dma_start3A_98 : memref<128x128xf32, #tpu.memory_space<hbm>>) target(%arg10 : memref<128x128xf32, #tpu.memory_space<vmem>>) target_semaphore(%arg14 : memref<!tpu.dma_semaphore, #tpu.memory_space<semaphore_mem>>)
          } else {
          }
          %dma_wait3A = arith.constant 0 : i32
          %dma_wait3A_85 = arith.constant 0 : i32
          %dma_wait3A_86 = tpu.memref_slice %arg3[%dma_wait3A, %dma_wait3A_85] : memref<160000x128xf32, #tpu.memory_space<hbm>> -> memref<128x128xf32, #tpu.memory_space<hbm>>
          %dma_wait3A_87 = arith.constant 0 : i32
          %dma_wait3A_88 = arith.constant 0 : i32
          %dma_wait3A_89 = tpu.memref_slice %arg3[%dma_wait3A_87, %dma_wait3A_88] : memref<160000x128xf32, #tpu.memory_space<hbm>> -> memref<128x128xf32, #tpu.memory_space<hbm>>
          tpu.wait_dma2 semaphore(%arg13 : memref<!tpu.dma_semaphore, #tpu.memory_space<semaphore_mem>>) src(%dma_wait3A_89 : memref<128x128xf32, #tpu.memory_space<hbm>>) dst(%arg9 : memref<128x128xf32, #tpu.memory_space<vmem>>)
          "tpu.region"() ({
            %run_scoped3A = tpu.sem_alloc : memref<!tpu.dma_semaphore, #tpu.memory_space<semaphore_mem>>
            %dma_start3A_90 = arith.constant 0 : i32
            %dma_start3A_91 = arith.constant 0 : i32
            %dma_start3A_92 = tpu.memref_slice %arg12[%dma_start3A_90, %dma_start3A_91] : memref<10000x128xf32, #tpu.memory_space<vmem_shared>> -> memref<10000x128xf32, #tpu.memory_space<vmem_shared>>
            tpu.enqueue_indirect_dma source(%arg9 : memref<128x128xf32, #tpu.memory_space<vmem>>) target(%dma_start3A_92 : memref<10000x128xf32, #tpu.memory_space<vmem_shared>>) offsets(%arg7 : memref<128xi32, #tpu.memory_space<vmem>>) semaphore(%run_scoped3A : memref<!tpu.dma_semaphore, #tpu.memory_space<semaphore_mem>>) {add = true}
            %dma_wait3A_93 = arith.constant 0 : i32
            %dma_wait3A_94 = arith.constant 0 : i32
            %dma_wait3A_95 = tpu.memref_slice %arg12[%dma_wait3A_93, %dma_wait3A_94] : memref<10000x128xf32, #tpu.memory_space<vmem_shared>> -> memref<10000x128xf32, #tpu.memory_space<vmem_shared>>
            tpu.wait_indirect_dma semaphore(%run_scoped3A : memref<!tpu.dma_semaphore, #tpu.memory_space<semaphore_mem>>) src(%arg9 : memref<128x128xf32, #tpu.memory_space<vmem>>) dst(%dma_wait3A_95 : memref<10000x128xf32, #tpu.memory_space<vmem_shared>>)
            tpu.yield
          }) : () -> ()
        } else {
        }
        %mul3A_70 = arith.constant 2 : i32
        %mul3A_71 = arith.muli %mul3A_70, %scan3A_62 : i32
        %add3A_72 = arith.constant 1 : i32
        %add3A_73 = arith.addi %mul3A_71, %add3A_72 : i32
        %lt3A_74 = arith.cmpi slt, %add3A_73, %select_n3A : i32
        %convert_element_type3A_75 = arith.extui %lt3A_74 : i1 to i32
        %cond3A_76 = arith.constant 0 : i32
        %cond3A_77 = arith.cmpi ne, %convert_element_type3A_75, %cond3A_76 : i32
        scf.if %cond3A_77 {
          %add3A_79 = arith.constant 1 : i32
          %add3A_80 = arith.addi %add3A_73, %add3A_79 : i32
          %lt3A_81 = arith.cmpi slt, %add3A_80, %select_n3A : i32
          %convert_element_type3A_82 = arith.extui %lt3A_81 : i1 to i32
          %cond3A_83 = arith.constant 0 : i32
          %cond3A_84 = arith.cmpi ne, %convert_element_type3A_82, %cond3A_83 : i32
          scf.if %cond3A_84 {
            %add3A_90 = arith.constant 1 : i32
            %add3A_91 = arith.addi %add3A_73, %add3A_90 : i32
            %add3A_92 = arith.addi %add3A, %add3A_91 : i32
            "tpu.region"() ({
              %run_scoped3A = tpu.sem_alloc : memref<!tpu.dma_semaphore, #tpu.memory_space<semaphore_mem>>
              %dma_start3A_99 = arith.constant 0 : i32
              %dma_start3A_100 = tpu.memref_slice %arg4[%add3A_92, %dma_start3A_99] : memref<1250x128xi32, #tpu.memory_space<hbm>> -> memref<1x128xi32, #tpu.memory_space<hbm>>
              %dma_start3A_101 = tpu.memref_squeeze %dma_start3A_100 : memref<1x128xi32, #tpu.memory_space<hbm>> -> memref<128xi32, #tpu.memory_space<hbm>>
              %dma_start3A_102 = arith.constant 0 : i32
              %dma_start3A_103 = tpu.memref_slice %arg4[%add3A_92, %dma_start3A_102] : memref<1250x128xi32, #tpu.memory_space<hbm>> -> memref<1x128xi32, #tpu.memory_space<hbm>>
              %dma_start3A_104 = tpu.memref_squeeze %dma_start3A_103 : memref<1x128xi32, #tpu.memory_space<hbm>> -> memref<128xi32, #tpu.memory_space<hbm>>
              tpu.enqueue_dma source(%dma_start3A_104 : memref<128xi32, #tpu.memory_space<hbm>>) target(%arg7 : memref<128xi32, #tpu.memory_space<vmem>>) target_semaphore(%run_scoped3A : memref<!tpu.dma_semaphore, #tpu.memory_space<semaphore_mem>>)
              %dma_wait3A_105 = arith.constant 0 : i32
              %dma_wait3A_106 = tpu.memref_slice %arg4[%add3A_92, %dma_wait3A_105] : memref<1250x128xi32, #tpu.memory_space<hbm>> -> memref<1x128xi32, #tpu.memory_space<hbm>>
              %dma_wait3A_107 = tpu.memref_squeeze %dma_wait3A_106 : memref<1x128xi32, #tpu.memory_space<hbm>> -> memref<128xi32, #tpu.memory_space<hbm>>
              %dma_wait3A_108 = arith.constant 0 : i32
              %dma_wait3A_109 = tpu.memref_slice %arg4[%add3A_92, %dma_wait3A_108] : memref<1250x128xi32, #tpu.memory_space<hbm>> -> memref<1x128xi32, #tpu.memory_space<hbm>>
              %dma_wait3A_110 = tpu.memref_squeeze %dma_wait3A_109 : memref<1x128xi32, #tpu.memory_space<hbm>> -> memref<128xi32, #tpu.memory_space<hbm>>
              tpu.wait_dma2 semaphore(%run_scoped3A : memref<!tpu.dma_semaphore, #tpu.memory_space<semaphore_mem>>) src(%dma_wait3A_110 : memref<128xi32, #tpu.memory_space<hbm>>) dst(%arg7 : memref<128xi32, #tpu.memory_space<vmem>>)
              tpu.yield
            }) : () -> ()
            %mul3A_93 = arith.constant 128 : i32
            %mul3A_94 = arith.muli %add3A_92, %mul3A_93 : i32
            %dma_start3A_95 = arith.constant 0 : i32
            %dma_start3A_96 = tpu.memref_slice %arg3[%mul3A_94, %dma_start3A_95] : memref<160000x128xf32, #tpu.memory_space<hbm>> -> memref<128x128xf32, #tpu.memory_space<hbm>>
            %dma_start3A_97 = arith.constant 0 : i32
            %dma_start3A_98 = tpu.memref_slice %arg3[%mul3A_94, %dma_start3A_97] : memref<160000x128xf32, #tpu.memory_space<hbm>> -> memref<128x128xf32, #tpu.memory_space<hbm>>
            tpu.enqueue_dma source(%dma_start3A_98 : memref<128x128xf32, #tpu.memory_space<hbm>>) target(%arg9 : memref<128x128xf32, #tpu.memory_space<vmem>>) target_semaphore(%arg13 : memref<!tpu.dma_semaphore, #tpu.memory_space<semaphore_mem>>)
          } else {
          }
          %dma_wait3A = arith.constant 0 : i32
          %dma_wait3A_85 = arith.constant 0 : i32
          %dma_wait3A_86 = tpu.memref_slice %arg3[%dma_wait3A, %dma_wait3A_85] : memref<160000x128xf32, #tpu.memory_space<hbm>> -> memref<128x128xf32, #tpu.memory_space<hbm>>
          %dma_wait3A_87 = arith.constant 0 : i32
          %dma_wait3A_88 = arith.constant 0 : i32
          %dma_wait3A_89 = tpu.memref_slice %arg3[%dma_wait3A_87, %dma_wait3A_88] : memref<160000x128xf32, #tpu.memory_space<hbm>> -> memref<128x128xf32, #tpu.memory_space<hbm>>
          tpu.wait_dma2 semaphore(%arg14 : memref<!tpu.dma_semaphore, #tpu.memory_space<semaphore_mem>>) src(%dma_wait3A_89 : memref<128x128xf32, #tpu.memory_space<hbm>>) dst(%arg10 : memref<128x128xf32, #tpu.memory_space<vmem>>)
          "tpu.region"() ({
            %run_scoped3A = tpu.sem_alloc : memref<!tpu.dma_semaphore, #tpu.memory_space<semaphore_mem>>
            %dma_start3A_90 = arith.constant 0 : i32
            %dma_start3A_91 = arith.constant 0 : i32
            %dma_start3A_92 = tpu.memref_slice %arg12[%dma_start3A_90, %dma_start3A_91] : memref<10000x128xf32, #tpu.memory_space<vmem_shared>> -> memref<10000x128xf32, #tpu.memory_space<vmem_shared>>
            tpu.enqueue_indirect_dma source(%arg10 : memref<128x128xf32, #tpu.memory_space<vmem>>) target(%dma_start3A_92 : memref<10000x128xf32, #tpu.memory_space<vmem_shared>>) offsets(%arg8 : memref<128xi32, #tpu.memory_space<vmem>>) semaphore(%run_scoped3A : memref<!tpu.dma_semaphore, #tpu.memory_space<semaphore_mem>>) {add = true}
            %dma_wait3A_93 = arith.constant 0 : i32
            %dma_wait3A_94 = arith.constant 0 : i32
            %dma_wait3A_95 = tpu.memref_slice %arg12[%dma_wait3A_93, %dma_wait3A_94] : memref<10000x128xf32, #tpu.memory_space<vmem_shared>> -> memref<10000x128xf32, #tpu.memory_space<vmem_shared>>
            tpu.wait_indirect_dma semaphore(%run_scoped3A : memref<!tpu.dma_semaphore, #tpu.memory_space<semaphore_mem>>) src(%arg10 : memref<128x128xf32, #tpu.memory_space<vmem>>) dst(%dma_wait3A_95 : memref<10000x128xf32, #tpu.memory_space<vmem_shared>>)
            tpu.yield
          }) : () -> ()
        } else {
        }
        %scan3A_78 = arith.constant 0 : i32
        scf.yield %scan3A_78 : i32
      }
      %scan3A_61 = arith.constant 40 : i32
    } else {
    }
    %barrier3A_37 = arith.constant 0 : index
    tpu.barrier barrier_id(%barrier3A_37)
    %eq3A_38 = arith.constant 0 : i32
    %eq3A_39 = arith.cmpi eq, %arg0, %eq3A_38 : i32
    %convert_element_type3A_40 = arith.extui %eq3A_39 : i1 to i32
    %cond3A_41 = arith.constant 0 : i32
    %cond3A_42 = arith.cmpi ne, %convert_element_type3A_40, %cond3A_41 : i32
    scf.if %cond3A_42 {
      %mul3A_48 = arith.constant 625 : i32
      %mul3A_49 = arith.muli %mul3A_48, %arg1 : i32
      %add3A_50 = arith.constant 0 : i32
      %add3A_51 = arith.addi %mul3A_49, %add3A_50 : i32
      "tpu.region"() ({
        %run_scoped3A = tpu.sem_alloc : memref<!tpu.dma_semaphore, #tpu.memory_space<semaphore_mem>>
        %dma_start3A = arith.constant 0 : i32
        %dma_start3A_68 = tpu.memref_slice %arg12[%add3A_51, %dma_start3A] : memref<10000x128xf32, #tpu.memory_space<vmem_shared>> -> memref<125x128xf32, #tpu.memory_space<vmem_shared>>
        %dma_start3A_69 = arith.constant 0 : i32
        %dma_start3A_70 = tpu.memref_slice %arg12[%add3A_51, %dma_start3A_69] : memref<10000x128xf32, #tpu.memory_space<vmem_shared>> -> memref<125x128xf32, #tpu.memory_space<vmem_shared>>
        tpu.enqueue_dma source(%dma_start3A_70 : memref<125x128xf32, #tpu.memory_space<vmem_shared>>) target(%arg11 : memref<125x128xf32, #tpu.memory_space<vmem>>) target_semaphore(%run_scoped3A : memref<!tpu.dma_semaphore, #tpu.memory_space<semaphore_mem>>)
        %dma_wait3A = arith.constant 0 : i32
        %dma_wait3A_71 = tpu.memref_slice %arg12[%add3A_51, %dma_wait3A] : memref<10000x128xf32, #tpu.memory_space<vmem_shared>> -> memref<125x128xf32, #tpu.memory_space<vmem_shared>>
        %dma_wait3A_72 = arith.constant 0 : i32
        %dma_wait3A_73 = tpu.memref_slice %arg12[%add3A_51, %dma_wait3A_72] : memref<10000x128xf32, #tpu.memory_space<vmem_shared>> -> memref<125x128xf32, #tpu.memory_space<vmem_shared>>
        tpu.wait_dma2 semaphore(%run_scoped3A : memref<!tpu.dma_semaphore, #tpu.memory_space<semaphore_mem>>) src(%dma_wait3A_73 : memref<125x128xf32, #tpu.memory_space<vmem_shared>>) dst(%arg11 : memref<125x128xf32, #tpu.memory_space<vmem>>)
        tpu.yield
      }) : () -> ()
      "tpu.region"() ({
        %run_scoped3A = tpu.sem_alloc : memref<!tpu.dma_semaphore, #tpu.memory_space<semaphore_mem>>
        %dma_start3A = arith.constant 0 : i32
        %dma_start3A_68 = tpu.memref_slice %arg5[%add3A_51, %dma_start3A] : memref<10000x128xf32, #tpu.memory_space<hbm>> -> memref<125x128xf32, #tpu.memory_space<hbm>>
        %dma_start3A_69 = arith.constant 0 : i32
        %dma_start3A_70 = tpu.memref_slice %arg5[%add3A_51, %dma_start3A_69] : memref<10000x128xf32, #tpu.memory_space<hbm>> -> memref<125x128xf32, #tpu.memory_space<hbm>>
        tpu.enqueue_dma source(%arg11 : memref<125x128xf32, #tpu.memory_space<vmem>>) target(%dma_start3A_70 : memref<125x128xf32, #tpu.memory_space<hbm>>) target_semaphore(%run_scoped3A : memref<!tpu.dma_semaphore, #tpu.memory_space<semaphore_mem>>)
        %dma_wait3A = arith.constant 0 : i32
        %dma_wait3A_71 = tpu.memref_slice %arg5[%add3A_51, %dma_wait3A] : memref<10000x128xf32, #tpu.memory_space<hbm>> -> memref<125x128xf32, #tpu.memory_space<hbm>>
        %dma_wait3A_72 = arith.constant 0 : i32
        %dma_wait3A_73 = tpu.memref_slice %arg5[%add3A_51, %dma_wait3A_72] : memref<10000x128xf32, #tpu.memory_space<hbm>> -> memref<125x128xf32, #tpu.memory_space<hbm>>
        tpu.wait_dma2 semaphore(%run_scoped3A : memref<!tpu.dma_semaphore, #tpu.memory_space<semaphore_mem>>) src(%arg11 : memref<125x128xf32, #tpu.memory_space<vmem>>) dst(%dma_wait3A_73 : memref<125x128xf32, #tpu.memory_space<hbm>>)
        tpu.yield
      }) : () -> ()
      %mul3A_52 = arith.constant 625 : i32
      %mul3A_53 = arith.muli %mul3A_52, %arg1 : i32
      %add3A_54 = arith.constant 125 : i32
      %add3A_55 = arith.addi %mul3A_53, %add3A_54 : i32
      "tpu.region"() ({
        %run_scoped3A = tpu.sem_alloc : memref<!tpu.dma_semaphore, #tpu.memory_space<semaphore_mem>>
        %dma_start3A = arith.constant 0 : i32
        %dma_start3A_68 = tpu.memref_slice %arg12[%add3A_55, %dma_start3A] : memref<10000x128xf32, #tpu.memory_space<vmem_shared>> -> memref<125x128xf32, #tpu.memory_space<vmem_shared>>
        %dma_start3A_69 = arith.constant 0 : i32
        %dma_start3A_70 = tpu.memref_slice %arg12[%add3A_55, %dma_start3A_69] : memref<10000x128xf32, #tpu.memory_space<vmem_shared>> -> memref<125x128xf32, #tpu.memory_space<vmem_shared>>
        tpu.enqueue_dma source(%dma_start3A_70 : memref<125x128xf32, #tpu.memory_space<vmem_shared>>) target(%arg11 : memref<125x128xf32, #tpu.memory_space<vmem>>) target_semaphore(%run_scoped3A : memref<!tpu.dma_semaphore, #tpu.memory_space<semaphore_mem>>)
        %dma_wait3A = arith.constant 0 : i32
        %dma_wait3A_71 = tpu.memref_slice %arg12[%add3A_55, %dma_wait3A] : memref<10000x128xf32, #tpu.memory_space<vmem_shared>> -> memref<125x128xf32, #tpu.memory_space<vmem_shared>>
        %dma_wait3A_72 = arith.constant 0 : i32
        %dma_wait3A_73 = tpu.memref_slice %arg12[%add3A_55, %dma_wait3A_72] : memref<10000x128xf32, #tpu.memory_space<vmem_shared>> -> memref<125x128xf32, #tpu.memory_space<vmem_shared>>
        tpu.wait_dma2 semaphore(%run_scoped3A : memref<!tpu.dma_semaphore, #tpu.memory_space<semaphore_mem>>) src(%dma_wait3A_73 : memref<125x128xf32, #tpu.memory_space<vmem_shared>>) dst(%arg11 : memref<125x128xf32, #tpu.memory_space<vmem>>)
        tpu.yield
      }) : () -> ()
      "tpu.region"() ({
        %run_scoped3A = tpu.sem_alloc : memref<!tpu.dma_semaphore, #tpu.memory_space<semaphore_mem>>
        %dma_start3A = arith.constant 0 : i32
        %dma_start3A_68 = tpu.memref_slice %arg5[%add3A_55, %dma_start3A] : memref<10000x128xf32, #tpu.memory_space<hbm>> -> memref<125x128xf32, #tpu.memory_space<hbm>>
        %dma_start3A_69 = arith.constant 0 : i32
        %dma_start3A_70 = tpu.memref_slice %arg5[%add3A_55, %dma_start3A_69] : memref<10000x128xf32, #tpu.memory_space<hbm>> -> memref<125x128xf32, #tpu.memory_space<hbm>>
        tpu.enqueue_dma source(%arg11 : memref<125x128xf32, #tpu.memory_space<vmem>>) target(%dma_start3A_70 : memref<125x128xf32, #tpu.memory_space<hbm>>) target_semaphore(%run_scoped3A : memref<!tpu.dma_semaphore, #tpu.memory_space<semaphore_mem>>)
        %dma_wait3A = arith.constant 0 : i32
        %dma_wait3A_71 = tpu.memref_slice %arg5[%add3A_55, %dma_wait3A] : memref<10000x128xf32, #tpu.memory_space<hbm>> -> memref<125x128xf32, #tpu.memory_space<hbm>>
        %dma_wait3A_72 = arith.constant 0 : i32
        %dma_wait3A_73 = tpu.memref_slice %arg5[%add3A_55, %dma_wait3A_72] : memref<10000x128xf32, #tpu.memory_space<hbm>> -> memref<125x128xf32, #tpu.memory_space<hbm>>
        tpu.wait_dma2 semaphore(%run_scoped3A : memref<!tpu.dma_semaphore, #tpu.memory_space<semaphore_mem>>) src(%arg11 : memref<125x128xf32, #tpu.memory_space<vmem>>) dst(%dma_wait3A_73 : memref<125x128xf32, #tpu.memory_space<hbm>>)
        tpu.yield
      }) : () -> ()
      %mul3A_56 = arith.constant 625 : i32
      %mul3A_57 = arith.muli %mul3A_56, %arg1 : i32
      %add3A_58 = arith.constant 250 : i32
      %add3A_59 = arith.addi %mul3A_57, %add3A_58 : i32
      "tpu.region"() ({
        %run_scoped3A = tpu.sem_alloc : memref<!tpu.dma_semaphore, #tpu.memory_space<semaphore_mem>>
        %dma_start3A = arith.constant 0 : i32
        %dma_start3A_68 = tpu.memref_slice %arg12[%add3A_59, %dma_start3A] : memref<10000x128xf32, #tpu.memory_space<vmem_shared>> -> memref<125x128xf32, #tpu.memory_space<vmem_shared>>
        %dma_start3A_69 = arith.constant 0 : i32
        %dma_start3A_70 = tpu.memref_slice %arg12[%add3A_59, %dma_start3A_69] : memref<10000x128xf32, #tpu.memory_space<vmem_shared>> -> memref<125x128xf32, #tpu.memory_space<vmem_shared>>
        tpu.enqueue_dma source(%dma_start3A_70 : memref<125x128xf32, #tpu.memory_space<vmem_shared>>) target(%arg11 : memref<125x128xf32, #tpu.memory_space<vmem>>) target_semaphore(%run_scoped3A : memref<!tpu.dma_semaphore, #tpu.memory_space<semaphore_mem>>)
        %dma_wait3A = arith.constant 0 : i32
        %dma_wait3A_71 = tpu.memref_slice %arg12[%add3A_59, %dma_wait3A] : memref<10000x128xf32, #tpu.memory_space<vmem_shared>> -> memref<125x128xf32, #tpu.memory_space<vmem_shared>>
        %dma_wait3A_72 = arith.constant 0 : i32
        %dma_wait3A_73 = tpu.memref_slice %arg12[%add3A_59, %dma_wait3A_72] : memref<10000x128xf32, #tpu.memory_space<vmem_shared>> -> memref<125x128xf32, #tpu.memory_space<vmem_shared>>
        tpu.wait_dma2 semaphore(%run_scoped3A : memref<!tpu.dma_semaphore, #tpu.memory_space<semaphore_mem>>) src(%dma_wait3A_73 : memref<125x128xf32, #tpu.memory_space<vmem_shared>>) dst(%arg11 : memref<125x128xf32, #tpu.memory_space<vmem>>)
        tpu.yield
      }) : () -> ()
      "tpu.region"() ({
        %run_scoped3A = tpu.sem_alloc : memref<!tpu.dma_semaphore, #tpu.memory_space<semaphore_mem>>
        %dma_start3A = arith.constant 0 : i32
        %dma_start3A_68 = tpu.memref_slice %arg5[%add3A_59, %dma_start3A] : memref<10000x128xf32, #tpu.memory_space<hbm>> -> memref<125x128xf32, #tpu.memory_space<hbm>>
        %dma_start3A_69 = arith.constant 0 : i32
        %dma_start3A_70 = tpu.memref_slice %arg5[%add3A_59, %dma_start3A_69] : memref<10000x128xf32, #tpu.memory_space<hbm>> -> memref<125x128xf32, #tpu.memory_space<hbm>>
        tpu.enqueue_dma source(%arg11 : memref<125x128xf32, #tpu.memory_space<vmem>>) target(%dma_start3A_70 : memref<125x128xf32, #tpu.memory_space<hbm>>) target_semaphore(%run_scoped3A : memref<!tpu.dma_semaphore, #tpu.memory_space<semaphore_mem>>)
        %dma_wait3A = arith.constant 0 : i32
        %dma_wait3A_71 = tpu.memref_slice %arg5[%add3A_59, %dma_wait3A] : memref<10000x128xf32, #tpu.memory_space<hbm>> -> memref<125x128xf32, #tpu.memory_space<hbm>>
        %dma_wait3A_72 = arith.constant 0 : i32
        %dma_wait3A_73 = tpu.memref_slice %arg5[%add3A_59, %dma_wait3A_72] : memref<10000x128xf32, #tpu.memory_space<hbm>> -> memref<125x128xf32, #tpu.memory_space<hbm>>
        tpu.wait_dma2 semaphore(%run_scoped3A : memref<!tpu.dma_semaphore, #tpu.memory_space<semaphore_mem>>) src(%arg11 : memref<125x128xf32, #tpu.memory_space<vmem>>) dst(%dma_wait3A_73 : memref<125x128xf32, #tpu.memory_space<hbm>>)
        tpu.yield
      }) : () -> ()
      %mul3A_60 = arith.constant 625 : i32
      %mul3A_61 = arith.muli %mul3A_60, %arg1 : i32
      %add3A_62 = arith.constant 375 : i32
      %add3A_63 = arith.addi %mul3A_61, %add3A_62 : i32
      "tpu.region"() ({
        %run_scoped3A = tpu.sem_alloc : memref<!tpu.dma_semaphore, #tpu.memory_space<semaphore_mem>>
        %dma_start3A = arith.constant 0 : i32
        %dma_start3A_68 = tpu.memref_slice %arg12[%add3A_63, %dma_start3A] : memref<10000x128xf32, #tpu.memory_space<vmem_shared>> -> memref<125x128xf32, #tpu.memory_space<vmem_shared>>
        %dma_start3A_69 = arith.constant 0 : i32
        %dma_start3A_70 = tpu.memref_slice %arg12[%add3A_63, %dma_start3A_69] : memref<10000x128xf32, #tpu.memory_space<vmem_shared>> -> memref<125x128xf32, #tpu.memory_space<vmem_shared>>
        tpu.enqueue_dma source(%dma_start3A_70 : memref<125x128xf32, #tpu.memory_space<vmem_shared>>) target(%arg11 : memref<125x128xf32, #tpu.memory_space<vmem>>) target_semaphore(%run_scoped3A : memref<!tpu.dma_semaphore, #tpu.memory_space<semaphore_mem>>)
        %dma_wait3A = arith.constant 0 : i32
        %dma_wait3A_71 = tpu.memref_slice %arg12[%add3A_63, %dma_wait3A] : memref<10000x128xf32, #tpu.memory_space<vmem_shared>> -> memref<125x128xf32, #tpu.memory_space<vmem_shared>>
        %dma_wait3A_72 = arith.constant 0 : i32
        %dma_wait3A_73 = tpu.memref_slice %arg12[%add3A_63, %dma_wait3A_72] : memref<10000x128xf32, #tpu.memory_space<vmem_shared>> -> memref<125x128xf32, #tpu.memory_space<vmem_shared>>
        tpu.wait_dma2 semaphore(%run_scoped3A : memref<!tpu.dma_semaphore, #tpu.memory_space<semaphore_mem>>) src(%dma_wait3A_73 : memref<125x128xf32, #tpu.memory_space<vmem_shared>>) dst(%arg11 : memref<125x128xf32, #tpu.memory_space<vmem>>)
        tpu.yield
      }) : () -> ()
      "tpu.region"() ({
        %run_scoped3A = tpu.sem_alloc : memref<!tpu.dma_semaphore, #tpu.memory_space<semaphore_mem>>
        %dma_start3A = arith.constant 0 : i32
        %dma_start3A_68 = tpu.memref_slice %arg5[%add3A_63, %dma_start3A] : memref<10000x128xf32, #tpu.memory_space<hbm>> -> memref<125x128xf32, #tpu.memory_space<hbm>>
        %dma_start3A_69 = arith.constant 0 : i32
        %dma_start3A_70 = tpu.memref_slice %arg5[%add3A_63, %dma_start3A_69] : memref<10000x128xf32, #tpu.memory_space<hbm>> -> memref<125x128xf32, #tpu.memory_space<hbm>>
        tpu.enqueue_dma source(%arg11 : memref<125x128xf32, #tpu.memory_space<vmem>>) target(%dma_start3A_70 : memref<125x128xf32, #tpu.memory_space<hbm>>) target_semaphore(%run_scoped3A : memref<!tpu.dma_semaphore, #tpu.memory_space<semaphore_mem>>)
        %dma_wait3A = arith.constant 0 : i32
        %dma_wait3A_71 = tpu.memref_slice %arg5[%add3A_63, %dma_wait3A] : memref<10000x128xf32, #tpu.memory_space<hbm>> -> memref<125x128xf32, #tpu.memory_space<hbm>>
        %dma_wait3A_72 = arith.constant 0 : i32
        %dma_wait3A_73 = tpu.memref_slice %arg5[%add3A_63, %dma_wait3A_72] : memref<10000x128xf32, #tpu.memory_space<hbm>> -> memref<125x128xf32, #tpu.memory_space<hbm>>
        tpu.wait_dma2 semaphore(%run_scoped3A : memref<!tpu.dma_semaphore, #tpu.memory_space<semaphore_mem>>) src(%arg11 : memref<125x128xf32, #tpu.memory_space<vmem>>) dst(%dma_wait3A_73 : memref<125x128xf32, #tpu.memory_space<hbm>>)
        tpu.yield
      }) : () -> ()
      %mul3A_64 = arith.constant 625 : i32
      %mul3A_65 = arith.muli %mul3A_64, %arg1 : i32
      %add3A_66 = arith.constant 500 : i32
      %add3A_67 = arith.addi %mul3A_65, %add3A_66 : i32
      "tpu.region"() ({
        %run_scoped3A = tpu.sem_alloc : memref<!tpu.dma_semaphore, #tpu.memory_space<semaphore_mem>>
        %dma_start3A = arith.constant 0 : i32
        %dma_start3A_68 = tpu.memref_slice %arg12[%add3A_67, %dma_start3A] : memref<10000x128xf32, #tpu.memory_space<vmem_shared>> -> memref<125x128xf32, #tpu.memory_space<vmem_shared>>
        %dma_start3A_69 = arith.constant 0 : i32
        %dma_start3A_70 = tpu.memref_slice %arg12[%add3A_67, %dma_start3A_69] : memref<10000x128xf32, #tpu.memory_space<vmem_shared>> -> memref<125x128xf32, #tpu.memory_space<vmem_shared>>
        tpu.enqueue_dma source(%dma_start3A_70 : memref<125x128xf32, #tpu.memory_space<vmem_shared>>) target(%arg11 : memref<125x128xf32, #tpu.memory_space<vmem>>) target_semaphore(%run_scoped3A : memref<!tpu.dma_semaphore, #tpu.memory_space<semaphore_mem>>)
        %dma_wait3A = arith.constant 0 : i32
        %dma_wait3A_71 = tpu.memref_slice %arg12[%add3A_67, %dma_wait3A] : memref<10000x128xf32, #tpu.memory_space<vmem_shared>> -> memref<125x128xf32, #tpu.memory_space<vmem_shared>>
        %dma_wait3A_72 = arith.constant 0 : i32
        %dma_wait3A_73 = tpu.memref_slice %arg12[%add3A_67, %dma_wait3A_72] : memref<10000x128xf32, #tpu.memory_space<vmem_shared>> -> memref<125x128xf32, #tpu.memory_space<vmem_shared>>
        tpu.wait_dma2 semaphore(%run_scoped3A : memref<!tpu.dma_semaphore, #tpu.memory_space<semaphore_mem>>) src(%dma_wait3A_73 : memref<125x128xf32, #tpu.memory_space<vmem_shared>>) dst(%arg11 : memref<125x128xf32, #tpu.memory_space<vmem>>)
        tpu.yield
      }) : () -> ()
      "tpu.region"() ({
        %run_scoped3A = tpu.sem_alloc : memref<!tpu.dma_semaphore, #tpu.memory_space<semaphore_mem>>
        %dma_start3A = arith.constant 0 : i32
        %dma_start3A_68 = tpu.memref_slice %arg5[%add3A_67, %dma_start3A] : memref<10000x128xf32, #tpu.memory_space<hbm>> -> memref<125x128xf32, #tpu.memory_space<hbm>>
        %dma_start3A_69 = arith.constant 0 : i32
        %dma_start3A_70 = tpu.memref_slice %arg5[%add3A_67, %dma_start3A_69] : memref<10000x128xf32, #tpu.memory_space<hbm>> -> memref<125x128xf32, #tpu.memory_space<hbm>>
        tpu.enqueue_dma source(%arg11 : memref<125x128xf32, #tpu.memory_space<vmem>>) target(%dma_start3A_70 : memref<125x128xf32, #tpu.memory_space<hbm>>) target_semaphore(%run_scoped3A : memref<!tpu.dma_semaphore, #tpu.memory_space<semaphore_mem>>)
        %dma_wait3A = arith.constant 0 : i32
        %dma_wait3A_71 = tpu.memref_slice %arg5[%add3A_67, %dma_wait3A] : memref<10000x128xf32, #tpu.memory_space<hbm>> -> memref<125x128xf32, #tpu.memory_space<hbm>>
        %dma_wait3A_72 = arith.constant 0 : i32
        %dma_wait3A_73 = tpu.memref_slice %arg5[%add3A_67, %dma_wait3A_72] : memref<10000x128xf32, #tpu.memory_space<hbm>> -> memref<125x128xf32, #tpu.memory_space<hbm>>
        tpu.wait_dma2 semaphore(%run_scoped3A : memref<!tpu.dma_semaphore, #tpu.memory_space<semaphore_mem>>) src(%arg11 : memref<125x128xf32, #tpu.memory_space<vmem>>) dst(%dma_wait3A_73 : memref<125x128xf32, #tpu.memory_space<hbm>>)
        tpu.yield
      }) : () -> ()
    } else {
    }
    %eq3A_43 = arith.constant 1 : i32
    %eq3A_44 = arith.cmpi eq, %arg0, %eq3A_43 : i32
    %convert_element_type3A_45 = arith.extui %eq3A_44 : i1 to i32
    %cond3A_46 = arith.constant 0 : i32
    %cond3A_47 = arith.cmpi ne, %convert_element_type3A_45, %cond3A_46 : i32
    scf.if %cond3A_47 {
      %mul3A_48 = arith.constant 625 : i32
      %mul3A_49 = arith.muli %mul3A_48, %arg1 : i32
      %add3A_50 = arith.constant 0 : i32
      %add3A_51 = arith.addi %mul3A_49, %add3A_50 : i32
      "tpu.region"() ({
        %run_scoped3A = tpu.sem_alloc : memref<!tpu.dma_semaphore, #tpu.memory_space<semaphore_mem>>
        %dma_start3A = arith.constant 0 : i32
        %dma_start3A_68 = tpu.memref_slice %arg12[%add3A_51, %dma_start3A] : memref<10000x128xf32, #tpu.memory_space<vmem_shared>> -> memref<125x128xf32, #tpu.memory_space<vmem_shared>>
        %dma_start3A_69 = arith.constant 0 : i32
        %dma_start3A_70 = tpu.memref_slice %arg12[%add3A_51, %dma_start3A_69] : memref<10000x128xf32, #tpu.memory_space<vmem_shared>> -> memref<125x128xf32, #tpu.memory_space<vmem_shared>>
        tpu.enqueue_dma source(%dma_start3A_70 : memref<125x128xf32, #tpu.memory_space<vmem_shared>>) target(%arg11 : memref<125x128xf32, #tpu.memory_space<vmem>>) target_semaphore(%run_scoped3A : memref<!tpu.dma_semaphore, #tpu.memory_space<semaphore_mem>>)
        %dma_wait3A = arith.constant 0 : i32
        %dma_wait3A_71 = tpu.memref_slice %arg12[%add3A_51, %dma_wait3A] : memref<10000x128xf32, #tpu.memory_space<vmem_shared>> -> memref<125x128xf32, #tpu.memory_space<vmem_shared>>
        %dma_wait3A_72 = arith.constant 0 : i32
        %dma_wait3A_73 = tpu.memref_slice %arg12[%add3A_51, %dma_wait3A_72] : memref<10000x128xf32, #tpu.memory_space<vmem_shared>> -> memref<125x128xf32, #tpu.memory_space<vmem_shared>>
        tpu.wait_dma2 semaphore(%run_scoped3A : memref<!tpu.dma_semaphore, #tpu.memory_space<semaphore_mem>>) src(%dma_wait3A_73 : memref<125x128xf32, #tpu.memory_space<vmem_shared>>) dst(%arg11 : memref<125x128xf32, #tpu.memory_space<vmem>>)
        tpu.yield
      }) : () -> ()
      "tpu.region"() ({
        %run_scoped3A = tpu.sem_alloc : memref<!tpu.dma_semaphore, #tpu.memory_space<semaphore_mem>>
        %dma_start3A = arith.constant 0 : i32
        %dma_start3A_68 = tpu.memref_slice %arg6[%add3A_51, %dma_start3A] : memref<10000x128xf32, #tpu.memory_space<hbm>> -> memref<125x128xf32, #tpu.memory_space<hbm>>
        %dma_start3A_69 = arith.constant 0 : i32
        %dma_start3A_70 = tpu.memref_slice %arg6[%add3A_51, %dma_start3A_69] : memref<10000x128xf32, #tpu.memory_space<hbm>> -> memref<125x128xf32, #tpu.memory_space<hbm>>
        tpu.enqueue_dma source(%arg11 : memref<125x128xf32, #tpu.memory_space<vmem>>) target(%dma_start3A_70 : memref<125x128xf32, #tpu.memory_space<hbm>>) target_semaphore(%run_scoped3A : memref<!tpu.dma_semaphore, #tpu.memory_space<semaphore_mem>>)
        %dma_wait3A = arith.constant 0 : i32
        %dma_wait3A_71 = tpu.memref_slice %arg6[%add3A_51, %dma_wait3A] : memref<10000x128xf32, #tpu.memory_space<hbm>> -> memref<125x128xf32, #tpu.memory_space<hbm>>
        %dma_wait3A_72 = arith.constant 0 : i32
        %dma_wait3A_73 = tpu.memref_slice %arg6[%add3A_51, %dma_wait3A_72] : memref<10000x128xf32, #tpu.memory_space<hbm>> -> memref<125x128xf32, #tpu.memory_space<hbm>>
        tpu.wait_dma2 semaphore(%run_scoped3A : memref<!tpu.dma_semaphore, #tpu.memory_space<semaphore_mem>>) src(%arg11 : memref<125x128xf32, #tpu.memory_space<vmem>>) dst(%dma_wait3A_73 : memref<125x128xf32, #tpu.memory_space<hbm>>)
        tpu.yield
      }) : () -> ()
      %mul3A_52 = arith.constant 625 : i32
      %mul3A_53 = arith.muli %mul3A_52, %arg1 : i32
      %add3A_54 = arith.constant 125 : i32
      %add3A_55 = arith.addi %mul3A_53, %add3A_54 : i32
      "tpu.region"() ({
        %run_scoped3A = tpu.sem_alloc : memref<!tpu.dma_semaphore, #tpu.memory_space<semaphore_mem>>
        %dma_start3A = arith.constant 0 : i32
        %dma_start3A_68 = tpu.memref_slice %arg12[%add3A_55, %dma_start3A] : memref<10000x128xf32, #tpu.memory_space<vmem_shared>> -> memref<125x128xf32, #tpu.memory_space<vmem_shared>>
        %dma_start3A_69 = arith.constant 0 : i32
        %dma_start3A_70 = tpu.memref_slice %arg12[%add3A_55, %dma_start3A_69] : memref<10000x128xf32, #tpu.memory_space<vmem_shared>> -> memref<125x128xf32, #tpu.memory_space<vmem_shared>>
        tpu.enqueue_dma source(%dma_start3A_70 : memref<125x128xf32, #tpu.memory_space<vmem_shared>>) target(%arg11 : memref<125x128xf32, #tpu.memory_space<vmem>>) target_semaphore(%run_scoped3A : memref<!tpu.dma_semaphore, #tpu.memory_space<semaphore_mem>>)
        %dma_wait3A = arith.constant 0 : i32
        %dma_wait3A_71 = tpu.memref_slice %arg12[%add3A_55, %dma_wait3A] : memref<10000x128xf32, #tpu.memory_space<vmem_shared>> -> memref<125x128xf32, #tpu.memory_space<vmem_shared>>
        %dma_wait3A_72 = arith.constant 0 : i32
        %dma_wait3A_73 = tpu.memref_slice %arg12[%add3A_55, %dma_wait3A_72] : memref<10000x128xf32, #tpu.memory_space<vmem_shared>> -> memref<125x128xf32, #tpu.memory_space<vmem_shared>>
        tpu.wait_dma2 semaphore(%run_scoped3A : memref<!tpu.dma_semaphore, #tpu.memory_space<semaphore_mem>>) src(%dma_wait3A_73 : memref<125x128xf32, #tpu.memory_space<vmem_shared>>) dst(%arg11 : memref<125x128xf32, #tpu.memory_space<vmem>>)
        tpu.yield
      }) : () -> ()
      "tpu.region"() ({
        %run_scoped3A = tpu.sem_alloc : memref<!tpu.dma_semaphore, #tpu.memory_space<semaphore_mem>>
        %dma_start3A = arith.constant 0 : i32
        %dma_start3A_68 = tpu.memref_slice %arg6[%add3A_55, %dma_start3A] : memref<10000x128xf32, #tpu.memory_space<hbm>> -> memref<125x128xf32, #tpu.memory_space<hbm>>
        %dma_start3A_69 = arith.constant 0 : i32
        %dma_start3A_70 = tpu.memref_slice %arg6[%add3A_55, %dma_start3A_69] : memref<10000x128xf32, #tpu.memory_space<hbm>> -> memref<125x128xf32, #tpu.memory_space<hbm>>
        tpu.enqueue_dma source(%arg11 : memref<125x128xf32, #tpu.memory_space<vmem>>) target(%dma_start3A_70 : memref<125x128xf32, #tpu.memory_space<hbm>>) target_semaphore(%run_scoped3A : memref<!tpu.dma_semaphore, #tpu.memory_space<semaphore_mem>>)
        %dma_wait3A = arith.constant 0 : i32
        %dma_wait3A_71 = tpu.memref_slice %arg6[%add3A_55, %dma_wait3A] : memref<10000x128xf32, #tpu.memory_space<hbm>> -> memref<125x128xf32, #tpu.memory_space<hbm>>
        %dma_wait3A_72 = arith.constant 0 : i32
        %dma_wait3A_73 = tpu.memref_slice %arg6[%add3A_55, %dma_wait3A_72] : memref<10000x128xf32, #tpu.memory_space<hbm>> -> memref<125x128xf32, #tpu.memory_space<hbm>>
        tpu.wait_dma2 semaphore(%run_scoped3A : memref<!tpu.dma_semaphore, #tpu.memory_space<semaphore_mem>>) src(%arg11 : memref<125x128xf32, #tpu.memory_space<vmem>>) dst(%dma_wait3A_73 : memref<125x128xf32, #tpu.memory_space<hbm>>)
        tpu.yield
      }) : () -> ()
      %mul3A_56 = arith.constant 625 : i32
      %mul3A_57 = arith.muli %mul3A_56, %arg1 : i32
      %add3A_58 = arith.constant 250 : i32
      %add3A_59 = arith.addi %mul3A_57, %add3A_58 : i32
      "tpu.region"() ({
        %run_scoped3A = tpu.sem_alloc : memref<!tpu.dma_semaphore, #tpu.memory_space<semaphore_mem>>
        %dma_start3A = arith.constant 0 : i32
        %dma_start3A_68 = tpu.memref_slice %arg12[%add3A_59, %dma_start3A] : memref<10000x128xf32, #tpu.memory_space<vmem_shared>> -> memref<125x128xf32, #tpu.memory_space<vmem_shared>>
        %dma_start3A_69 = arith.constant 0 : i32
        %dma_start3A_70 = tpu.memref_slice %arg12[%add3A_59, %dma_start3A_69] : memref<10000x128xf32, #tpu.memory_space<vmem_shared>> -> memref<125x128xf32, #tpu.memory_space<vmem_shared>>
        tpu.enqueue_dma source(%dma_start3A_70 : memref<125x128xf32, #tpu.memory_space<vmem_shared>>) target(%arg11 : memref<125x128xf32, #tpu.memory_space<vmem>>) target_semaphore(%run_scoped3A : memref<!tpu.dma_semaphore, #tpu.memory_space<semaphore_mem>>)
        %dma_wait3A = arith.constant 0 : i32
        %dma_wait3A_71 = tpu.memref_slice %arg12[%add3A_59, %dma_wait3A] : memref<10000x128xf32, #tpu.memory_space<vmem_shared>> -> memref<125x128xf32, #tpu.memory_space<vmem_shared>>
        %dma_wait3A_72 = arith.constant 0 : i32
        %dma_wait3A_73 = tpu.memref_slice %arg12[%add3A_59, %dma_wait3A_72] : memref<10000x128xf32, #tpu.memory_space<vmem_shared>> -> memref<125x128xf32, #tpu.memory_space<vmem_shared>>
        tpu.wait_dma2 semaphore(%run_scoped3A : memref<!tpu.dma_semaphore, #tpu.memory_space<semaphore_mem>>) src(%dma_wait3A_73 : memref<125x128xf32, #tpu.memory_space<vmem_shared>>) dst(%arg11 : memref<125x128xf32, #tpu.memory_space<vmem>>)
        tpu.yield
      }) : () -> ()
      "tpu.region"() ({
        %run_scoped3A = tpu.sem_alloc : memref<!tpu.dma_semaphore, #tpu.memory_space<semaphore_mem>>
        %dma_start3A = arith.constant 0 : i32
        %dma_start3A_68 = tpu.memref_slice %arg6[%add3A_59, %dma_start3A] : memref<10000x128xf32, #tpu.memory_space<hbm>> -> memref<125x128xf32, #tpu.memory_space<hbm>>
        %dma_start3A_69 = arith.constant 0 : i32
        %dma_start3A_70 = tpu.memref_slice %arg6[%add3A_59, %dma_start3A_69] : memref<10000x128xf32, #tpu.memory_space<hbm>> -> memref<125x128xf32, #tpu.memory_space<hbm>>
        tpu.enqueue_dma source(%arg11 : memref<125x128xf32, #tpu.memory_space<vmem>>) target(%dma_start3A_70 : memref<125x128xf32, #tpu.memory_space<hbm>>) target_semaphore(%run_scoped3A : memref<!tpu.dma_semaphore, #tpu.memory_space<semaphore_mem>>)
        %dma_wait3A = arith.constant 0 : i32
        %dma_wait3A_71 = tpu.memref_slice %arg6[%add3A_59, %dma_wait3A] : memref<10000x128xf32, #tpu.memory_space<hbm>> -> memref<125x128xf32, #tpu.memory_space<hbm>>
        %dma_wait3A_72 = arith.constant 0 : i32
        %dma_wait3A_73 = tpu.memref_slice %arg6[%add3A_59, %dma_wait3A_72] : memref<10000x128xf32, #tpu.memory_space<hbm>> -> memref<125x128xf32, #tpu.memory_space<hbm>>
        tpu.wait_dma2 semaphore(%run_scoped3A : memref<!tpu.dma_semaphore, #tpu.memory_space<semaphore_mem>>) src(%arg11 : memref<125x128xf32, #tpu.memory_space<vmem>>) dst(%dma_wait3A_73 : memref<125x128xf32, #tpu.memory_space<hbm>>)
        tpu.yield
      }) : () -> ()
      %mul3A_60 = arith.constant 625 : i32
      %mul3A_61 = arith.muli %mul3A_60, %arg1 : i32
      %add3A_62 = arith.constant 375 : i32
      %add3A_63 = arith.addi %mul3A_61, %add3A_62 : i32
      "tpu.region"() ({
        %run_scoped3A = tpu.sem_alloc : memref<!tpu.dma_semaphore, #tpu.memory_space<semaphore_mem>>
        %dma_start3A = arith.constant 0 : i32
        %dma_start3A_68 = tpu.memref_slice %arg12[%add3A_63, %dma_start3A] : memref<10000x128xf32, #tpu.memory_space<vmem_shared>> -> memref<125x128xf32, #tpu.memory_space<vmem_shared>>
        %dma_start3A_69 = arith.constant 0 : i32
        %dma_start3A_70 = tpu.memref_slice %arg12[%add3A_63, %dma_start3A_69] : memref<10000x128xf32, #tpu.memory_space<vmem_shared>> -> memref<125x128xf32, #tpu.memory_space<vmem_shared>>
        tpu.enqueue_dma source(%dma_start3A_70 : memref<125x128xf32, #tpu.memory_space<vmem_shared>>) target(%arg11 : memref<125x128xf32, #tpu.memory_space<vmem>>) target_semaphore(%run_scoped3A : memref<!tpu.dma_semaphore, #tpu.memory_space<semaphore_mem>>)
        %dma_wait3A = arith.constant 0 : i32
        %dma_wait3A_71 = tpu.memref_slice %arg12[%add3A_63, %dma_wait3A] : memref<10000x128xf32, #tpu.memory_space<vmem_shared>> -> memref<125x128xf32, #tpu.memory_space<vmem_shared>>
        %dma_wait3A_72 = arith.constant 0 : i32
        %dma_wait3A_73 = tpu.memref_slice %arg12[%add3A_63, %dma_wait3A_72] : memref<10000x128xf32, #tpu.memory_space<vmem_shared>> -> memref<125x128xf32, #tpu.memory_space<vmem_shared>>
        tpu.wait_dma2 semaphore(%run_scoped3A : memref<!tpu.dma_semaphore, #tpu.memory_space<semaphore_mem>>) src(%dma_wait3A_73 : memref<125x128xf32, #tpu.memory_space<vmem_shared>>) dst(%arg11 : memref<125x128xf32, #tpu.memory_space<vmem>>)
        tpu.yield
      }) : () -> ()
      "tpu.region"() ({
        %run_scoped3A = tpu.sem_alloc : memref<!tpu.dma_semaphore, #tpu.memory_space<semaphore_mem>>
        %dma_start3A = arith.constant 0 : i32
        %dma_start3A_68 = tpu.memref_slice %arg6[%add3A_63, %dma_start3A] : memref<10000x128xf32, #tpu.memory_space<hbm>> -> memref<125x128xf32, #tpu.memory_space<hbm>>
        %dma_start3A_69 = arith.constant 0 : i32
        %dma_start3A_70 = tpu.memref_slice %arg6[%add3A_63, %dma_start3A_69] : memref<10000x128xf32, #tpu.memory_space<hbm>> -> memref<125x128xf32, #tpu.memory_space<hbm>>
        tpu.enqueue_dma source(%arg11 : memref<125x128xf32, #tpu.memory_space<vmem>>) target(%dma_start3A_70 : memref<125x128xf32, #tpu.memory_space<hbm>>) target_semaphore(%run_scoped3A : memref<!tpu.dma_semaphore, #tpu.memory_space<semaphore_mem>>)
        %dma_wait3A = arith.constant 0 : i32
        %dma_wait3A_71 = tpu.memref_slice %arg6[%add3A_63, %dma_wait3A] : memref<10000x128xf32, #tpu.memory_space<hbm>> -> memref<125x128xf32, #tpu.memory_space<hbm>>
        %dma_wait3A_72 = arith.constant 0 : i32
        %dma_wait3A_73 = tpu.memref_slice %arg6[%add3A_63, %dma_wait3A_72] : memref<10000x128xf32, #tpu.memory_space<hbm>> -> memref<125x128xf32, #tpu.memory_space<hbm>>
        tpu.wait_dma2 semaphore(%run_scoped3A : memref<!tpu.dma_semaphore, #tpu.memory_space<semaphore_mem>>) src(%arg11 : memref<125x128xf32, #tpu.memory_space<vmem>>) dst(%dma_wait3A_73 : memref<125x128xf32, #tpu.memory_space<hbm>>)
        tpu.yield
      }) : () -> ()
      %mul3A_64 = arith.constant 625 : i32
      %mul3A_65 = arith.muli %mul3A_64, %arg1 : i32
      %add3A_66 = arith.constant 500 : i32
      %add3A_67 = arith.addi %mul3A_65, %add3A_66 : i32
      "tpu.region"() ({
        %run_scoped3A = tpu.sem_alloc : memref<!tpu.dma_semaphore, #tpu.memory_space<semaphore_mem>>
        %dma_start3A = arith.constant 0 : i32
        %dma_start3A_68 = tpu.memref_slice %arg12[%add3A_67, %dma_start3A] : memref<10000x128xf32, #tpu.memory_space<vmem_shared>> -> memref<125x128xf32, #tpu.memory_space<vmem_shared>>
        %dma_start3A_69 = arith.constant 0 : i32
        %dma_start3A_70 = tpu.memref_slice %arg12[%add3A_67, %dma_start3A_69] : memref<10000x128xf32, #tpu.memory_space<vmem_shared>> -> memref<125x128xf32, #tpu.memory_space<vmem_shared>>
        tpu.enqueue_dma source(%dma_start3A_70 : memref<125x128xf32, #tpu.memory_space<vmem_shared>>) target(%arg11 : memref<125x128xf32, #tpu.memory_space<vmem>>) target_semaphore(%run_scoped3A : memref<!tpu.dma_semaphore, #tpu.memory_space<semaphore_mem>>)
        %dma_wait3A = arith.constant 0 : i32
        %dma_wait3A_71 = tpu.memref_slice %arg12[%add3A_67, %dma_wait3A] : memref<10000x128xf32, #tpu.memory_space<vmem_shared>> -> memref<125x128xf32, #tpu.memory_space<vmem_shared>>
        %dma_wait3A_72 = arith.constant 0 : i32
        %dma_wait3A_73 = tpu.memref_slice %arg12[%add3A_67, %dma_wait3A_72] : memref<10000x128xf32, #tpu.memory_space<vmem_shared>> -> memref<125x128xf32, #tpu.memory_space<vmem_shared>>
        tpu.wait_dma2 semaphore(%run_scoped3A : memref<!tpu.dma_semaphore, #tpu.memory_space<semaphore_mem>>) src(%dma_wait3A_73 : memref<125x128xf32, #tpu.memory_space<vmem_shared>>) dst(%arg11 : memref<125x128xf32, #tpu.memory_space<vmem>>)
        tpu.yield
      }) : () -> ()
      "tpu.region"() ({
        %run_scoped3A = tpu.sem_alloc : memref<!tpu.dma_semaphore, #tpu.memory_space<semaphore_mem>>
        %dma_start3A = arith.constant 0 : i32
        %dma_start3A_68 = tpu.memref_slice %arg6[%add3A_67, %dma_start3A] : memref<10000x128xf32, #tpu.memory_space<hbm>> -> memref<125x128xf32, #tpu.memory_space<hbm>>
        %dma_start3A_69 = arith.constant 0 : i32
        %dma_start3A_70 = tpu.memref_slice %arg6[%add3A_67, %dma_start3A_69] : memref<10000x128xf32, #tpu.memory_space<hbm>> -> memref<125x128xf32, #tpu.memory_space<hbm>>
        tpu.enqueue_dma source(%arg11 : memref<125x128xf32, #tpu.memory_space<vmem>>) target(%dma_start3A_70 : memref<125x128xf32, #tpu.memory_space<hbm>>) target_semaphore(%run_scoped3A : memref<!tpu.dma_semaphore, #tpu.memory_space<semaphore_mem>>)
        %dma_wait3A = arith.constant 0 : i32
        %dma_wait3A_71 = tpu.memref_slice %arg6[%add3A_67, %dma_wait3A] : memref<10000x128xf32, #tpu.memory_space<hbm>> -> memref<125x128xf32, #tpu.memory_space<hbm>>
        %dma_wait3A_72 = arith.constant 0 : i32
        %dma_wait3A_73 = tpu.memref_slice %arg6[%add3A_67, %dma_wait3A_72] : memref<10000x128xf32, #tpu.memory_space<hbm>> -> memref<125x128xf32, #tpu.memory_space<hbm>>
        tpu.wait_dma2 semaphore(%run_scoped3A : memref<!tpu.dma_semaphore, #tpu.memory_space<semaphore_mem>>) src(%arg11 : memref<125x128xf32, #tpu.memory_space<vmem>>) dst(%dma_wait3A_73 : memref<125x128xf32, #tpu.memory_space<hbm>>)
        tpu.yield
      }) : () -> ()
    } else {
    }
    return
  }
}

module attributes {stable_mosaic.version = 14 : i64} {
  func.func @_node_kernel(%arg0: i32, %arg1: memref<1000x128xf32, #tpu.memory_space<vmem>>, %arg2: memref<1000x48xf32, #tpu.memory_space<vmem>>, %arg3: memref<128x128xf32, #tpu.memory_space<vmem>>, %arg4: memref<128x128xf32, #tpu.memory_space<vmem>>, %arg5: memref<1000x176xf32, #tpu.memory_space<vmem>>, %arg6: memref<1000x176xf32, #tpu.memory_space<vmem>>) attributes {dimension_semantics = [#tpu.dimension_semantics<arbitrary>], iteration_bounds = array<i64: 10>, scalar_prefetch = 0 : i64, scratch_operands = 0 : i64, tpu.core_type = #tpu.core_type<tc>, window_params = [{transform_indices = @transform_0, window_bounds = array<i64: 1000, 128>}, {transform_indices = @transform_1, window_bounds = array<i64: 1000, 48>}, {pipeline_mode = #tpu.pipeline_mode<synchronous>, transform_indices = @transform_2, window_bounds = array<i64: 128, 128>}, {pipeline_mode = #tpu.pipeline_mode<synchronous>, transform_indices = @transform_3, window_bounds = array<i64: 128, 128>}, {transform_indices = @transform_4, window_bounds = array<i64: 1000, 176>}, {transform_indices = @transform_5, window_bounds = array<i64: 1000, 176>}]} {
    %get3A = arith.constant 0 : index
    %get3A_0 = arith.constant 0 : index
    %get3A_1 = vector.load %arg1[%get3A, %get3A_0] : memref<1000x128xf32, #tpu.memory_space<vmem>>, vector<1000x128xf32>
    %get3A_2 = arith.constant 0 : index
    %get3A_3 = arith.constant 0 : index
    %get3A_4 = vector.load %arg2[%get3A_2, %get3A_3] : memref<1000x48xf32, #tpu.memory_space<vmem>>, vector<1000x48xf32>
    %get3A_5 = arith.constant 0 : index
    %get3A_6 = arith.constant 0 : index
    %get3A_7 = vector.load %arg3[%get3A_5, %get3A_6] : memref<128x128xf32, #tpu.memory_space<vmem>>, vector<128x128xf32>
    %dot_general3A = arith.constant dense<0.000000e+00> : vector<1000x128xf32>
    %dot_general3A_8 = tpu.matmul %get3A_1, %get3A_7, %dot_general3A {dimension_numbers = #tpu.dot_dimension_numbers<[1], [0], [0], [1], [0, 0, 1, 1], [], []>, transpose_lhs_hint = false} : vector<1000x128xf32>, vector<128x128xf32>, vector<1000x128xf32> -> vector<1000x128xf32>
    %swap3A = arith.constant 0 : index
    %swap3A_9 = arith.constant 0 : index
    %swap3A_10 = vector.load %arg5[%swap3A, %swap3A_9] : memref<1000x176xf32, #tpu.memory_space<vmem>>, vector<1000x128xf32>
    tpu.vector_store %arg5[%swap3A, %swap3A_9], %dot_general3A_8 {strides = array<i32>} : memref<1000x176xf32, #tpu.memory_space<vmem>>, vector<1000x128xf32>,
    %swap3A_11 = arith.constant 0 : index
    %swap3A_12 = arith.constant 128 : index
    %swap3A_13 = vector.load %arg5[%swap3A_11, %swap3A_12] : memref<1000x176xf32, #tpu.memory_space<vmem>>, vector<1000x48xf32>
    tpu.vector_store %arg5[%swap3A_11, %swap3A_12], %get3A_4 {strides = array<i32>} : memref<1000x176xf32, #tpu.memory_space<vmem>>, vector<1000x48xf32>,
    %get3A_14 = arith.constant 0 : index
    %get3A_15 = arith.constant 0 : index
    %get3A_16 = vector.load %arg4[%get3A_14, %get3A_15] : memref<128x128xf32, #tpu.memory_space<vmem>>, vector<128x128xf32>
    %dot_general3A_17 = arith.constant dense<0.000000e+00> : vector<1000x128xf32>
    %dot_general3A_18 = tpu.matmul %get3A_1, %get3A_16, %dot_general3A_17 {dimension_numbers = #tpu.dot_dimension_numbers<[1], [0], [0], [1], [0, 0, 1, 1], [], []>, transpose_lhs_hint = false} : vector<1000x128xf32>, vector<128x128xf32>, vector<1000x128xf32> -> vector<1000x128xf32>
    %swap3A_19 = arith.constant 0 : index
    %swap3A_20 = arith.constant 0 : index
    %swap3A_21 = vector.load %arg6[%swap3A_19, %swap3A_20] : memref<1000x176xf32, #tpu.memory_space<vmem>>, vector<1000x128xf32>
    tpu.vector_store %arg6[%swap3A_19, %swap3A_20], %dot_general3A_18 {strides = array<i32>} : memref<1000x176xf32, #tpu.memory_space<vmem>>, vector<1000x128xf32>,
    %swap3A_22 = arith.constant 0 : index
    %swap3A_23 = arith.constant 128 : index
    %swap3A_24 = vector.load %arg6[%swap3A_22, %swap3A_23] : memref<1000x176xf32, #tpu.memory_space<vmem>>, vector<1000x48xf32>
    tpu.vector_store %arg6[%swap3A_22, %swap3A_23], %get3A_4 {strides = array<i32>} : memref<1000x176xf32, #tpu.memory_space<vmem>>, vector<1000x48xf32>,
    return
  }
  func.func @transform_0(%arg0: i32) -> (i32, i32) {
    %c0_i32 = arith.constant 0 : i32
    %c0_i32_0 = arith.constant 0 : i32
    return %arg0, %c0_i32 : i32, i32
  }
  func.func @transform_1(%arg0: i32) -> (i32, i32) {
    %c0_i32 = arith.constant 0 : i32
    %c0_i32_0 = arith.constant 0 : i32
    return %arg0, %c0_i32 : i32, i32
  }
  func.func @transform_2(%arg0: i32) -> (i32, i32) {
    %c0_i32 = arith.constant 0 : i32
    %c0_i32_0 = arith.constant 0 : i32
    %c0_i32_1 = arith.constant 0 : i32
    return %c0_i32, %c0_i32_0 : i32, i32
  }
  func.func @transform_3(%arg0: i32) -> (i32, i32) {
    %c0_i32 = arith.constant 0 : i32
    %c0_i32_0 = arith.constant 0 : i32
    %c0_i32_1 = arith.constant 0 : i32
    return %c0_i32, %c0_i32_0 : i32, i32
  }
  func.func @transform_4(%arg0: i32) -> (i32, i32) {
    %c0_i32 = arith.constant 0 : i32
    %c0_i32_0 = arith.constant 0 : i32
    return %arg0, %c0_i32 : i32, i32
  }
  func.func @transform_5(%arg0: i32) -> (i32, i32) {
    %c0_i32 = arith.constant 0 : i32
    %c0_i32_0 = arith.constant 0 : i32
    return %arg0, %c0_i32 : i32, i32
  }
}

module attributes {stable_mosaic.version = 14 : i64} {
  func.func @_combine_kernel(%arg0: i32, %arg1: memref<1000x128xf32, #tpu.memory_space<vmem>>, %arg2: memref<1000x128xf32, #tpu.memory_space<vmem>>, %arg3: memref<1000x128xf32, #tpu.memory_space<vmem>>, %arg4: memref<1000x48xf32, #tpu.memory_space<vmem>>, %arg5: memref<1000x128xf32, #tpu.memory_space<vmem>>, %arg6: memref<1000x48xf32, #tpu.memory_space<vmem>>) attributes {dimension_semantics = [#tpu.dimension_semantics<arbitrary>], iteration_bounds = array<i64: 10>, scalar_prefetch = 0 : i64, scratch_operands = 0 : i64, tpu.core_type = #tpu.core_type<tc>, window_params = [{transform_indices = @transform_0, window_bounds = array<i64: 1000, 128>}, {transform_indices = @transform_1, window_bounds = array<i64: 1000, 128>}, {transform_indices = @transform_2, window_bounds = array<i64: 1000, 128>}, {transform_indices = @transform_3, window_bounds = array<i64: 1000, 48>}, {transform_indices = @transform_4, window_bounds = array<i64: 1000, 128>}, {transform_indices = @transform_5, window_bounds = array<i64: 1000, 48>}]} {
    %get3A = arith.constant 0 : index
    %get3A_0 = arith.constant 0 : index
    %get3A_1 = vector.load %arg1[%get3A, %get3A_0] : memref<1000x128xf32, #tpu.memory_space<vmem>>, vector<1000x128xf32>
    %get3A_2 = arith.constant 0 : index
    %get3A_3 = arith.constant 0 : index
    %get3A_4 = vector.load %arg2[%get3A_2, %get3A_3] : memref<1000x128xf32, #tpu.memory_space<vmem>>, vector<1000x128xf32>
    %slice3A = vector.extract_strided_slice %get3A_4 {offsets = [0, 48], sizes = [1000, 1], strides = [1, 1]} : vector<1000x128xf32> to vector<1000x1xf32>
    %jit3A = arith.constant 1.000000e+00 : f32
    %max3A = vector.broadcast %jit3A : f32 to vector<1000x1xf32>
    %max3A_5 = arith.maximumf %max3A, %slice3A : vector<1000x1xf32>
    %div3A = arith.constant 1.000000e+00 : f32
    %div3A_6 = vector.broadcast %div3A : f32 to vector<1000x1xf32>
    %div3A_7 = arith.divf %div3A_6, %max3A_5 : vector<1000x1xf32>
    %get3A_8 = arith.constant 0 : index
    %get3A_9 = arith.constant 0 : index
    %get3A_10 = vector.load %arg3[%get3A_8, %get3A_9] : memref<1000x128xf32, #tpu.memory_space<vmem>>, vector<1000x128xf32>
    %mul3A = vector.broadcast %div3A_7 : vector<1000x1xf32> to vector<1000x128xf32>
    %mul3A_11 = arith.mulf %get3A_1, %mul3A : vector<1000x128xf32>
    %add3A = arith.addf %get3A_10, %mul3A_11 : vector<1000x128xf32>
    %swap3A = arith.constant 0 : index
    %swap3A_12 = arith.constant 0 : index
    %swap3A_13 = vector.load %arg5[%swap3A, %swap3A_12] : memref<1000x128xf32, #tpu.memory_space<vmem>>, vector<1000x128xf32>
    tpu.vector_store %arg5[%swap3A, %swap3A_12], %add3A {strides = array<i32>} : memref<1000x128xf32, #tpu.memory_space<vmem>>, vector<1000x128xf32>,
    %get3A_14 = arith.constant 0 : index
    %get3A_15 = arith.constant 0 : index
    %get3A_16 = vector.load %arg4[%get3A_14, %get3A_15] : memref<1000x48xf32, #tpu.memory_space<vmem>>, vector<1000x48xf32>
    %slice3A_17 = vector.extract_strided_slice %get3A_4 {offsets = [0, 0], sizes = [1000, 48], strides = [1, 1]} : vector<1000x128xf32> to vector<1000x48xf32>
    %mul3A_18 = vector.broadcast %div3A_7 : vector<1000x1xf32> to vector<1000x48xf32>
    %mul3A_19 = arith.mulf %slice3A_17, %mul3A_18 : vector<1000x48xf32>
    %add3A_20 = arith.addf %get3A_16, %mul3A_19 : vector<1000x48xf32>
    %swap3A_21 = arith.constant 0 : index
    %swap3A_22 = arith.constant 0 : index
    %swap3A_23 = vector.load %arg6[%swap3A_21, %swap3A_22] : memref<1000x48xf32, #tpu.memory_space<vmem>>, vector<1000x48xf32>
    tpu.vector_store %arg6[%swap3A_21, %swap3A_22], %add3A_20 {strides = array<i32>} : memref<1000x48xf32, #tpu.memory_space<vmem>>, vector<1000x48xf32>,
    return
  }
  func.func @transform_0(%arg0: i32) -> (i32, i32) {
    %c0_i32 = arith.constant 0 : i32
    %c0_i32_0 = arith.constant 0 : i32
    return %arg0, %c0_i32 : i32, i32
  }
  func.func @transform_1(%arg0: i32) -> (i32, i32) {
    %c0_i32 = arith.constant 0 : i32
    %c0_i32_0 = arith.constant 0 : i32
    return %arg0, %c0_i32 : i32, i32
  }
  func.func @transform_2(%arg0: i32) -> (i32, i32) {
    %c0_i32 = arith.constant 0 : i32
    %c0_i32_0 = arith.constant 0 : i32
    return %arg0, %c0_i32 : i32, i32
  }
  func.func @transform_3(%arg0: i32) -> (i32, i32) {
    %c0_i32 = arith.constant 0 : i32
    %c0_i32_0 = arith.constant 0 : i32
    return %arg0, %c0_i32 : i32, i32
  }
  func.func @transform_4(%arg0: i32) -> (i32, i32) {
    %c0_i32 = arith.constant 0 : i32
    %c0_i32_0 = arith.constant 0 : i32
    return %arg0, %c0_i32 : i32, i32
  }
  func.func @transform_5(%arg0: i32) -> (i32, i32) {
    %c0_i32 = arith.constant 0 : i32
    %c0_i32_0 = arith.constant 0 : i32
    return %arg0, %c0_i32 : i32, i32
  }
}

module attributes {stable_mosaic.version = 14 : i64} {
  func.func @_edge_kernel(%arg0: i32, %arg1: memref<4000x128xf32, #tpu.memory_space<vmem>>, %arg2: memref<4000x128xf32, #tpu.memory_space<vmem>>, %arg3: memref<4000x16xf32, #tpu.memory_space<vmem>>, %arg4: memref<4000x3xf32, #tpu.memory_space<vmem>>, %arg5: memref<16x128xf32, #tpu.memory_space<vmem>>, %arg6: memref<1x128xf32, #tpu.memory_space<vmem>>, %arg7: memref<128x144xf32, #tpu.memory_space<vmem>>, %arg8: memref<3x144xf32, #tpu.memory_space<vmem>>, %arg9: memref<144x48xf32, #tpu.memory_space<vmem>>, %arg10: memref<48x128xf32, #tpu.memory_space<vmem>>, %arg11: memref<144x48xf32, #tpu.memory_space<vmem>>, %arg12: memref<128x48xf32, #tpu.memory_space<vmem>>, %arg13: memref<1x48xf32, #tpu.memory_space<vmem>>, %arg14: memref<48x48xf32, #tpu.memory_space<vmem>>, %arg15: memref<128x128xf32, #tpu.memory_space<vmem>>, %arg16: memref<16x128xf32, #tpu.memory_space<vmem>>, %arg17: memref<1x128xf32, #tpu.memory_space<vmem>>, %arg18: memref<48x48xf32, #tpu.memory_space<vmem>>, %arg19: memref<128x48xf32, #tpu.memory_space<vmem>>, %arg20: memref<1x48xf32, #tpu.memory_space<vmem>>, %arg21: memref<48x16xf32, #tpu.memory_space<vmem>>, %arg22: memref<48x48xf32, #tpu.memory_space<vmem>>, %arg23: memref<128x128xf32, #tpu.memory_space<vmem>>, %arg24: memref<16x128xf32, #tpu.memory_space<vmem>>, %arg25: memref<1x128xf32, #tpu.memory_space<vmem>>, %arg26: memref<48x48xf32, #tpu.memory_space<vmem>>, %arg27: memref<128x48xf32, #tpu.memory_space<vmem>>, %arg28: memref<1x48xf32, #tpu.memory_space<vmem>>, %arg29: memref<4000x128xf32, #tpu.memory_space<vmem>>, %arg30: memref<4000x128xf32, #tpu.memory_space<vmem>>) attributes {dimension_semantics = [#tpu.dimension_semantics<arbitrary>], iteration_bounds = array<i64: 40>, scalar_prefetch = 0 : i64, scratch_operands = 0 : i64, tpu.core_type = #tpu.core_type<tc>, window_params = [{transform_indices = @transform_0, window_bounds = array<i64: 4000, 128>}, {transform_indices = @transform_1, window_bounds = array<i64: 4000, 128>}, {transform_indices = @transform_2, window_bounds = array<i64: 4000, 16>}, {transform_indices = @transform_3, window_bounds = array<i64: 4000, 3>}, {pipeline_mode = #tpu.pipeline_mode<synchronous>, transform_indices = @transform_4, window_bounds = array<i64: 16, 128>}, {pipeline_mode = #tpu.pipeline_mode<synchronous>, transform_indices = @transform_5, window_bounds = array<i64: 1, 128>}, {pipeline_mode = #tpu.pipeline_mode<synchronous>, transform_indices = @transform_6, window_bounds = array<i64: 128, 144>}, {pipeline_mode = #tpu.pipeline_mode<synchronous>, transform_indices = @transform_7, window_bounds = array<i64: 3, 144>}, {pipeline_mode = #tpu.pipeline_mode<synchronous>, transform_indices = @transform_8, window_bounds = array<i64: 144, 48>}, {pipeline_mode = #tpu.pipeline_mode<synchronous>, transform_indices = @transform_9, window_bounds = array<i64: 48, 128>}, {pipeline_mode = #tpu.pipeline_mode<synchronous>, transform_indices = @transform_10, window_bounds = array<i64: 144, 48>}, {pipeline_mode = #tpu.pipeline_mode<synchronous>, transform_indices = @transform_11, window_bounds = array<i64: 128, 48>}, {pipeline_mode = #tpu.pipeline_mode<synchronous>, transform_indices = @transform_12, window_bounds = array<i64: 1, 48>}, {pipeline_mode = #tpu.pipeline_mode<synchronous>, transform_indices = @transform_13, window_bounds = array<i64: 48, 48>}, {pipeline_mode = #tpu.pipeline_mode<synchronous>, transform_indices = @transform_14, window_bounds = array<i64: 128, 128>}, {pipeline_mode = #tpu.pipeline_mode<synchronous>, transform_indices = @transform_15, window_bounds = array<i64: 16, 128>}, {pipeline_mode = #tpu.pipeline_mode<synchronous>, transform_indices = @transform_16, window_bounds = array<i64: 1, 128>}, {pipeline_mode = #tpu.pipeline_mode<synchronous>, transform_indices = @transform_17, window_bounds = array<i64: 48, 48>}, {pipeline_mode = #tpu.pipeline_mode<synchronous>, transform_indices = @transform_18, window_bounds = array<i64: 128, 48>}, {pipeline_mode = #tpu.pipeline_mode<synchronous>, transform_indices = @transform_19, window_bounds = array<i64: 1, 48>}, {pipeline_mode = #tpu.pipeline_mode<synchronous>, transform_indices = @transform_20, window_bounds = array<i64: 48, 16>}, {pipeline_mode = #tpu.pipeline_mode<synchronous>, transform_indices = @transform_21, window_bounds = array<i64: 48, 48>}, {pipeline_mode = #tpu.pipeline_mode<synchronous>, transform_indices = @transform_22, window_bounds = array<i64: 128, 128>}, {pipeline_mode = #tpu.pipeline_mode<synchronous>, transform_indices = @transform_23, window_bounds = array<i64: 16, 128>}, {pipeline_mode = #tpu.pipeline_mode<synchronous>, transform_indices = @transform_24, window_bounds = array<i64: 1, 128>}, {pipeline_mode = #tpu.pipeline_mode<synchronous>, transform_indices = @transform_25, window_bounds = array<i64: 48, 48>}, {pipeline_mode = #tpu.pipeline_mode<synchronous>, transform_indices = @transform_26, window_bounds = array<i64: 128, 48>}, {pipeline_mode = #tpu.pipeline_mode<synchronous>, transform_indices = @transform_27, window_bounds = array<i64: 1, 48>}, {transform_indices = @transform_28, window_bounds = array<i64: 4000, 128>}, {transform_indices = @transform_29, window_bounds = array<i64: 4000, 128>}]} {
    %get3A = arith.constant 0 : index
    %get3A_0 = arith.constant 0 : index
    %get3A_1 = vector.load %arg1[%get3A, %get3A_0] : memref<4000x128xf32, #tpu.memory_space<vmem>>, vector<4000x128xf32>
    %get3A_2 = arith.constant 0 : index
    %get3A_3 = arith.constant 0 : index
    %get3A_4 = vector.load %arg2[%get3A_2, %get3A_3] : memref<4000x128xf32, #tpu.memory_space<vmem>>, vector<4000x128xf32>
    %get3A_5 = arith.constant 0 : index
    %get3A_6 = arith.constant 0 : index
    %get3A_7 = vector.load %arg3[%get3A_5, %get3A_6] : memref<4000x16xf32, #tpu.memory_space<vmem>>, vector<4000x16xf32>
    %get3A_8 = arith.constant 0 : index
    %get3A_9 = arith.constant 0 : index
    %get3A_10 = vector.load %arg4[%get3A_8, %get3A_9] : memref<4000x3xf32, #tpu.memory_space<vmem>>, vector<4000x3xf32>
    %get3A_11 = arith.constant 0 : index
    %get3A_12 = arith.constant 0 : index
    %get3A_13 = vector.load %arg7[%get3A_11, %get3A_12] : memref<128x144xf32, #tpu.memory_space<vmem>>, vector<128x144xf32>
    %dot_general3A = arith.constant dense<0.000000e+00> : vector<4000x144xf32>
    %dot_general3A_14 = tpu.matmul %get3A_4, %get3A_13, %dot_general3A {dimension_numbers = #tpu.dot_dimension_numbers<[1], [0], [0], [1], [0, 0, 1, 1], [], []>, transpose_lhs_hint = false} : vector<4000x128xf32>, vector<128x144xf32>, vector<4000x144xf32> -> vector<4000x144xf32>
    %get3A_15 = arith.constant 0 : index
    %get3A_16 = arith.constant 0 : index
    %get3A_17 = vector.load %arg8[%get3A_15, %get3A_16] : memref<3x144xf32, #tpu.memory_space<vmem>>, vector<3x144xf32>
    %dot_general3A_18 = arith.constant dense<0.000000e+00> : vector<4000x144xf32>
    %dot_general3A_19 = tpu.matmul %get3A_10, %get3A_17, %dot_general3A_18 {dimension_numbers = #tpu.dot_dimension_numbers<[1], [0], [0], [1], [0, 0, 1, 1], [], []>, transpose_lhs_hint = false} : vector<4000x3xf32>, vector<3x144xf32>, vector<4000x144xf32> -> vector<4000x144xf32>
    %add3A = arith.addf %dot_general3A_14, %dot_general3A_19 : vector<4000x144xf32>
    %mul3A = arith.mulf %add3A, %add3A : vector<4000x144xf32>
    %get3A_20 = arith.constant 0 : index
    %get3A_21 = arith.constant 0 : index
    %get3A_22 = vector.load %arg9[%get3A_20, %get3A_21] : memref<144x48xf32, #tpu.memory_space<vmem>>, vector<144x48xf32>
    %dot_general3A_23 = arith.constant dense<0.000000e+00> : vector<4000x48xf32>
    %dot_general3A_24 = tpu.matmul %mul3A, %get3A_22, %dot_general3A_23 {dimension_numbers = #tpu.dot_dimension_numbers<[1], [0], [0], [1], [0, 0, 1, 1], [], []>, transpose_lhs_hint = false} : vector<4000x144xf32>, vector<144x48xf32>, vector<4000x48xf32> -> vector<4000x48xf32>
    %jit3A = arith.constant 9.99999993E-9 : f32
    %max3A = vector.broadcast %jit3A : f32 to vector<4000x48xf32>
    %max3A_25 = arith.maximumf %max3A, %dot_general3A_24 : vector<4000x48xf32>
    %sqrt3A = math.sqrt %max3A_25 : vector<4000x48xf32>
    %get3A_26 = arith.constant 0 : index
    %get3A_27 = arith.constant 0 : index
    %get3A_28 = vector.load %arg5[%get3A_26, %get3A_27] : memref<16x128xf32, #tpu.memory_space<vmem>>, vector<16x128xf32>
    %dot_general3A_29 = arith.constant dense<0.000000e+00> : vector<4000x128xf32>
    %dot_general3A_30 = tpu.matmul %get3A_7, %get3A_28, %dot_general3A_29 {dimension_numbers = #tpu.dot_dimension_numbers<[1], [0], [0], [1], [0, 0, 1, 1], [], []>, transpose_lhs_hint = false} : vector<4000x16xf32>, vector<16x128xf32>, vector<4000x128xf32> -> vector<4000x128xf32>
    %add3A_31 = arith.addf %get3A_1, %dot_general3A_30 : vector<4000x128xf32>
    %get3A_32 = arith.constant 0 : index
    %get3A_33 = arith.constant 0 : index
    %get3A_34 = vector.load %arg10[%get3A_32, %get3A_33] : memref<48x128xf32, #tpu.memory_space<vmem>>, vector<48x128xf32>
    %dot_general3A_35 = arith.constant dense<0.000000e+00> : vector<4000x128xf32>
    %dot_general3A_36 = tpu.matmul %sqrt3A, %get3A_34, %dot_general3A_35 {dimension_numbers = #tpu.dot_dimension_numbers<[1], [0], [0], [1], [0, 0, 1, 1], [], []>, transpose_lhs_hint = false} : vector<4000x48xf32>, vector<48x128xf32>, vector<4000x128xf32> -> vector<4000x128xf32>
    %add3A_37 = arith.addf %add3A_31, %dot_general3A_36 : vector<4000x128xf32>
    %get3A_38 = arith.constant 0 : index
    %get3A_39 = arith.constant 0 : index
    %get3A_40 = vector.load %arg6[%get3A_38, %get3A_39] : memref<1x128xf32, #tpu.memory_space<vmem>>, vector<1x128xf32>
    %add3A_41 = vector.broadcast %get3A_40 : vector<1x128xf32> to vector<4000x128xf32>
    %add3A_42 = arith.addf %add3A_37, %add3A_41 : vector<4000x128xf32>
    %neg3A = arith.constant 0.000000e+00 : f32
    %neg3A_43 = vector.broadcast %neg3A : f32 to vector<4000x128xf32>
    %neg3A_44 = arith.subf %neg3A_43, %add3A_42 : vector<4000x128xf32>
    %exp3A = math.exp %neg3A_44 : vector<4000x128xf32>
    %add3A_45 = arith.constant 1.000000e+00 : f32
    %add3A_46 = vector.broadcast %add3A_45 : f32 to vector<4000x128xf32>
    %add3A_47 = arith.addf %add3A_46, %exp3A : vector<4000x128xf32>
    %div3A = arith.constant 1.000000e+00 : f32
    %div3A_48 = vector.broadcast %div3A : f32 to vector<4000x128xf32>
    %div3A_49 = arith.divf %div3A_48, %add3A_47 : vector<4000x128xf32>
    %get3A_50 = arith.constant 0 : index
    %get3A_51 = arith.constant 0 : index
    %get3A_52 = vector.load %arg12[%get3A_50, %get3A_51] : memref<128x48xf32, #tpu.memory_space<vmem>>, vector<128x48xf32>
    %dot_general3A_53 = arith.constant dense<0.000000e+00> : vector<4000x48xf32>
    %dot_general3A_54 = tpu.matmul %div3A_49, %get3A_52, %dot_general3A_53 {dimension_numbers = #tpu.dot_dimension_numbers<[1], [0], [0], [1], [0, 0, 1, 1], [], []>, transpose_lhs_hint = false} : vector<4000x128xf32>, vector<128x48xf32>, vector<4000x48xf32> -> vector<4000x48xf32>
    %get3A_55 = arith.constant 0 : index
    %get3A_56 = arith.constant 0 : index
    %get3A_57 = vector.load %arg13[%get3A_55, %get3A_56] : memref<1x48xf32, #tpu.memory_space<vmem>>, vector<1x48xf32>
    %add3A_58 = vector.broadcast %get3A_57 : vector<1x48xf32> to vector<4000x48xf32>
    %add3A_59 = arith.addf %dot_general3A_54, %add3A_58 : vector<4000x48xf32>
    %neg3A_60 = arith.constant 0.000000e+00 : f32
    %neg3A_61 = vector.broadcast %neg3A_60 : f32 to vector<4000x48xf32>
    %neg3A_62 = arith.subf %neg3A_61, %add3A_59 : vector<4000x48xf32>
    %exp3A_63 = math.exp %neg3A_62 : vector<4000x48xf32>
    %add3A_64 = arith.constant 1.000000e+00 : f32
    %add3A_65 = vector.broadcast %add3A_64 : f32 to vector<4000x48xf32>
    %add3A_66 = arith.addf %add3A_65, %exp3A_63 : vector<4000x48xf32>
    %div3A_67 = arith.constant 1.000000e+00 : f32
    %div3A_68 = vector.broadcast %div3A_67 : f32 to vector<4000x48xf32>
    %div3A_69 = arith.divf %div3A_68, %add3A_66 : vector<4000x48xf32>
    %get3A_70 = arith.constant 0 : index
    %get3A_71 = arith.constant 0 : index
    %get3A_72 = vector.load %arg11[%get3A_70, %get3A_71] : memref<144x48xf32, #tpu.memory_space<vmem>>, vector<144x48xf32>
    %dot_general3A_73 = arith.constant dense<0.000000e+00> : vector<4000x48xf32>
    %dot_general3A_74 = tpu.matmul %add3A, %get3A_72, %dot_general3A_73 {dimension_numbers = #tpu.dot_dimension_numbers<[1], [0], [0], [1], [0, 0, 1, 1], [], []>, transpose_lhs_hint = false} : vector<4000x144xf32>, vector<144x48xf32>, vector<4000x48xf32> -> vector<4000x48xf32>
    %mul3A_75 = arith.mulf %dot_general3A_74, %div3A_69 : vector<4000x48xf32>
    %max3A_76 = arith.constant 0.000000e+00 : f32
    %max3A_77 = vector.broadcast %max3A_76 : f32 to vector<4000x128xf32>
    %max3A_78 = arith.maximumf %add3A_42, %max3A_77 : vector<4000x128xf32>
    %get3A_79 = arith.constant 0 : index
    %get3A_80 = arith.constant 0 : index
    %get3A_81 = vector.load %arg14[%get3A_79, %get3A_80] : memref<48x48xf32, #tpu.memory_space<vmem>>, vector<48x48xf32>
    %dot_general3A_82 = arith.constant dense<0.000000e+00> : vector<4000x48xf32>
    %dot_general3A_83 = tpu.matmul %mul3A_75, %get3A_81, %dot_general3A_82 {dimension_numbers = #tpu.dot_dimension_numbers<[1], [0], [0], [1], [0, 0, 1, 1], [], []>, transpose_lhs_hint = false} : vector<4000x48xf32>, vector<48x48xf32>, vector<4000x48xf32> -> vector<4000x48xf32>
    %mul3A_84 = arith.mulf %dot_general3A_83, %dot_general3A_83 : vector<4000x48xf32>
    %get3A_85 = arith.constant 0 : index
    %get3A_86 = arith.constant 0 : index
    %get3A_87 = vector.load %arg21[%get3A_85, %get3A_86] : memref<48x16xf32, #tpu.memory_space<vmem>>, vector<48x16xf32>
    %dot_general3A_88 = arith.constant dense<0.000000e+00> : vector<4000x16xf32>
    %dot_general3A_89 = tpu.matmul %mul3A_84, %get3A_87, %dot_general3A_88 {dimension_numbers = #tpu.dot_dimension_numbers<[1], [0], [0], [1], [0, 0, 1, 1], [], []>, transpose_lhs_hint = false} : vector<4000x48xf32>, vector<48x16xf32>, vector<4000x16xf32> -> vector<4000x16xf32>
    %jit3A_90 = arith.constant 9.99999993E-9 : f32
    %max3A_91 = vector.broadcast %jit3A_90 : f32 to vector<4000x16xf32>
    %max3A_92 = arith.maximumf %max3A_91, %dot_general3A_89 : vector<4000x16xf32>
    %sqrt3A_93 = math.sqrt %max3A_92 : vector<4000x16xf32>
    %get3A_94 = arith.constant 0 : index
    %get3A_95 = arith.constant 0 : index
    %get3A_96 = vector.load %arg15[%get3A_94, %get3A_95] : memref<128x128xf32, #tpu.memory_space<vmem>>, vector<128x128xf32>
    %dot_general3A_97 = arith.constant dense<0.000000e+00> : vector<4000x128xf32>
    %dot_general3A_98 = tpu.matmul %max3A_78, %get3A_96, %dot_general3A_97 {dimension_numbers = #tpu.dot_dimension_numbers<[1], [0], [0], [1], [0, 0, 1, 1], [], []>, transpose_lhs_hint = false} : vector<4000x128xf32>, vector<128x128xf32>, vector<4000x128xf32> -> vector<4000x128xf32>
    %get3A_99 = arith.constant 0 : index
    %get3A_100 = arith.constant 0 : index
    %get3A_101 = vector.load %arg16[%get3A_99, %get3A_100] : memref<16x128xf32, #tpu.memory_space<vmem>>, vector<16x128xf32>
    %dot_general3A_102 = arith.constant dense<0.000000e+00> : vector<4000x128xf32>
    %dot_general3A_103 = tpu.matmul %sqrt3A_93, %get3A_101, %dot_general3A_102 {dimension_numbers = #tpu.dot_dimension_numbers<[1], [0], [0], [1], [0, 0, 1, 1], [], []>, transpose_lhs_hint = false} : vector<4000x16xf32>, vector<16x128xf32>, vector<4000x128xf32> -> vector<4000x128xf32>
    %add3A_104 = arith.addf %dot_general3A_98, %dot_general3A_103 : vector<4000x128xf32>
    %get3A_105 = arith.constant 0 : index
    %get3A_106 = arith.constant 0 : index
    %get3A_107 = vector.load %arg17[%get3A_105, %get3A_106] : memref<1x128xf32, #tpu.memory_space<vmem>>, vector<1x128xf32>
    %add3A_108 = vector.broadcast %get3A_107 : vector<1x128xf32> to vector<4000x128xf32>
    %add3A_109 = arith.addf %add3A_104, %add3A_108 : vector<4000x128xf32>
    %neg3A_110 = arith.constant 0.000000e+00 : f32
    %neg3A_111 = vector.broadcast %neg3A_110 : f32 to vector<4000x128xf32>
    %neg3A_112 = arith.subf %neg3A_111, %add3A_109 : vector<4000x128xf32>
    %exp3A_113 = math.exp %neg3A_112 : vector<4000x128xf32>
    %add3A_114 = arith.constant 1.000000e+00 : f32
    %add3A_115 = vector.broadcast %add3A_114 : f32 to vector<4000x128xf32>
    %add3A_116 = arith.addf %add3A_115, %exp3A_113 : vector<4000x128xf32>
    %div3A_117 = arith.constant 1.000000e+00 : f32
    %div3A_118 = vector.broadcast %div3A_117 : f32 to vector<4000x128xf32>
    %div3A_119 = arith.divf %div3A_118, %add3A_116 : vector<4000x128xf32>
    %get3A_120 = arith.constant 0 : index
    %get3A_121 = arith.constant 0 : index
    %get3A_122 = vector.load %arg19[%get3A_120, %get3A_121] : memref<128x48xf32, #tpu.memory_space<vmem>>, vector<128x48xf32>
    %dot_general3A_123 = arith.constant dense<0.000000e+00> : vector<4000x48xf32>
    %dot_general3A_124 = tpu.matmul %div3A_119, %get3A_122, %dot_general3A_123 {dimension_numbers = #tpu.dot_dimension_numbers<[1], [0], [0], [1], [0, 0, 1, 1], [], []>, transpose_lhs_hint = false} : vector<4000x128xf32>, vector<128x48xf32>, vector<4000x48xf32> -> vector<4000x48xf32>
    %get3A_125 = arith.constant 0 : index
    %get3A_126 = arith.constant 0 : index
    %get3A_127 = vector.load %arg20[%get3A_125, %get3A_126] : memref<1x48xf32, #tpu.memory_space<vmem>>, vector<1x48xf32>
    %add3A_128 = vector.broadcast %get3A_127 : vector<1x48xf32> to vector<4000x48xf32>
    %add3A_129 = arith.addf %dot_general3A_124, %add3A_128 : vector<4000x48xf32>
    %neg3A_130 = arith.constant 0.000000e+00 : f32
    %neg3A_131 = vector.broadcast %neg3A_130 : f32 to vector<4000x48xf32>
    %neg3A_132 = arith.subf %neg3A_131, %add3A_129 : vector<4000x48xf32>
    %exp3A_133 = math.exp %neg3A_132 : vector<4000x48xf32>
    %add3A_134 = arith.constant 1.000000e+00 : f32
    %add3A_135 = vector.broadcast %add3A_134 : f32 to vector<4000x48xf32>
    %add3A_136 = arith.addf %add3A_135, %exp3A_133 : vector<4000x48xf32>
    %div3A_137 = arith.constant 1.000000e+00 : f32
    %div3A_138 = vector.broadcast %div3A_137 : f32 to vector<4000x48xf32>
    %div3A_139 = arith.divf %div3A_138, %add3A_136 : vector<4000x48xf32>
    %get3A_140 = arith.constant 0 : index
    %get3A_141 = arith.constant 0 : index
    %get3A_142 = vector.load %arg18[%get3A_140, %get3A_141] : memref<48x48xf32, #tpu.memory_space<vmem>>, vector<48x48xf32>
    %dot_general3A_143 = arith.constant dense<0.000000e+00> : vector<4000x48xf32>
    %dot_general3A_144 = tpu.matmul %dot_general3A_83, %get3A_142, %dot_general3A_143 {dimension_numbers = #tpu.dot_dimension_numbers<[1], [0], [0], [1], [0, 0, 1, 1], [], []>, transpose_lhs_hint = false} : vector<4000x48xf32>, vector<48x48xf32>, vector<4000x48xf32> -> vector<4000x48xf32>
    %mul3A_145 = arith.mulf %dot_general3A_144, %div3A_139 : vector<4000x48xf32>
    %max3A_146 = arith.constant 0.000000e+00 : f32
    %max3A_147 = vector.broadcast %max3A_146 : f32 to vector<4000x128xf32>
    %max3A_148 = arith.maximumf %add3A_109, %max3A_147 : vector<4000x128xf32>
    %get3A_149 = arith.constant 0 : index
    %get3A_150 = arith.constant 0 : index
    %get3A_151 = vector.load %arg22[%get3A_149, %get3A_150] : memref<48x48xf32, #tpu.memory_space<vmem>>, vector<48x48xf32>
    %dot_general3A_152 = arith.constant dense<0.000000e+00> : vector<4000x48xf32>
    %dot_general3A_153 = tpu.matmul %mul3A_145, %get3A_151, %dot_general3A_152 {dimension_numbers = #tpu.dot_dimension_numbers<[1], [0], [0], [1], [0, 0, 1, 1], [], []>, transpose_lhs_hint = false} : vector<4000x48xf32>, vector<48x48xf32>, vector<4000x48xf32> -> vector<4000x48xf32>
    %mul3A_154 = arith.mulf %dot_general3A_153, %dot_general3A_153 : vector<4000x48xf32>
    %get3A_155 = arith.constant 0 : index
    %get3A_156 = arith.constant 0 : index
    %get3A_157 = vector.load %arg21[%get3A_155, %get3A_156] : memref<48x16xf32, #tpu.memory_space<vmem>>, vector<48x16xf32>
    %dot_general3A_158 = arith.constant dense<0.000000e+00> : vector<4000x16xf32>
    %dot_general3A_159 = tpu.matmul %mul3A_154, %get3A_157, %dot_general3A_158 {dimension_numbers = #tpu.dot_dimension_numbers<[1], [0], [0], [1], [0, 0, 1, 1], [], []>, transpose_lhs_hint = false} : vector<4000x48xf32>, vector<48x16xf32>, vector<4000x16xf32> -> vector<4000x16xf32>
    %jit3A_160 = arith.constant 9.99999993E-9 : f32
    %max3A_161 = vector.broadcast %jit3A_160 : f32 to vector<4000x16xf32>
    %max3A_162 = arith.maximumf %max3A_161, %dot_general3A_159 : vector<4000x16xf32>
    %sqrt3A_163 = math.sqrt %max3A_162 : vector<4000x16xf32>
    %get3A_164 = arith.constant 0 : index
    %get3A_165 = arith.constant 0 : index
    %get3A_166 = vector.load %arg23[%get3A_164, %get3A_165] : memref<128x128xf32, #tpu.memory_space<vmem>>, vector<128x128xf32>
    %dot_general3A_167 = arith.constant dense<0.000000e+00> : vector<4000x128xf32>
    %dot_general3A_168 = tpu.matmul %max3A_148, %get3A_166, %dot_general3A_167 {dimension_numbers = #tpu.dot_dimension_numbers<[1], [0], [0], [1], [0, 0, 1, 1], [], []>, transpose_lhs_hint = false} : vector<4000x128xf32>, vector<128x128xf32>, vector<4000x128xf32> -> vector<4000x128xf32>
    %get3A_169 = arith.constant 0 : index
    %get3A_170 = arith.constant 0 : index
    %get3A_171 = vector.load %arg24[%get3A_169, %get3A_170] : memref<16x128xf32, #tpu.memory_space<vmem>>, vector<16x128xf32>
    %dot_general3A_172 = arith.constant dense<0.000000e+00> : vector<4000x128xf32>
    %dot_general3A_173 = tpu.matmul %sqrt3A_163, %get3A_171, %dot_general3A_172 {dimension_numbers = #tpu.dot_dimension_numbers<[1], [0], [0], [1], [0, 0, 1, 1], [], []>, transpose_lhs_hint = false} : vector<4000x16xf32>, vector<16x128xf32>, vector<4000x128xf32> -> vector<4000x128xf32>
    %add3A_174 = arith.addf %dot_general3A_168, %dot_general3A_173 : vector<4000x128xf32>
    %get3A_175 = arith.constant 0 : index
    %get3A_176 = arith.constant 0 : index
    %get3A_177 = vector.load %arg25[%get3A_175, %get3A_176] : memref<1x128xf32, #tpu.memory_space<vmem>>, vector<1x128xf32>
    %add3A_178 = vector.broadcast %get3A_177 : vector<1x128xf32> to vector<4000x128xf32>
    %add3A_179 = arith.addf %add3A_174, %add3A_178 : vector<4000x128xf32>
    %get3A_180 = arith.constant 0 : index
    %get3A_181 = arith.constant 0 : index
    %get3A_182 = vector.load %arg27[%get3A_180, %get3A_181] : memref<128x48xf32, #tpu.memory_space<vmem>>, vector<128x48xf32>
    %dot_general3A_183 = arith.constant dense<0.000000e+00> : vector<4000x48xf32>
    %dot_general3A_184 = tpu.matmul %add3A_179, %get3A_182, %dot_general3A_183 {dimension_numbers = #tpu.dot_dimension_numbers<[1], [0], [0], [1], [0, 0, 1, 1], [], []>, transpose_lhs_hint = false} : vector<4000x128xf32>, vector<128x48xf32>, vector<4000x48xf32> -> vector<4000x48xf32>
    %get3A_185 = arith.constant 0 : index
    %get3A_186 = arith.constant 0 : index
    %get3A_187 = vector.load %arg28[%get3A_185, %get3A_186] : memref<1x48xf32, #tpu.memory_space<vmem>>, vector<1x48xf32>
    %add3A_188 = vector.broadcast %get3A_187 : vector<1x48xf32> to vector<4000x48xf32>
    %add3A_189 = arith.addf %dot_general3A_184, %add3A_188 : vector<4000x48xf32>
    %neg3A_190 = arith.constant 0.000000e+00 : f32
    %neg3A_191 = vector.broadcast %neg3A_190 : f32 to vector<4000x48xf32>
    %neg3A_192 = arith.subf %neg3A_191, %add3A_189 : vector<4000x48xf32>
    %exp3A_193 = math.exp %neg3A_192 : vector<4000x48xf32>
    %add3A_194 = arith.constant 1.000000e+00 : f32
    %add3A_195 = vector.broadcast %add3A_194 : f32 to vector<4000x48xf32>
    %add3A_196 = arith.addf %add3A_195, %exp3A_193 : vector<4000x48xf32>
    %div3A_197 = arith.constant 1.000000e+00 : f32
    %div3A_198 = vector.broadcast %div3A_197 : f32 to vector<4000x48xf32>
    %div3A_199 = arith.divf %div3A_198, %add3A_196 : vector<4000x48xf32>
    %get3A_200 = arith.constant 0 : index
    %get3A_201 = arith.constant 0 : index
    %get3A_202 = vector.load %arg26[%get3A_200, %get3A_201] : memref<48x48xf32, #tpu.memory_space<vmem>>, vector<48x48xf32>
    %dot_general3A_203 = arith.constant dense<0.000000e+00> : vector<4000x48xf32>
    %dot_general3A_204 = tpu.matmul %dot_general3A_153, %get3A_202, %dot_general3A_203 {dimension_numbers = #tpu.dot_dimension_numbers<[1], [0], [0], [1], [0, 0, 1, 1], [], []>, transpose_lhs_hint = false} : vector<4000x48xf32>, vector<48x48xf32>, vector<4000x48xf32> -> vector<4000x48xf32>
    %mul3A_205 = arith.mulf %dot_general3A_204, %div3A_199 : vector<4000x48xf32>
    %swap3A = arith.constant 0 : index
    %swap3A_206 = arith.constant 0 : index
    %swap3A_207 = vector.load %arg29[%swap3A, %swap3A_206] : memref<4000x128xf32, #tpu.memory_space<vmem>>, vector<4000x128xf32>
    tpu.vector_store %arg29[%swap3A, %swap3A_206], %add3A_179 {strides = array<i32>} : memref<4000x128xf32, #tpu.memory_space<vmem>>, vector<4000x128xf32>,
    %broadcast_in_dim3A = arith.constant 1.000000e+00 : f32
    %broadcast_in_dim3A_208 = vector.broadcast %broadcast_in_dim3A : f32 to vector<4000x16xf32>
    %broadcast_in_dim3A_209 = arith.constant 0.000000e+00 : f32
    %broadcast_in_dim3A_210 = vector.broadcast %broadcast_in_dim3A_209 : f32 to vector<4000x64xf32>
    %concatenate3A = tpu.concatenate %mul3A_205, %broadcast_in_dim3A_208, %broadcast_in_dim3A_210 in 1 : vector<4000x48xf32>, vector<4000x16xf32>, vector<4000x64xf32> -> vector<4000x128xf32>
    %swap3A_211 = arith.constant 0 : index
    %swap3A_212 = arith.constant 0 : index
    %swap3A_213 = vector.load %arg30[%swap3A_211, %swap3A_212] : memref<4000x128xf32, #tpu.memory_space<vmem>>, vector<4000x128xf32>
    tpu.vector_store %arg30[%swap3A_211, %swap3A_212], %concatenate3A {strides = array<i32>} : memref<4000x128xf32, #tpu.memory_space<vmem>>, vector<4000x128xf32>,
    return
  }
  func.func @transform_0(%arg0: i32) -> (i32, i32) {
    %c0_i32 = arith.constant 0 : i32
    %c0_i32_0 = arith.constant 0 : i32
    return %arg0, %c0_i32 : i32, i32
  }
  func.func @transform_1(%arg0: i32) -> (i32, i32) {
    %c0_i32 = arith.constant 0 : i32
    %c0_i32_0 = arith.constant 0 : i32
    return %arg0, %c0_i32 : i32, i32
  }
  func.func @transform_2(%arg0: i32) -> (i32, i32) {
    %c0_i32 = arith.constant 0 : i32
    %c0_i32_0 = arith.constant 0 : i32
    return %arg0, %c0_i32 : i32, i32
  }
  func.func @transform_3(%arg0: i32) -> (i32, i32) {
    %c0_i32 = arith.constant 0 : i32
    %c0_i32_0 = arith.constant 0 : i32
    return %arg0, %c0_i32 : i32, i32
  }
  func.func @transform_4(%arg0: i32) -> (i32, i32) {
    %c0_i32 = arith.constant 0 : i32
    %c0_i32_0 = arith.constant 0 : i32
    %c0_i32_1 = arith.constant 0 : i32
    return %c0_i32, %c0_i32_0 : i32, i32
  }
  func.func @transform_5(%arg0: i32) -> (i32, i32) {
    %c0_i32 = arith.constant 0 : i32
    %c0_i32_0 = arith.constant 0 : i32
    %c0_i32_1 = arith.constant 0 : i32
    return %c0_i32, %c0_i32_0 : i32, i32
  }
  func.func @transform_6(%arg0: i32) -> (i32, i32) {
    %c0_i32 = arith.constant 0 : i32
    %c0_i32_0 = arith.constant 0 : i32
    %c0_i32_1 = arith.constant 0 : i32
    return %c0_i32, %c0_i32_0 : i32, i32
  }
  func.func @transform_7(%arg0: i32) -> (i32, i32) {
    %c0_i32 = arith.constant 0 : i32
    %c0_i32_0 = arith.constant 0 : i32
    %c0_i32_1 = arith.constant 0 : i32
    return %c0_i32, %c0_i32_0 : i32, i32
  }
  func.func @transform_8(%arg0: i32) -> (i32, i32) {
    %c0_i32 = arith.constant 0 : i32
    %c0_i32_0 = arith.constant 0 : i32
    %c0_i32_1 = arith.constant 0 : i32
    return %c0_i32, %c0_i32_0 : i32, i32
  }
  func.func @transform_9(%arg0: i32) -> (i32, i32) {
    %c0_i32 = arith.constant 0 : i32
    %c0_i32_0 = arith.constant 0 : i32
    %c0_i32_1 = arith.constant 0 : i32
    return %c0_i32, %c0_i32_0 : i32, i32
  }
  func.func @transform_10(%arg0: i32) -> (i32, i32) {
    %c0_i32 = arith.constant 0 : i32
    %c0_i32_0 = arith.constant 0 : i32
    %c0_i32_1 = arith.constant 0 : i32
    return %c0_i32, %c0_i32_0 : i32, i32
  }
  func.func @transform_11(%arg0: i32) -> (i32, i32) {
    %c0_i32 = arith.constant 0 : i32
    %c0_i32_0 = arith.constant 0 : i32
    %c0_i32_1 = arith.constant 0 : i32
    return %c0_i32, %c0_i32_0 : i32, i32
  }
  func.func @transform_12(%arg0: i32) -> (i32, i32) {
    %c0_i32 = arith.constant 0 : i32
    %c0_i32_0 = arith.constant 0 : i32
    %c0_i32_1 = arith.constant 0 : i32
    return %c0_i32, %c0_i32_0 : i32, i32
  }
  func.func @transform_13(%arg0: i32) -> (i32, i32) {
    %c0_i32 = arith.constant 0 : i32
    %c0_i32_0 = arith.constant 0 : i32
    %c0_i32_1 = arith.constant 0 : i32
    return %c0_i32, %c0_i32_0 : i32, i32
  }
  func.func @transform_14(%arg0: i32) -> (i32, i32) {
    %c0_i32 = arith.constant 0 : i32
    %c0_i32_0 = arith.constant 0 : i32
    %c0_i32_1 = arith.constant 0 : i32
    return %c0_i32, %c0_i32_0 : i32, i32
  }
  func.func @transform_15(%arg0: i32) -> (i32, i32) {
    %c0_i32 = arith.constant 0 : i32
    %c0_i32_0 = arith.constant 0 : i32
    %c0_i32_1 = arith.constant 0 : i32
    return %c0_i32, %c0_i32_0 : i32, i32
  }
  func.func @transform_16(%arg0: i32) -> (i32, i32) {
    %c0_i32 = arith.constant 0 : i32
    %c0_i32_0 = arith.constant 0 : i32
    %c0_i32_1 = arith.constant 0 : i32
    return %c0_i32, %c0_i32_0 : i32, i32
  }
  func.func @transform_17(%arg0: i32) -> (i32, i32) {
    %c0_i32 = arith.constant 0 : i32
    %c0_i32_0 = arith.constant 0 : i32
    %c0_i32_1 = arith.constant 0 : i32
    return %c0_i32, %c0_i32_0 : i32, i32
  }
  func.func @transform_18(%arg0: i32) -> (i32, i32) {
    %c0_i32 = arith.constant 0 : i32
    %c0_i32_0 = arith.constant 0 : i32
    %c0_i32_1 = arith.constant 0 : i32
    return %c0_i32, %c0_i32_0 : i32, i32
  }
  func.func @transform_19(%arg0: i32) -> (i32, i32) {
    %c0_i32 = arith.constant 0 : i32
    %c0_i32_0 = arith.constant 0 : i32
    %c0_i32_1 = arith.constant 0 : i32
    return %c0_i32, %c0_i32_0 : i32, i32
  }
  func.func @transform_20(%arg0: i32) -> (i32, i32) {
    %c0_i32 = arith.constant 0 : i32
    %c0_i32_0 = arith.constant 0 : i32
    %c0_i32_1 = arith.constant 0 : i32
    return %c0_i32, %c0_i32_0 : i32, i32
  }
  func.func @transform_21(%arg0: i32) -> (i32, i32) {
    %c0_i32 = arith.constant 0 : i32
    %c0_i32_0 = arith.constant 0 : i32
    %c0_i32_1 = arith.constant 0 : i32
    return %c0_i32, %c0_i32_0 : i32, i32
  }
  func.func @transform_22(%arg0: i32) -> (i32, i32) {
    %c0_i32 = arith.constant 0 : i32
    %c0_i32_0 = arith.constant 0 : i32
    %c0_i32_1 = arith.constant 0 : i32
    return %c0_i32, %c0_i32_0 : i32, i32
  }
  func.func @transform_23(%arg0: i32) -> (i32, i32) {
    %c0_i32 = arith.constant 0 : i32
    %c0_i32_0 = arith.constant 0 : i32
    %c0_i32_1 = arith.constant 0 : i32
    return %c0_i32, %c0_i32_0 : i32, i32
  }
  func.func @transform_24(%arg0: i32) -> (i32, i32) {
    %c0_i32 = arith.constant 0 : i32
    %c0_i32_0 = arith.constant 0 : i32
    %c0_i32_1 = arith.constant 0 : i32
    return %c0_i32, %c0_i32_0 : i32, i32
  }
  func.func @transform_25(%arg0: i32) -> (i32, i32) {
    %c0_i32 = arith.constant 0 : i32
    %c0_i32_0 = arith.constant 0 : i32
    %c0_i32_1 = arith.constant 0 : i32
    return %c0_i32, %c0_i32_0 : i32, i32
  }
  func.func @transform_26(%arg0: i32) -> (i32, i32) {
    %c0_i32 = arith.constant 0 : i32
    %c0_i32_0 = arith.constant 0 : i32
    %c0_i32_1 = arith.constant 0 : i32
    return %c0_i32, %c0_i32_0 : i32, i32
  }
  func.func @transform_27(%arg0: i32) -> (i32, i32) {
    %c0_i32 = arith.constant 0 : i32
    %c0_i32_0 = arith.constant 0 : i32
    %c0_i32_1 = arith.constant 0 : i32
    return %c0_i32, %c0_i32_0 : i32, i32
  }
  func.func @transform_28(%arg0: i32) -> (i32, i32) {
    %c0_i32 = arith.constant 0 : i32
    %c0_i32_0 = arith.constant 0 : i32
    return %arg0, %c0_i32 : i32, i32
  }
  func.func @transform_29(%arg0: i32) -> (i32, i32) {
    %c0_i32 = arith.constant 0 : i32
    %c0_i32_0 = arith.constant 0 : i32
    return %arg0, %c0_i32 : i32, i32
  }
}

</mosaic_0001>

<sc_bundles>
// kernel: kernel.10.cloned.1.call-start
scs
__scs_entry_jumppad:
0x0: {  	(pc) =	sbr.rel $0x88, $3  }
0x1: {  	(tag) =	ssettag $0x0;
	lr =	simm.s32 $0x1  }
0x2: {  	[smem:$0x3F8A] =	sst lr;
	_ =	strace $0xD0000000  }
0x3: {  	_ = 	snop  }
0x4: {  	_ = 	snop  }
0x5: {  	_ = 	snop  }
0x6: {  	_ = 	snop  }
0x7: {  	_ = 	snop  }
__scs_overlays_trampoline_lowered:
0x8: {  	[smem:$0x3F99] =	sst s0  }
0x9: {  	[smem:$0x3F9A] =	sst s1  }
0xa: {  	[smem:$0x3F9B] =	sst s2  }
0xb: {  	[smem:$0x3F9C] =	sst s3  }
0xc: {  	[smem:$0x3F9D] =	sst s4  }
0xd: {  	[smem:$0x3F9E] =	sst s5  }
0xe: {  	[smem:$0x3F9F] =	sst s6  }
0xf: {  	[smem:$0x3FA0] =	sst s7  }
0x10: {  	[smem:$0x3FA1] =	sst s8  }
0x11: {  	[smem:$0x3FA2] =	sst s9;
	s0 =	simm.s32 @!p0 $0x0  }
0x12: {  	s1 =	sld [smem:$0x3F88];
	s0 =	simm.s32 @p0 $0x1  }
0x13: {  	[smem:$0x3FA3] =	sst s0;
	s0 =	simm.s32 @!p1 $0x0  }
0x14: {  	s2 =	sld [smem:$0x3F87];
	s0 =	simm.s32 @p1 $0x1  }
0x15: {  	[smem:$0x3FA4] =	sst s0;
	s0 =	simm.s32 @!p2 $0x0  }
0x16: {  	s3 =	sld [smem:$0x3FDB];
	s0 =	simm.s32 @p2 $0x1  }
0x17: {  	s4 =	simm.s32 $0x1BF5;
	[smem:$0x3FA6] =	sst s0  }
0x18: {  	s0 =	sld [smem:$0x3F89];
	_ =	swait.ge [sflag:s4], $0x0  }
0x19: {  	s7 =	sld [smem:$0x3F8A]  }
0x1a: {  	s8 =	sadd.s32 $0xFFFFE003, lr  }
0x1b: {  	s9 =	sadd.s32 $0xFFFFFEF7, lr;
	s5 =	simm.s32 $0xFFFFFFFF;
	p2 =	slt.u32 s8, $0xFFFFF086  }
0x1c: {  	p1 =	slt.u32 s9, $0xF7A;
	s5 =	simm.s32 @!p2 $0x0  }
0x1d: {  	s5 =	simm.s32 @p1 $0x1;
	p0 =	seq.s32 s7, s2  }
0x1e: {  	s7 =	smul.u32 @!p0 $0xF7A, s2;
	p2 =	seq.s32 @!p0 s5, $0x0  }
0x1f: {  	s9 =	smul.u32 $0xF7A, s1;
	s8 =	simm.s32 @!p0 $0x1BF5;
	p2 =	por !p2, p0  }
0x20: {  	[sflag:s8] =	ssyncset.s32 @!p0 $0xFFFFF086;
	s6 =	sadd.s32 @!p0 s3, s7;
	s7 =	simm.s32 @!p0 $0x108  }
0x21: {  	s3 =	sadd.s32 s3, s9;
	s6 =	sadd.s32 @!p0 $0x88, s6;
	s7 =	simm.s32 @p2 $0x1082  }
0x22: {  	[simem:s7], [sflag:s8] =	dma.local @!p0 [hbm:s6], $0xF7A  }
0x23: {  	s9 =	sor.u32 $0xD0000000, s2;
	s6 =	simm.s32 $0x108;
	_ =	swait.ge @!p0 [sflag:s8], $0x0  }
0x24: {  	s3 =	sadd.s32 $0x88, s3;
	s6 =	simm.s32 @!p1 $0x1082;
	[sflag:s4] =	ssyncset.s32 $0xFFFFF086  }
0x25: {  	[simem:s6], [sflag:s4] =	dma.local [hbm:s3], $0xF7A  }
0x26: {  	[smem:$0x3F8A] =	sst s1;
	(tag) =	ssettag s2;
	_ =	strace s9  }
0x27: {  	s1 =	sld [smem:$0x3F9A]  }
0x28: {  	s2 =	sld [smem:$0x3F9B]  }
0x29: {  	s4 =	sld [smem:$0x3F9D]  }
0x2a: {  	p0 =	seq.s32 s5, $0x0;
	s5 =	sld [smem:$0x3F9E]  }
0x2b: {  	s6 =	sld [smem:$0x3F9F]  }
0x2c: {  	s7 =	sld [smem:$0x3FA0]  }
0x2d: {  	s3 =	simm.s32 $0x108;
	s8 =	sld [smem:$0x3FA1]  }
0x2e: {  	s3 =	simm.s32 @!p0 $0x1082;
	s9 =	sld [smem:$0x3FA2]  }
0x2f: {  	lr =	sadd.s32 s0, s3;
	s0 =	sld [smem:$0x3F99]  }
0x30: {  	s3 =	sld [smem:$0x3F9C]  }
0x31: {  	[smem:$0x3FA5] =	sst s10  }
0x32: {  	s10 =	sld [smem:$0x3FA3];
	_ =	sdelay $0x3  }
0x33: {  	p0 =	seq.s32 s10, $0x1;
	s10 =	sld [smem:$0x3FA5];
	_ =	sdelay $0x3  }
0x34: {  	[smem:$0x3FA5] =	sst s10  }
0x35: {  	s10 =	sld [smem:$0x3FA4];
	_ =	sdelay $0x3  }
0x36: {  	p1 =	seq.s32 s10, $0x1;
	s10 =	sld [smem:$0x3FA5];
	_ =	sdelay $0x3  }
0x37: {  	[smem:$0x3FA5] =	sst s10  }
0x38: {  	s10 =	sld [smem:$0x3FA6]  }
0x39: {  	_ = 	snop;
	(pc) =	sbr.ind lr, $3  }
0x3a: {  	_ = 	snop  }
0x3b: {  	_ = 	snop  }
0x3c: {  	p2 =	seq.s32 s10, $0x1;
	s10 =	sld [smem:$0x3FA5]  }
0x3d: {  	_ =	shalt  }
0x3e: {  	_ =	shalt  }
0x3f: {  	_ =	shalt  }
0x40: {  	_ =	shalt  }
0x41: {  	_ =	shalt  }
0x42: {  	_ =	shalt  }
0x43: {  	_ =	shalt  }
0x44: {  	_ =	shalt  }
0x45: {  	_ =	shalt  }
0x46: {  	_ =	shalt  }
0x47: {  	_ =	shalt  }
0x48: {  	_ =	shalt  }
0x49: {  	_ =	shalt  }
0x4a: {  	_ =	shalt  }
0x4b: {  	_ =	shalt  }
0x4c: {  	_ =	shalt  }
0x4d: {  	_ =	shalt  }
0x4e: {  	_ =	shalt  }
0x4f: {  	_ =	shalt  }
0x50: {  	_ =	shalt  }
0x51: {  	_ =	shalt  }
0x52: {  	_ =	shalt  }
0x53: {  	_ =	shalt  }
0x54: {  	_ =	shalt  }
0x55: {  	_ =	shalt  }
0x56: {  	_ =	shalt  }
0x57: {  	_ =	shalt  }
0x58: {  	_ =	shalt  }
0x59: {  	_ =	shalt  }
0x5a: {  	_ =	shalt  }
0x5b: {  	_ =	shalt  }
0x5c: {  	_ =	shalt  }
0x5d: {  	_ =	shalt  }
0x5e: {  	_ =	shalt  }
0x5f: {  	_ =	shalt  }
0x60: {  	_ =	shalt  }
0x61: {  	_ =	shalt  }
0x62: {  	_ =	shalt  }
0x63: {  	_ =	shalt  }
0x64: {  	_ =	shalt  }
0x65: {  	_ =	shalt  }
0x66: {  	_ =	shalt  }
0x67: {  	_ =	shalt  }
0x68: {  	_ =	shalt  }
0x69: {  	_ =	shalt  }
0x6a: {  	_ =	shalt  }
0x6b: {  	_ =	shalt  }
0x6c: {  	_ =	shalt  }
0x6d: {  	_ =	shalt  }
0x6e: {  	_ =	shalt  }
0x6f: {  	_ =	shalt  }
0x70: {  	_ =	shalt  }
0x71: {  	_ =	shalt  }
0x72: {  	_ =	shalt  }
0x73: {  	_ =	shalt  }
0x74: {  	_ =	shalt  }
0x75: {  	_ =	shalt  }
0x76: {  	_ =	shalt  }
0x77: {  	_ =	shalt  }
0x78: {  	_ =	shalt  }
0x79: {  	_ =	shalt  }
0x7a: {  	_ =	shalt  }
0x7b: {  	_ =	shalt  }
0x7c: {  	_ =	shalt  }
0x7d: {  	_ =	shalt  }
0x7e: {  	_ =	shalt  }
0x7f: {  	_ =	shalt  }
0x80: {  	_ =	shalt  }
0x81: {  	_ =	shalt  }
0x82: {  	_ =	shalt  }
0x83: {  	_ =	shalt  }
0x84: {  	_ =	shalt  }
0x85: {  	_ =	shalt  }
0x86: {  	_ =	shalt  }
0x87: {  	_ =	shalt  }
.Lfunc_end0:
.L_simem_size_0:
called_computation.1_lowered:
.L_overlay_start_0:
0x88: {  	s2 =	sld [smem:$0x3FD9]  }
0x89: {  	s3 =	sld [smem:$0x3FFE];
	_ =	sdelay $0x1  }
0x8a: {  	s1 =	srdreg.scid  }
0x8b: {  	s0 =	sand.u32 $0x1, s1  }
0x8c: {  	s14 =	sshll.u32 s0, $0xA;
	s2 =	sadd.s32 s3, s2  }
0x8d: {  	s2 =	sadd.s32 s2, s14  }
0x8e: {  	[smem:$0x3FB1] =	sst s2  }
0x8f: {  	_ = 	snop  }
0x90: {  	s2 =	sld [smem:$0x3FD0];
	_ =	sdelay $0x2  }
0x91: {  	s15 =	simm.s32 $0xA;
	s4 =	simm.s32 $0x10  }
0x92: {  	[smem:s4], [sflag:s15] =	dma.local [hbm:s2], $0x1  }
0x93: {  	_ =	swait.eq [sflag:s15], $0x1  }
0x94: {  	[sflag:s15] =	ssyncset.done $0x0  }
0x95: {  	s16 =	sld [smem:$0x10];
	[sflag:s15] =	ssyncadd.s32 $0xFFFFFFFF  }
0x96: {  	s17 =	sld [smem:$0x11];
	(tm) =	ssettm $0x1  }
0x97: {  	s18 =	sld [smem:$0x3FFB];
	_ =	sdelay $0x3  }
0x98: {  	_ =	strace s18  }
0x99: {  	s4 =	sld [smem:$0x3FFC];
	_ =	sdelay $0x3  }
0x9a: {  	_ =	strace s4  }
0x9b: {  	s4 =	sld [smem:$0x3FFD];
	_ =	sdelay $0x3  }
0x9c: {  	_ =	strace s4  }
0x9d: {  	_ =	strace $0x8FFFFFFF  }
0x9e: {  	s19 =	sld [smem:$0x3FDB];
	_ =	sdelay $0x1  }
0x9f: {  	s5 =	simm.s32 $_scs_section_size  }
0xa0: {  	s6 =	simm.s32 $_size__tile_overlayer_lowered;
	s7 =	simm.s32 $_tile_overlayer_lowered  }
0xa1: {  	s22 =	simm.s32 $0x1BFF;
	s21 =	sshll.u32 s7, $0x1;
	s4 =	sadd.s32 s5, s19  }
0xa2: {  	s8 =	simm.s32 $0x0;
	s20 =	sshll.u32 s6, $0x1;
	s6 =	sadd.s32 s21, s4  }
0xa3: {  	[timem:s8], [sflag:s22] =	dma.local [hbm:s6], s20  }
0xa4: {  	_ =	swait.ge [sflag:s22], s20  }
0xa5: {  	s5 =	ssub.s32 $0x0, s20;
	[sflag:s22] =	ssyncset.done $0x0  }
0xa6: {  	[sflag:s22] =	ssyncadd.s32 s5;
	_ =	sdelay $0x1  }
0xa7: {  	s23 =	simm.s32 $0x1B8B  }
0xa8: {  	_ =	swait.ge [sflag:s23], $0x1  }
0xa9: {  	[sflag:s23] =	ssyncset.done $0x0  }
0xaa: {  	s25 =	simm.s32 $0x1B8E;
	s24 =	sld [smem:$0x3FFE];
	[sflag:s23] =	ssyncadd.s32 $0xFFFFFFFF  }
0xab: {  	s26 =	simm.s32 $execute0_lowered;
	[smem:$0x3FD2] =	sst s25  }
0xac: {  	s6 =	sshll.u32 s26, $0x1;
	_ =	strace $0x80000049;
	[dreg:$0x1] =	wrdreg $0xFFFFFFFF  }
0xad: {  	s28 =	simm.s32 $_size_execute0_lowered;
	s4 =	sadd.s32 s4, s6;
	[dreg:$0x0] =	wrdreg $0x0  }
0xae: {  	s6 =	sshll.u32 s28, $0x1;
	[dreg:$0x2] =	wrdreg s4  }
0xaf: {  	[dreg:$0x3] =	wrdreg s6  }
0xb0: {  	[dreg:$0x4] =	wrdreg $0xC0  }
0xb1: {  	_ =	task [dreg:s8], $0x5FFFF  }
0xb2: {  	[dreg:$0x1] =	wrdreg $0xFFFFFFFF  }
0xb3: {  	[dreg:$0x0] =	wrdreg $0x60  }
0xb4: {  	[dreg:$0x2] =	wrdreg s24  }
0xb5: {  	[dreg:$0x3] =	wrdreg s17  }
0xb6: {  	[dreg:$0x4] =	wrdreg s16  }
0xb7: {  	[dreg:$0x5] =	wrdreg $0xBF800  }
0xb8: {  	[dreg:$0x6] =	wrdreg $0x9  }
0xb9: {  	_ =	task.clear_ibuf [dreg:s8], $0x7FFFF;
	_ =	strace $0x90000049  }
0xba: {  	s29 =	simm.s32 $0x9;
	_ =	strace $0x8000004B  }
0xbb: {  	_ =	swait.ge [sflag:s29], $0x1  }
0xbc: {  	[sflag:s29] =	ssyncadd.s32 $0xFFFFFFFF  }
0xbd: {  	_ =	strace $0x9000004B  }
0xbe: {  	_ =	sfence  }
0xbf: {  	s30 =	sld [smem:$0x0];
	_ =	sdelay $0x2  }
0xc0: {  	s31 =	sshll.u32 s1, $0xD;
	s1 =	sshrl.u32 s1, $0x2  }
0xc1: {  	s3 =	sand.u32 $0x4000, s31;
	s1 =	sadd.s32 s1, s30  }
0xc2: {  	s0 =	sor.u32 s3, s0;
	s1 =	sshll.u32 s1, $0x11  }
0xc3: {  	s0 =	sor.u32 s1, s0  }
0xc4: {  	s0 =	sadd.s32 $0x8F2B, s0  }
0xc5: {  	[sflag:s0] =	ssyncadd.remote.s32 $0x1  }
0xc6: {  	_ =	sfence.sel $0xFFFF  }
0xc7: {  	[dreg:$0x0] =	wrdreg $0xFFFFFFFF;
	(pc) =	sbr.abs _section_cstart, $3  }
0xc8: {  	[dreg:$0x1] =	wrdreg $0xFFFFFFFF  }
0xc9: {  	_ =	task.clear_ibuf [dreg:s8], $0x2FFFF;
	_ =	strace $0x9FFFFFFF  }
0xca: {  	(tm) =	ssettm $0x7FFFFFFF  }
0xcb: {  	_ =	shalt  }
tec
execute0_lowered:
.L_overlay_start_1:
0x0: {  	(tag) =	ssettag $0x1  }
0x1: {  	s0 =	rddreg [dreg:$0x0]  }
0x2: {  	s1 =	srdreg.scid;
	s26 =	stileid.u32  }
0x3: {  	s2 =	rddreg [dreg:$0x1];
	s4 =	sand.u32 $0x1, s1;
	s18 =	smul.u32 $0x4E, s26  }
0x4: {  	s3 =	rddreg [dreg:$0x2];
	s7 =	smul.u32 $0x13880, s26;
	s6 =	ssub.s32 $0x2, s4  }
0x5: {  	s8 =	sadd.s32 $0x2CE00, s0;
	s13 =	smin.u32 s26, $0x2;
	s9 =	sshrl.u32 s6, $0x1  }
0x6: {  	s21 =	sadd.s32 $0x3E80, s7;
	s22 =	sadd.s32 $0x7D00, s7;
	s23 =	sadd.s32 $0xBB80, s7  }
0x7: {  	s24 =	sadd.s32 $0xFA00, s7;
	s10 =	sshrl.u32 s7, $0x3;
	s6 =	ssub.s32 s6, s9  }
0x8: {  	s9 =	sadd.s32 s13, s18;
	s11 =	sshrl.u32 s21, $0x3;
	s12 =	sadd.s32 s8, s10  }
0x9: {  	s20 =	sshrl.u32 s22, $0x3;
	s14 =	sshrl.u32 s23, $0x3;
	s15 =	sshrl.u32 s24, $0x3  }
0xa: {  	s10 =	sadd.s32 s3, s10;
	[dreg:$0x5] =	wrdreg s12;
	s19 =	sadd.s32 s8, s11  }
0xb: {  	s16 =	sadd.s32 s8, s20;
	s25 =	sadd.s32 s8, s14;
	s8 =	sadd.s32 s8, s15  }
0xc: {  	[dreg:$0xa] =	wrdreg s10;
	s11 =	sadd.s32 s3, s11;
	s17 =	sadd.s32 s3, s20  }
0xd: {  	s18 =	sadd.s32 s3, s14;
	s3 =	sadd.s32 s3, s15;
	s15 =	rddreg [dreg:$0x3]  }
0xe: {  	s28 =	simm.s32 $0x8100;
	[dreg:$0x6] =	wrdreg s19  }
0xf: {  	s29 =	simm.s32 $0x3;
	s30 =	simm.s32 $0x100;
	[dreg:$0x7] =	wrdreg s16  }
0x10: {  	s31 =	simm.s32 $0x80;
	s5 =	sadd.s32 $0xA74C00, s0;
	[dreg:$0x8] =	wrdreg s25  }
0x11: {  	s0 =	sadd.s32 $0xCE5C00, s0;
	p1 =	slt.u32 s26, $0x2;
	[dreg:$0x9] =	wrdreg s8  }
0x12: {  	p2 =	sgt.u32 s26, $0x1;
	p0 =	sne.s32 s4, $0x0;
	[dreg:$0xb] =	wrdreg s11  }
0x13: {  	s4 =	simm.s32 $0x0;
	s1 =	sshll.u32 s9, $0x4;
	[dreg:$0xc] =	wrdreg s17  }
0x14: {  	s20 =	sshll.u32 s13, $0x4;
	s9 =	sshll.u32 s9, $0xB;
	[dreg:$0xd] =	wrdreg s18  }
0x15: {  	s1 =	sadd.s32 s2, s1;
	s16 =	smul.u32 $0x4E0, s26;
	[dreg:$0xe] =	wrdreg s3  }
0x16: {  	s19 =	smul.u32 $0x27000, s26;
	s12 =	sadd.s32 s0, s9;
	s14 =	sadd.s32 s5, s9  }
0x17: {  	s25 =	sshll.u32 s13, $0xB;
	s17 =	simm.s32 $0x0;
	s21 =	sadd.s32 s21, s15  }
0x18: {  	s22 =	sadd.s32 s22, s15;
	s23 =	sadd.s32 s23, s15;
	s24 =	sadd.s32 s24, s15  }
0x19: {  	s13 =	simm.s32 $0x4;
	[smem:$0x7FF] =	sst s17;
	s2 =	sadd.s32 s16, s2  }
.Ltmp0:
0x1a: {  	s0 =	sadd.s32 s19, s0;
	s3 =	sadd.s32 s19, s5;
	(pc) =	sbr.rel .LBB2_1-.Ltmp0, $4  }
0x1b: {  	_ =	strace $0x8000004A;
	s19 =	simm.s32 $0x4F;
	s2 =	sadd.s32 s20, s2  }
0x1c: {  	s16 =	sadd.s32 s25, s0;
	s18 =	sadd.s32 s25, s3;
	s19 =	simm.s32 @!p1 $0x4E  }
0x1d: {  	s20 =	sadd.s32 s7, s15;
	s25 =	smax.u32 s6, $0x1;
	s0 =	simm.s32 $0x4100  }
0x1e: {  	v0 =	vimm.f32 $0.0e+00;
	s3 =	simm.s32 $0x2;
	s7 =	sadd.s32 $0x10, s2;
	s2 =	simm.s32 $0x1  }
.LBB2_10:
0x1f: {  	_ =	swait.ge [sflag:s2], $0x4000  }
0x20: {  	[sflag:s2] =	ssyncset.done $0x0  }
0x21: {  	[sflag:s2] =	ssyncadd.s32 $0xFFFFC000  }
0x22: {  	[spmem:s15] =	stream.indirect.scatter.add.f32 [tilespmem:s30], [sflag:$0x4], $0x80, s17, s31, $0xb8;
	[tilespmem:$0x1F800] =	vst v63  }
0x23: {  	_ =	swait.ge [sflag:s13], $0x4000  }
0x24: {  	[sflag:s13] =	ssyncset.done $0x0  }
0x25: {  	[sflag:s13] =	ssyncadd.s32 $0xFFFFC000  }
.LBB2_11:
0x26: {  	[bflag:$0x0] =	sbarrier.arrive $0xFFFF  }
0x27: {  	[tilespmem:s28], [sflag:$0x3] =	stream.linear.gather [spmem:s20], $0x3E80, $0x38;
	[tilespmem:$0x1F800] =	vst v63  }
0x28: {  	_ =	swait.ge [sflag:s29], $0x3E80  }
0x29: {  	[sflag:s29] =	ssyncset.done $0x0  }
0x2a: {  	[sflag:s29] =	ssyncadd.s32 $0xFFFFC180  }
0x2b: {  	[hbm4b:s9+s17] =	stream.linear.scatter [tilespmem:s28], [sflag:$0x3], $0x3E80, $0x38;
	[tilespmem:$0x1F800] =	vst v63  }
0x2c: {  	_ =	swait.ge [sflag:s29], $0x3E80  }
0x2d: {  	[sflag:s29] =	ssyncset.done $0x0  }
0x2e: {  	[sflag:s29] =	ssyncadd.s32 $0xFFFFC180  }
0x2f: {  	[tilespmem:s28], [sflag:$0x3] =	stream.linear.gather [spmem:s21], $0x3E80, $0x38;
	[tilespmem:$0x1F800] =	vst v63  }
0x30: {  	_ =	swait.ge [sflag:s29], $0x3E80  }
0x31: {  	[sflag:s29] =	ssyncset.done $0x0  }
0x32: {  	[sflag:s29] =	ssyncadd.s32 $0xFFFFC180  }
0x33: {  	[hbm4b:s8+s17] =	stream.linear.scatter [tilespmem:s28], [sflag:$0x3], $0x3E80, $0x38;
	[tilespmem:$0x1F800] =	vst v63  }
0x34: {  	_ =	swait.ge [sflag:s29], $0x3E80  }
0x35: {  	[sflag:s29] =	ssyncset.done $0x0  }
0x36: {  	[sflag:s29] =	ssyncadd.s32 $0xFFFFC180  }
0x37: {  	[tilespmem:s28], [sflag:$0x3] =	stream.linear.gather [spmem:s22], $0x3E80, $0x38;
	[tilespmem:$0x1F800] =	vst v63  }
0x38: {  	_ =	swait.ge [sflag:s29], $0x3E80  }
0x39: {  	[sflag:s29] =	ssyncset.done $0x0  }
0x3a: {  	[sflag:s29] =	ssyncadd.s32 $0xFFFFC180  }
0x3b: {  	[hbm4b:s26+s17] =	stream.linear.scatter [tilespmem:s28], [sflag:$0x3], $0x3E80, $0x38;
	[tilespmem:$0x1F800] =	vst v63  }
0x3c: {  	_ =	swait.ge [sflag:s29], $0x3E80  }
0x3d: {  	[sflag:s29] =	ssyncset.done $0x0  }
0x3e: {  	[sflag:s29] =	ssyncadd.s32 $0xFFFFC180  }
0x3f: {  	[tilespmem:s28], [sflag:$0x3] =	stream.linear.gather [spmem:s23], $0x3E80, $0x38;
	[tilespmem:$0x1F800] =	vst v63  }
0x40: {  	_ =	swait.ge [sflag:s29], $0x3E80  }
0x41: {  	[sflag:s29] =	ssyncset.done $0x0  }
0x42: {  	[sflag:s29] =	ssyncadd.s32 $0xFFFFC180  }
0x43: {  	[hbm4b:s6+s17] =	stream.linear.scatter [tilespmem:s28], [sflag:$0x3], $0x3E80, $0x38;
	[tilespmem:$0x1F800] =	vst v63  }
0x44: {  	_ =	swait.ge [sflag:s29], $0x3E80  }
0x45: {  	[sflag:s29] =	ssyncset.done $0x0  }
0x46: {  	[sflag:s29] =	ssyncadd.s32 $0xFFFFC180  }
0x47: {  	[tilespmem:s28], [sflag:$0x3] =	stream.linear.gather [spmem:s24], $0x3E80, $0x38;
	[tilespmem:$0x1F800] =	vst v63  }
0x48: {  	s4 =	sadd.s32 $0x1, s4;
	_ =	swait.ge [sflag:s29], $0x3E80  }
0x49: {  	p3 =	sne.s32 s4, s25;
	[sflag:s29] =	ssyncset.done $0x0  }
.Ltmp1:
0x4a: {  	[sflag:s29] =	ssyncadd.s32 $0xFFFFC180;
	(pc) =	sbr.rel @!p3 .LBB2_12-.Ltmp1, $4  }
0x4b: {  	[hbm4b:s5+s17] =	stream.linear.scatter [tilespmem:s28], [sflag:$0x3], $0x3E80, $0x38;
	[tilespmem:$0x1F800] =	vst v63  }
0x4c: {  	_ =	swait.ge [sflag:s29], $0x3E80  }
0x4d: {  	[sflag:s29] =	ssyncset.done $0x0  }
0x4e: {  	[sflag:s29] =	ssyncadd.s32 $0xFFFFC180  }
.LBB2_1:
0x4f: {  	s5 =	simm.s32 $0x0;
	s6 =	simm.s32 $0x200  }
.LBB2_2:
0x50: {  	p3 =	sne.s32 s6, $0xF800;
	[tilespmem:s5+$0x8170] =	vst v0  }
0x51: {  	[tilespmem:s5+$0x8100] =	vst v0  }
0x52: {  	[tilespmem:s5+$0x8110] =	vst v0  }
.Ltmp2:
0x53: {  	[tilespmem:s5+$0x8120] =	vst v0;
	(pc) =	sbr.rel @p3 .LBB2_2-.Ltmp2, $4  }
0x54: {  	[tilespmem:s5+$0x8130] =	vst v0  }
0x55: {  	[tilespmem:s5+$0x8140] =	vst v0  }
0x56: {  	[tilespmem:s5+$0x8150] =	vst v0  }
0x57: {  	[tilespmem:s5+$0x8160] =	vst v0;
	s5 =	sshra.s32 s6, $0x2;
	s6 =	sadd.s32 $0x200, s6  }
0x58: {  	[tilespmem:s5+$0x8170] =	vst v0  }
0x59: {  	[tilespmem:s5+$0x8100] =	vst v0  }
0x5a: {  	[tilespmem:s5+$0x8110] =	vst v0  }
0x5b: {  	[tilespmem:s5+$0x8120] =	vst v0  }
0x5c: {  	[tilespmem:s5+$0x8130] =	vst v0  }
0x5d: {  	[tilespmem:s5+$0x8140] =	vst v0  }
0x5e: {  	[tilespmem:s5+$0x8150] =	vst v0  }
0x5f: {  	[tilespmem:s5+$0x8160] =	vst v0  }
0x60: {  	[spmem:s20] =	stream.linear.scatter [tilespmem:s28], [sflag:$0x3], $0x3E80, $0x38;
	[tilespmem:$0x1F800] =	vst v63  }
0x61: {  	_ =	swait.ge [sflag:s29], $0x3E80  }
0x62: {  	[sflag:s29] =	ssyncset.done $0x0  }
0x63: {  	[sflag:s29] =	ssyncadd.s32 $0xFFFFC180  }
0x64: {  	[spmem:s21] =	stream.linear.scatter [tilespmem:s28], [sflag:$0x3], $0x3E80, $0x38;
	[tilespmem:$0x1F800] =	vst v63  }
0x65: {  	_ =	swait.ge [sflag:s29], $0x3E80  }
0x66: {  	[sflag:s29] =	ssyncset.done $0x0  }
0x67: {  	[sflag:s29] =	ssyncadd.s32 $0xFFFFC180  }
0x68: {  	[spmem:s22] =	stream.linear.scatter [tilespmem:s28], [sflag:$0x3], $0x3E80, $0x38;
	[tilespmem:$0x1F800] =	vst v63  }
0x69: {  	_ =	swait.ge [sflag:s29], $0x3E80  }
0x6a: {  	[sflag:s29] =	ssyncset.done $0x0  }
0x6b: {  	[sflag:s29] =	ssyncadd.s32 $0xFFFFC180  }
0x6c: {  	[spmem:s23] =	stream.linear.scatter [tilespmem:s28], [sflag:$0x3], $0x3E80, $0x38;
	[tilespmem:$0x1F800] =	vst v63  }
0x6d: {  	_ =	swait.ge [sflag:s29], $0x3E80  }
0x6e: {  	[sflag:s29] =	ssyncset.done $0x0  }
0x6f: {  	[sflag:s29] =	ssyncadd.s32 $0xFFFFC180  }
0x70: {  	[spmem:s24] =	stream.linear.scatter [tilespmem:s28], [sflag:$0x3], $0x3E80, $0x38;
	[tilespmem:$0x1F800] =	vst v63  }
0x71: {  	_ =	swait.ge [sflag:s29], $0x3E80  }
0x72: {  	[sflag:s29] =	ssyncset.done $0x0  }
0x73: {  	[sflag:s29] =	ssyncadd.s32 $0xFFFFC180  }
.Ltmp3:
0x74: {  	[bflag:$0x0] =	sbarrier.arrive $0xFFFF;
	(pc) =	sbr.rel @p0 .LBB2_7-.Ltmp3, $4  }
0x75: {  	[tilespmem:s17], [sflag:$0x3] =	stream.linear.gather [hbm4b:s1+s17], $0x80, $0x38;
	[tilespmem:$0x1F800] =	vst v63  }
0x76: {  	_ =	swait.ge [sflag:s29], $0x80  }
0x77: {  	[sflag:s29] =	ssyncset.done $0x0  }
0x78: {  	s5 =	simm.s32 $0x0;
	[sflag:s29] =	ssyncadd.s32 $0xFFFFFF80  }
0x79: {  	[tilespmem:s30], [sflag:$0x1] =	stream.linear.gather [hbm4b:s14+s5], $0x4000, $0x38;
	[tilespmem:$0x1F800] =	vst v63  }
0x7a: {  	_ = 	snop  }
0x7b: {  	[tilespmem:s31], [sflag:$0x4] =	stream.linear.gather [hbm4b:s7+s17], $0x80, $0x38;
	[tilespmem:$0x1F800] =	vst v63  }
0x7c: {  	_ =	swait.ge [sflag:s13], $0x80  }
0x7d: {  	s26 =	sadd.s32 $0x0, s18;
	[sflag:s13] =	ssyncset.done $0x0  }
0x7e: {  	s5 =	sadd.s32 $0x800, s26;
	[sflag:s13] =	ssyncadd.s32 $0xFFFFFF80  }
0x7f: {  	[tilespmem:s0], [sflag:$0x2] =	stream.linear.gather [hbm4b:s5+s17], $0x4000, $0x38;
	[tilespmem:$0x1F800] =	vst v63  }
0x80: {  	_ =	swait.ge [sflag:s2], $0x4000  }
0x81: {  	[sflag:s2] =	ssyncset.done $0x0  }
0x82: {  	[sflag:s2] =	ssyncadd.s32 $0xFFFFC000  }
0x83: {  	[spmem:s15] =	stream.indirect.scatter.add.f32 [tilespmem:s30], [sflag:$0x4], $0x80, s17, s31, $0xb8;
	[tilespmem:$0x1F800] =	vst v63  }
0x84: {  	p3 =	sle.u32 s19, $0x2;
	_ =	swait.ge [sflag:s13], $0x4000  }
0x85: {  	s6 =	simm.s32 @!p3 $0x0;
	[sflag:s13] =	ssyncset.done $0x0  }
0x86: {  	s8 =	simm.s32 @!p3 $0x4;
	s5 =	sadd.s32 @!p3 $0x10, s7;
	[sflag:s13] =	ssyncadd.s32 $0xFFFFC000  }
0x87: {  	[tilespmem:s6], [sflag:$0x4] =	stream.linear.gather @!p3 [hbm4b:s5+s6], $0x80, $0x38;
	[tilespmem:$0x1F800] =	vst v63  }
0x88: {  	_ =	swait.ge @!p3 [sflag:s8], $0x80  }
0x89: {  	s5 =	sadd.s32 @!p3 $0x0, s18;
	[sflag:s8] =	ssyncset.done @!p3 $0x0  }
0x8a: {  	s9 =	simm.s32 @!p3 $0x100;
	s5 =	sadd.s32 @!p3 $0x1000, s5;
	[sflag:s8] =	ssyncadd.s32 @!p3 $0xFFFFFF80  }
0x8b: {  	[tilespmem:s9], [sflag:$0x1] =	stream.linear.gather @!p3 [hbm4b:s5+s6], $0x4000, $0x38;
	[tilespmem:$0x1F800] =	vst v63  }
0x8c: {  	_ =	swait.ge [sflag:s3], $0x4000  }
0x8d: {  	[sflag:s3] =	ssyncset.done $0x0  }
0x8e: {  	s26 =	smov.u32 s7;
	[sflag:s3] =	ssyncadd.s32 $0xFFFFC000  }
0x8f: {  	[spmem:s15] =	stream.indirect.scatter.add.f32 [tilespmem:s0], [sflag:$0x3], $0x80, s31, s31, $0xb8;
	[tilespmem:$0x1F800] =	vst v63  }
0x90: {  	s5 =	simm.s32 $0x1000;
	s6 =	simm.s32 $0x4;
	_ =	swait.ge [sflag:s29], $0x4000  }
.LBB2_5:
0x91: {  	[sflag:s29] =	ssyncset.done $0x0  }
0x92: {  	s26 =	sadd.s32 $0x20, s26;
	s8 =	smov.u32 s5;
	s5 =	sadd.s32 $0x1000, s5  }
0x93: {  	p3 =	sne.s32 s5, $0x27000;
	[sflag:s29] =	ssyncadd.s32 $0xFFFFC000  }
0x94: {  	[tilespmem:s31], [sflag:$0x4] =	stream.linear.gather [hbm4b:s26+s17], $0x80, $0x38;
	[tilespmem:$0x1F800] =	vst v63  }
0x95: {  	s9 =	sadd.s32 s8, s18;
	_ =	swait.ge [sflag:s13], $0x80  }
0x96: {  	s9 =	sadd.s32 $0x800, s9;
	[sflag:s13] =	ssyncset.done $0x0  }
0x97: {  	[sflag:s13] =	ssyncadd.s32 $0xFFFFFF80  }
0x98: {  	[tilespmem:s0], [sflag:$0x2] =	stream.linear.gather [hbm4b:s9+s17], $0x4000, $0x38;
	[tilespmem:$0x1F800] =	vst v63  }
0x99: {  	_ =	swait.ge [sflag:s2], $0x4000  }
0x9a: {  	[sflag:s2] =	ssyncset.done $0x0  }
0x9b: {  	[sflag:s2] =	ssyncadd.s32 $0xFFFFC000  }
0x9c: {  	[spmem:s15] =	stream.indirect.scatter.add.f32 [tilespmem:s30], [sflag:$0x4], $0x80, s17, s31, $0xb8;
	[tilespmem:$0x1F800] =	vst v63  }
0x9d: {  	p4 =	sge.u32 s6, s19;
	_ =	swait.ge [sflag:s13], $0x4000  }
0x9e: {  	s10 =	simm.s32 @!p4 $0x0;
	s9 =	sadd.s32 @!p4 $0x10, s26;
	[sflag:s13] =	ssyncset.done $0x0  }
0x9f: {  	s11 =	simm.s32 @!p4 $0x4;
	s8 =	sadd.s32 @!p4 s8, s18;
	[sflag:s13] =	ssyncadd.s32 $0xFFFFC000  }
0xa0: {  	[tilespmem:s10], [sflag:$0x4] =	stream.linear.gather @!p4 [hbm4b:s9+s10], $0x80, $0x38;
	[tilespmem:$0x1F800] =	vst v63  }
0xa1: {  	s8 =	sadd.s32 @!p4 $0x1000, s8;
	_ =	swait.ge @!p4 [sflag:s11], $0x80  }
0xa2: {  	s9 =	simm.s32 @!p4 $0x100;
	[sflag:s11] =	ssyncset.done @!p4 $0x0  }
0xa3: {  	[sflag:s11] =	ssyncadd.s32 @!p4 $0xFFFFFF80  }
0xa4: {  	[tilespmem:s9], [sflag:$0x1] =	stream.linear.gather @!p4 [hbm4b:s8+s10], $0x4000, $0x38;
	[tilespmem:$0x1F800] =	vst v63  }
.Ltmp4:
0xa5: {  	_ =	swait.ge [sflag:s3], $0x4000;
	(pc) =	sbr.rel @p3 .LBB2_5-.Ltmp4, $4  }
0xa6: {  	[sflag:s3] =	ssyncset.done $0x0  }
0xa7: {  	[sflag:s3] =	ssyncadd.s32 $0xFFFFC000  }
0xa8: {  	[spmem:s15] =	stream.indirect.scatter.add.f32 [tilespmem:s0], [sflag:$0x3], $0x80, s31, s31, $0xb8;
	[tilespmem:$0x1F800] =	vst v63  }
0xa9: {  	s6 =	sadd.s32 $0x2, s6;
	_ =	swait.ge [sflag:s29], $0x4000  }
.Ltmp5:
0xaa: {  	s9 =	rddreg [dreg:$0xa];
	(pc) =	sbr.rel @p1 .LBB2_10-.Ltmp5, $4  }
.Ltmp6:
0xab: {  	s8 =	rddreg [dreg:$0xb];
	(pc) =	sbr.rel @!p1 .LBB2_11-.Ltmp6, $4  }
0xac: {  	s26 =	rddreg [dreg:$0xc]  }
0xad: {  	[sflag:s29] =	ssyncset.done $0x0;
	s6 =	rddreg [dreg:$0xd]  }
0xae: {  	s5 =	rddreg [dreg:$0xe];
	[sflag:s29] =	ssyncadd.s32 $0xFFFFC000  }
0xaf: {  	_ = 	snop  }
.LBB2_7:
0xb0: {  	[tilespmem:s30], [sflag:$0x1] =	stream.linear.gather [hbm4b:s12+s5], $0x4000, $0x38;
	[tilespmem:$0x1F800] =	vst v63  }
0xb1: {  	_ = 	snop  }
0xb2: {  	[tilespmem:s31], [sflag:$0x4] =	stream.linear.gather [hbm4b:s7+s17], $0x80, $0x38;
	[tilespmem:$0x1F800] =	vst v63  }
0xb3: {  	_ =	swait.ge [sflag:s13], $0x80  }
0xb4: {  	s26 =	sadd.s32 $0x0, s16;
	[sflag:s13] =	ssyncset.done $0x0  }
0xb5: {  	s5 =	sadd.s32 $0x800, s26;
	[sflag:s13] =	ssyncadd.s32 $0xFFFFFF80  }
0xb6: {  	[tilespmem:s0], [sflag:$0x2] =	stream.linear.gather [hbm4b:s5+s17], $0x4000, $0x38;
	[tilespmem:$0x1F800] =	vst v63  }
0xb7: {  	_ =	swait.ge [sflag:s2], $0x4000  }
0xb8: {  	[sflag:s2] =	ssyncset.done $0x0  }
0xb9: {  	[sflag:s2] =	ssyncadd.s32 $0xFFFFC000  }
0xba: {  	[spmem:s15] =	stream.indirect.scatter.add.f32 [tilespmem:s30], [sflag:$0x4], $0x80, s17, s31, $0xb8;
	[tilespmem:$0x1F800] =	vst v63  }
0xbb: {  	p3 =	sle.u32 s19, $0x2;
	_ =	swait.ge [sflag:s13], $0x4000  }
0xbc: {  	s6 =	simm.s32 @!p3 $0x0;
	[sflag:s13] =	ssyncset.done $0x0  }
0xbd: {  	s8 =	simm.s32 @!p3 $0x4;
	s5 =	sadd.s32 @!p3 $0x10, s7;
	[sflag:s13] =	ssyncadd.s32 $0xFFFFC000  }
0xbe: {  	[tilespmem:s6], [sflag:$0x4] =	stream.linear.gather @!p3 [hbm4b:s5+s6], $0x80, $0x38;
	[tilespmem:$0x1F800] =	vst v63  }
0xbf: {  	_ =	swait.ge @!p3 [sflag:s8], $0x80  }
0xc0: {  	s5 =	sadd.s32 @!p3 $0x0, s16;
	[sflag:s8] =	ssyncset.done @!p3 $0x0  }
0xc1: {  	s9 =	simm.s32 @!p3 $0x100;
	s5 =	sadd.s32 @!p3 $0x1000, s5;
	[sflag:s8] =	ssyncadd.s32 @!p3 $0xFFFFFF80  }
0xc2: {  	[tilespmem:s9], [sflag:$0x1] =	stream.linear.gather @!p3 [hbm4b:s5+s6], $0x4000, $0x38;
	[tilespmem:$0x1F800] =	vst v63  }
0xc3: {  	_ =	swait.ge [sflag:s3], $0x4000  }
0xc4: {  	[sflag:s3] =	ssyncset.done $0x0  }
0xc5: {  	s26 =	smov.u32 s7;
	[sflag:s3] =	ssyncadd.s32 $0xFFFFC000  }
0xc6: {  	[spmem:s15] =	stream.indirect.scatter.add.f32 [tilespmem:s0], [sflag:$0x3], $0x80, s31, s31, $0xb8;
	[tilespmem:$0x1F800] =	vst v63  }
0xc7: {  	s5 =	simm.s32 $0x1000;
	s6 =	simm.s32 $0x4;
	_ =	swait.ge [sflag:s29], $0x4000  }
.LBB2_8:
0xc8: {  	[sflag:s29] =	ssyncset.done $0x0  }
0xc9: {  	s26 =	sadd.s32 $0x20, s26;
	s8 =	smov.u32 s5;
	s5 =	sadd.s32 $0x1000, s5  }
0xca: {  	p3 =	sne.s32 s5, $0x27000;
	[sflag:s29] =	ssyncadd.s32 $0xFFFFC000  }
0xcb: {  	[tilespmem:s31], [sflag:$0x4] =	stream.linear.gather [hbm4b:s26+s17], $0x80, $0x38;
	[tilespmem:$0x1F800] =	vst v63  }
0xcc: {  	s9 =	sadd.s32 s8, s16;
	_ =	swait.ge [sflag:s13], $0x80  }
0xcd: {  	s9 =	sadd.s32 $0x800, s9;
	[sflag:s13] =	ssyncset.done $0x0  }
0xce: {  	[sflag:s13] =	ssyncadd.s32 $0xFFFFFF80  }
0xcf: {  	[tilespmem:s0], [sflag:$0x2] =	stream.linear.gather [hbm4b:s9+s17], $0x4000, $0x38;
	[tilespmem:$0x1F800] =	vst v63  }
0xd0: {  	_ =	swait.ge [sflag:s2], $0x4000  }
0xd1: {  	[sflag:s2] =	ssyncset.done $0x0  }
0xd2: {  	[sflag:s2] =	ssyncadd.s32 $0xFFFFC000  }
0xd3: {  	[spmem:s15] =	stream.indirect.scatter.add.f32 [tilespmem:s30], [sflag:$0x4], $0x80, s17, s31, $0xb8;
	[tilespmem:$0x1F800] =	vst v63  }
0xd4: {  	p4 =	sge.u32 s6, s19;
	_ =	swait.ge [sflag:s13], $0x4000  }
0xd5: {  	s10 =	simm.s32 @!p4 $0x0;
	s9 =	sadd.s32 @!p4 $0x10, s26;
	[sflag:s13] =	ssyncset.done $0x0  }
0xd6: {  	s11 =	simm.s32 @!p4 $0x4;
	s8 =	sadd.s32 @!p4 s8, s16;
	[sflag:s13] =	ssyncadd.s32 $0xFFFFC000  }
0xd7: {  	[tilespmem:s10], [sflag:$0x4] =	stream.linear.gather @!p4 [hbm4b:s9+s10], $0x80, $0x38;
	[tilespmem:$0x1F800] =	vst v63  }
0xd8: {  	s8 =	sadd.s32 @!p4 $0x1000, s8;
	_ =	swait.ge @!p4 [sflag:s11], $0x80  }
0xd9: {  	s9 =	simm.s32 @!p4 $0x100;
	[sflag:s11] =	ssyncset.done @!p4 $0x0  }
0xda: {  	[sflag:s11] =	ssyncadd.s32 @!p4 $0xFFFFFF80  }
0xdb: {  	[tilespmem:s9], [sflag:$0x1] =	stream.linear.gather @!p4 [hbm4b:s8+s10], $0x4000, $0x38;
	[tilespmem:$0x1F800] =	vst v63  }
.Ltmp7:
0xdc: {  	_ =	swait.ge [sflag:s3], $0x4000;
	(pc) =	sbr.rel @p3 .LBB2_8-.Ltmp7, $4  }
0xdd: {  	[sflag:s3] =	ssyncset.done $0x0  }
0xde: {  	[sflag:s3] =	ssyncadd.s32 $0xFFFFC000  }
0xdf: {  	[spmem:s15] =	stream.indirect.scatter.add.f32 [tilespmem:s0], [sflag:$0x3], $0x80, s31, s31, $0xb8;
	[tilespmem:$0x1F800] =	vst v63  }
0xe0: {  	s6 =	sadd.s32 $0x2, s6;
	_ =	swait.ge [sflag:s29], $0x4000  }
.Ltmp8:
0xe1: {  	s9 =	rddreg [dreg:$0x5];
	(pc) =	sbr.rel @p2 .LBB2_11-.Ltmp8, $4  }
.Ltmp9:
0xe2: {  	s8 =	rddreg [dreg:$0x6];
	(pc) =	sbr.rel @!p2 .LBB2_10-.Ltmp9, $4  }
0xe3: {  	s26 =	rddreg [dreg:$0x7]  }
0xe4: {  	[sflag:s29] =	ssyncset.done $0x0;
	s6 =	rddreg [dreg:$0x8]  }
0xe5: {  	s5 =	rddreg [dreg:$0x9];
	[sflag:s29] =	ssyncadd.s32 $0xFFFFC000  }
0xe6: {  	_ = 	snop  }
.LBB2_12:
0xe7: {  	_ =	sfence.sel $0x180000  }
0xe8: {  	[bflag:$0x0] =	sbarrier.arrive $0xFFFF  }
0xe9: {  	_ =	strace $0x9000004A  }
0xea: {  	s0 =	stileid.u32;
	[bflag:$0x2] =	sbarrier.arrive $0xFFFF  }
0xeb: {  	p0 =	sne.s32 s0, $0x0;
	s0 =	rddreg [dreg:$0x4]  }
0xec: {  	s0 =	sadd.s32 @!p0 $0x100000, s0  }
0xed: {  	[sflag:s0] =	ssyncadd.tile.s32 @!p0 $0x1;
	_ =	shalt  }
.Lfunc_end2:
_tile_overlayer_lowered:
.L_overlay_start_2:
0xee: {  	(tag) =	ssettag $0x2  }
0xef: {  	s0 =	rddreg [dreg:$0x0];
	s2 =	stileid.u32  }
0xf0: {  	s1 =	rddreg [dreg:$0x1];
	p0 =	sne.s32 s2, $0x0  }
0xf1: {  	s3 =	rddreg [dreg:$0x2];
	[bflag:$0x3] =	sbarrier.arrive $0xFFFF;
	s2 =	simm.s32 @!p0 $0x1C03  }
0xf2: {  	[timem:s3], [sflag:s2] =	dma.local @!p0 [hbm:s0], s1  }
0xf3: {  	s0 =	simm.s32 @!p0 $0x3  }
0xf4: {  	_ =	swait.ge @!p0 [sflag:s0], s1  }
0xf5: {  	s1 =	ssub.s32 @!p0 $0x0, s1;
	[sflag:s0] =	ssyncset.done @!p0 $0x0  }
0xf6: {  	[sflag:s0] =	ssyncadd.s32 @!p0 s1  }
0xf7: {  	[bflag:$0x3] =	sbarrier.arrive $0xFFFF  }
0xf8: {  	_ =	shalt  }

// kernel: kernel.7.cloned.1.call-start
scs
__scs_entry_jumppad:
0x0: {  	(pc) =	sbr.rel $0x88, $3  }
0x1: {  	(tag) =	ssettag $0x0;
	lr =	simm.s32 $0x1  }
0x2: {  	[smem:$0x3F8A] =	sst lr;
	_ =	strace $0xD0000000  }
0x3: {  	_ = 	snop  }
0x4: {  	_ = 	snop  }
0x5: {  	_ = 	snop  }
0x6: {  	_ = 	snop  }
0x7: {  	_ = 	snop  }
__scs_overlays_trampoline_lowered:
0x8: {  	[smem:$0x3F99] =	sst s0  }
0x9: {  	[smem:$0x3F9A] =	sst s1  }
0xa: {  	[smem:$0x3F9B] =	sst s2  }
0xb: {  	[smem:$0x3F9C] =	sst s3  }
0xc: {  	[smem:$0x3F9D] =	sst s4  }
0xd: {  	[smem:$0x3F9E] =	sst s5  }
0xe: {  	[smem:$0x3F9F] =	sst s6  }
0xf: {  	[smem:$0x3FA0] =	sst s7  }
0x10: {  	[smem:$0x3FA1] =	sst s8  }
0x11: {  	[smem:$0x3FA2] =	sst s9;
	s0 =	simm.s32 @!p0 $0x0  }
0x12: {  	s1 =	sld [smem:$0x3F88];
	s0 =	simm.s32 @p0 $0x1  }
0x13: {  	[smem:$0x3FA3] =	sst s0;
	s0 =	simm.s32 @!p1 $0x0  }
0x14: {  	s2 =	sld [smem:$0x3F87];
	s0 =	simm.s32 @p1 $0x1  }
0x15: {  	[smem:$0x3FA4] =	sst s0;
	s0 =	simm.s32 @!p2 $0x0  }
0x16: {  	s3 =	sld [smem:$0x3FDB];
	s0 =	simm.s32 @p2 $0x1  }
0x17: {  	s4 =	simm.s32 $0x1BF5;
	[smem:$0x3FA6] =	sst s0  }
0x18: {  	s0 =	sld [smem:$0x3F89];
	_ =	swait.ge [sflag:s4], $0x0  }
0x19: {  	s7 =	sld [smem:$0x3F8A]  }
0x1a: {  	s8 =	sadd.s32 $0xFFFFE003, lr  }
0x1b: {  	s9 =	sadd.s32 $0xFFFFFEF7, lr;
	s5 =	simm.s32 $0xFFFFFFFF;
	p2 =	slt.u32 s8, $0xFFFFF086  }
0x1c: {  	p1 =	slt.u32 s9, $0xF7A;
	s5 =	simm.s32 @!p2 $0x0  }
0x1d: {  	s5 =	simm.s32 @p1 $0x1;
	p0 =	seq.s32 s7, s2  }
0x1e: {  	s7 =	smul.u32 @!p0 $0xF7A, s2;
	p2 =	seq.s32 @!p0 s5, $0x0  }
0x1f: {  	s9 =	smul.u32 $0xF7A, s1;
	s8 =	simm.s32 @!p0 $0x1BF5;
	p2 =	por !p2, p0  }
0x20: {  	[sflag:s8] =	ssyncset.s32 @!p0 $0xFFFFF086;
	s6 =	sadd.s32 @!p0 s3, s7;
	s7 =	simm.s32 @!p0 $0x108  }
0x21: {  	s3 =	sadd.s32 s3, s9;
	s6 =	sadd.s32 @!p0 $0x88, s6;
	s7 =	simm.s32 @p2 $0x1082  }
0x22: {  	[simem:s7], [sflag:s8] =	dma.local @!p0 [hbm:s6], $0xF7A  }
0x23: {  	s9 =	sor.u32 $0xD0000000, s2;
	s6 =	simm.s32 $0x108;
	_ =	swait.ge @!p0 [sflag:s8], $0x0  }
0x24: {  	s3 =	sadd.s32 $0x88, s3;
	s6 =	simm.s32 @!p1 $0x1082;
	[sflag:s4] =	ssyncset.s32 $0xFFFFF086  }
0x25: {  	[simem:s6], [sflag:s4] =	dma.local [hbm:s3], $0xF7A  }
0x26: {  	[smem:$0x3F8A] =	sst s1;
	(tag) =	ssettag s2;
	_ =	strace s9  }
0x27: {  	s1 =	sld [smem:$0x3F9A]  }
0x28: {  	s2 =	sld [smem:$0x3F9B]  }
0x29: {  	s4 =	sld [smem:$0x3F9D]  }
0x2a: {  	p0 =	seq.s32 s5, $0x0;
	s5 =	sld [smem:$0x3F9E]  }
0x2b: {  	s6 =	sld [smem:$0x3F9F]  }
0x2c: {  	s7 =	sld [smem:$0x3FA0]  }
0x2d: {  	s3 =	simm.s32 $0x108;
	s8 =	sld [smem:$0x3FA1]  }
0x2e: {  	s3 =	simm.s32 @!p0 $0x1082;
	s9 =	sld [smem:$0x3FA2]  }
0x2f: {  	lr =	sadd.s32 s0, s3;
	s0 =	sld [smem:$0x3F99]  }
0x30: {  	s3 =	sld [smem:$0x3F9C]  }
0x31: {  	[smem:$0x3FA5] =	sst s10  }
0x32: {  	s10 =	sld [smem:$0x3FA3];
	_ =	sdelay $0x3  }
0x33: {  	p0 =	seq.s32 s10, $0x1;
	s10 =	sld [smem:$0x3FA5];
	_ =	sdelay $0x3  }
0x34: {  	[smem:$0x3FA5] =	sst s10  }
0x35: {  	s10 =	sld [smem:$0x3FA4];
	_ =	sdelay $0x3  }
0x36: {  	p1 =	seq.s32 s10, $0x1;
	s10 =	sld [smem:$0x3FA5];
	_ =	sdelay $0x3  }
0x37: {  	[smem:$0x3FA5] =	sst s10  }
0x38: {  	s10 =	sld [smem:$0x3FA6]  }
0x39: {  	_ = 	snop;
	(pc) =	sbr.ind lr, $3  }
0x3a: {  	_ = 	snop  }
0x3b: {  	_ = 	snop  }
0x3c: {  	p2 =	seq.s32 s10, $0x1;
	s10 =	sld [smem:$0x3FA5]  }
0x3d: {  	_ =	shalt  }
0x3e: {  	_ =	shalt  }
0x3f: {  	_ =	shalt  }
0x40: {  	_ =	shalt  }
0x41: {  	_ =	shalt  }
0x42: {  	_ =	shalt  }
0x43: {  	_ =	shalt  }
0x44: {  	_ =	shalt  }
0x45: {  	_ =	shalt  }
0x46: {  	_ =	shalt  }
0x47: {  	_ =	shalt  }
0x48: {  	_ =	shalt  }
0x49: {  	_ =	shalt  }
0x4a: {  	_ =	shalt  }
0x4b: {  	_ =	shalt  }
0x4c: {  	_ =	shalt  }
0x4d: {  	_ =	shalt  }
0x4e: {  	_ =	shalt  }
0x4f: {  	_ =	shalt  }
0x50: {  	_ =	shalt  }
0x51: {  	_ =	shalt  }
0x52: {  	_ =	shalt  }
0x53: {  	_ =	shalt  }
0x54: {  	_ =	shalt  }
0x55: {  	_ =	shalt  }
0x56: {  	_ =	shalt  }
0x57: {  	_ =	shalt  }
0x58: {  	_ =	shalt  }
0x59: {  	_ =	shalt  }
0x5a: {  	_ =	shalt  }
0x5b: {  	_ =	shalt  }
0x5c: {  	_ =	shalt  }
0x5d: {  	_ =	shalt  }
0x5e: {  	_ =	shalt  }
0x5f: {  	_ =	shalt  }
0x60: {  	_ =	shalt  }
0x61: {  	_ =	shalt  }
0x62: {  	_ =	shalt  }
0x63: {  	_ =	shalt  }
0x64: {  	_ =	shalt  }
0x65: {  	_ =	shalt  }
0x66: {  	_ =	shalt  }
0x67: {  	_ =	shalt  }
0x68: {  	_ =	shalt  }
0x69: {  	_ =	shalt  }
0x6a: {  	_ =	shalt  }
0x6b: {  	_ =	shalt  }
0x6c: {  	_ =	shalt  }
0x6d: {  	_ =	shalt  }
0x6e: {  	_ =	shalt  }
0x6f: {  	_ =	shalt  }
0x70: {  	_ =	shalt  }
0x71: {  	_ =	shalt  }
0x72: {  	_ =	shalt  }
0x73: {  	_ =	shalt  }
0x74: {  	_ =	shalt  }
0x75: {  	_ =	shalt  }
0x76: {  	_ =	shalt  }
0x77: {  	_ =	shalt  }
0x78: {  	_ =	shalt  }
0x79: {  	_ =	shalt  }
0x7a: {  	_ =	shalt  }
0x7b: {  	_ =	shalt  }
0x7c: {  	_ =	shalt  }
0x7d: {  	_ =	shalt  }
0x7e: {  	_ =	shalt  }
0x7f: {  	_ =	shalt  }
0x80: {  	_ =	shalt  }
0x81: {  	_ =	shalt  }
0x82: {  	_ =	shalt  }
0x83: {  	_ =	shalt  }
0x84: {  	_ =	shalt  }
0x85: {  	_ =	shalt  }
0x86: {  	_ =	shalt  }
0x87: {  	_ =	shalt  }
.Lfunc_end0:
.L_simem_size_0:
called_computation_lowered:
.L_overlay_start_0:
0x88: {  	s2 =	sld [smem:$0x3FD9]  }
0x89: {  	s3 =	sld [smem:$0x3FFE];
	_ =	sdelay $0x1  }
0x8a: {  	s1 =	srdreg.scid  }
0x8b: {  	s0 =	sand.u32 $0x1, s1  }
0x8c: {  	s14 =	sshll.u32 s0, $0xA;
	s2 =	sadd.s32 s3, s2  }
0x8d: {  	s2 =	sadd.s32 s2, s14  }
0x8e: {  	[smem:$0x3FB1] =	sst s2  }
0x8f: {  	_ = 	snop  }
0x90: {  	s2 =	sld [smem:$0x3FD0];
	_ =	sdelay $0x2  }
0x91: {  	s15 =	simm.s32 $0xA;
	s4 =	simm.s32 $0x10  }
0x92: {  	[smem:s4], [sflag:s15] =	dma.local [hbm:s2], $0x1  }
0x93: {  	_ =	swait.eq [sflag:s15], $0x1  }
0x94: {  	[sflag:s15] =	ssyncset.done $0x0  }
0x95: {  	s16 =	sld [smem:$0x10];
	[sflag:s15] =	ssyncadd.s32 $0xFFFFFFFF  }
0x96: {  	s17 =	sld [smem:$0x11];
	(tm) =	ssettm $0x1  }
0x97: {  	s18 =	sld [smem:$0x3FFB];
	_ =	sdelay $0x3  }
0x98: {  	_ =	strace s18  }
0x99: {  	s4 =	sld [smem:$0x3FFC];
	_ =	sdelay $0x3  }
0x9a: {  	_ =	strace s4  }
0x9b: {  	s4 =	sld [smem:$0x3FFD];
	_ =	sdelay $0x3  }
0x9c: {  	_ =	strace s4  }
0x9d: {  	_ =	strace $0x8FFFFFFF  }
0x9e: {  	s19 =	sld [smem:$0x3FDB];
	_ =	sdelay $0x1  }
0x9f: {  	s5 =	simm.s32 $_scs_section_size  }
0xa0: {  	s6 =	simm.s32 $_size__tile_overlayer_lowered;
	s7 =	simm.s32 $_tile_overlayer_lowered  }
0xa1: {  	s22 =	simm.s32 $0x1BFF;
	s21 =	sshll.u32 s7, $0x1;
	s4 =	sadd.s32 s5, s19  }
0xa2: {  	s8 =	simm.s32 $0x0;
	s20 =	sshll.u32 s6, $0x1;
	s6 =	sadd.s32 s21, s4  }
0xa3: {  	[timem:s8], [sflag:s22] =	dma.local [hbm:s6], s20  }
0xa4: {  	_ =	swait.ge [sflag:s22], s20  }
0xa5: {  	s5 =	ssub.s32 $0x0, s20;
	[sflag:s22] =	ssyncset.done $0x0  }
0xa6: {  	[sflag:s22] =	ssyncadd.s32 s5;
	_ =	sdelay $0x1  }
0xa7: {  	s23 =	simm.s32 $0x1B8B  }
0xa8: {  	_ =	swait.ge [sflag:s23], $0x1  }
0xa9: {  	[sflag:s23] =	ssyncset.done $0x0  }
0xaa: {  	s25 =	simm.s32 $0x1B8E;
	s24 =	sld [smem:$0x3FFE];
	[sflag:s23] =	ssyncadd.s32 $0xFFFFFFFF  }
0xab: {  	s26 =	simm.s32 $execute0_lowered;
	[smem:$0x3FD2] =	sst s25  }
0xac: {  	s6 =	sshll.u32 s26, $0x1;
	_ =	strace $0x80000046;
	[dreg:$0x1] =	wrdreg $0xFFFFFFFF  }
0xad: {  	s28 =	simm.s32 $_size_execute0_lowered;
	s4 =	sadd.s32 s4, s6;
	[dreg:$0x0] =	wrdreg $0x0  }
0xae: {  	s6 =	sshll.u32 s28, $0x1;
	[dreg:$0x2] =	wrdreg s4  }
0xaf: {  	[dreg:$0x3] =	wrdreg s6  }
0xb0: {  	[dreg:$0x4] =	wrdreg $0xC0  }
0xb1: {  	_ =	task [dreg:s8], $0x5FFFF  }
0xb2: {  	[dreg:$0x1] =	wrdreg $0xFFFFFFFF  }
0xb3: {  	[dreg:$0x0] =	wrdreg $0x60  }
0xb4: {  	[dreg:$0x2] =	wrdreg s24  }
0xb5: {  	[dreg:$0x3] =	wrdreg s16  }
0xb6: {  	[dreg:$0x4] =	wrdreg s17  }
0xb7: {  	[dreg:$0x5] =	wrdreg $0x9  }
0xb8: {  	_ =	task.clear_ibuf [dreg:s8], $0x6FFFF;
	_ =	strace $0x90000046  }
0xb9: {  	s29 =	simm.s32 $0x9;
	_ =	strace $0x80000048  }
0xba: {  	_ =	swait.ge [sflag:s29], $0x1  }
0xbb: {  	[sflag:s29] =	ssyncadd.s32 $0xFFFFFFFF  }
0xbc: {  	_ =	strace $0x90000048  }
0xbd: {  	_ =	sfence  }
0xbe: {  	s30 =	sld [smem:$0x0];
	_ =	sdelay $0x2  }
0xbf: {  	s31 =	sshll.u32 s1, $0xD;
	s1 =	sshrl.u32 s1, $0x2  }
0xc0: {  	s3 =	sand.u32 $0x4000, s31;
	s1 =	sadd.s32 s1, s30  }
0xc1: {  	s0 =	sor.u32 s3, s0;
	s1 =	sshll.u32 s1, $0x11  }
0xc2: {  	s0 =	sor.u32 s1, s0  }
0xc3: {  	s0 =	sadd.s32 $0x8F2B, s0  }
0xc4: {  	[sflag:s0] =	ssyncadd.remote.s32 $0x1  }
0xc5: {  	_ =	sfence.sel $0xFFFF  }
0xc6: {  	[dreg:$0x0] =	wrdreg $0xFFFFFFFF;
	(pc) =	sbr.abs _section_cstart, $3  }
0xc7: {  	[dreg:$0x1] =	wrdreg $0xFFFFFFFF  }
0xc8: {  	_ =	task.clear_ibuf [dreg:s8], $0x2FFFF;
	_ =	strace $0x9FFFFFFF  }
0xc9: {  	(tm) =	ssettm $0x7FFFFFFF  }
tec
execute0_lowered:
.L_overlay_start_1:
0x0: {  	(tag) =	ssettag $0x1  }
0x1: {  	s0 =	rddreg [dreg:$0x0]  }
0x2: {  	s1 =	rddreg [dreg:$0x1]  }
0x3: {  	s2 =	rddreg [dreg:$0x2];
	s4 =	simm.s32 $0x0;
	s5 =	srdreg.scid  }
0x4: {  	s3 =	stileid.u32;
	s14 =	simm.s32 $0x3;
	s15 =	simm.s32 $0x3  }
0x5: {  	s16 =	simm.s32 $0x5;
	s17 =	simm.s32 $0x80;
	s18 =	simm.s32 $0x200  }
0x6: {  	s19 =	simm.s32 $0x5A00;
	s20 =	simm.s32 $0x1;
	s21 =	simm.s32 $0x2  }
0x7: {  	s22 =	simm.s32 $0x0;
	[smem:$0x7FF] =	sst s4;
	s8 =	sand.u32 $0x1, s5  }
0x8: {  	s7 =	sshll.u32 s3, $0x1;
	s5 =	sadd.s32 $0x7B000, s0;
	s6 =	sadd.s32 $0x2CE00, s0  }
0x9: {  	p0 =	seq.s32 s3, $0x0;
	_ =	strace $0x80000047;
	s9 =	sor.u32 s8, s7  }
0xa: {  	s7 =	sadd.s32 $0xB0C00, s0;
	s11 =	ssub.s32 $0x2, s8;
	s10 =	smul.u32 $0x27, s9  }
.Ltmp0:
0xb: {  	s12 =	smin.u32 s9, $0x2;
	s9 =	simm.s32 $0x28;
	(pc) =	sbr.rel .LBB2_1-.Ltmp0, $4  }
0xc: {  	s8 =	sadd.s32 $0x321C00, s0;
	s31 =	sshrl.u32 s11, $0x1;
	s9 =	simm.s32 @!p0 $0x27  }
0xd: {  	s0 =	ssub.s32 s11, s31;
	s10 =	sadd.s32 s12, s10;
	s13 =	sand.u32 $0x1, s9  }
0xe: {  	s12 =	sshll.u32 s10, $0x4;
	p0 =	seq.s32 s13, $0x1;
	s13 =	smax.u32 s0, $0x1  }
0xf: {  	v0 =	vimm.f32 $0.0e+00;
	s11 =	sadd.s32 s1, s12;
	s12 =	sadd.s32 s2, s12;
	s14 =	simm.s32 @!p0 $0x4  }
.LBB2_20:
0x10: {  	s22 =	sadd.s32 $0x1, s22  }
0x11: {  	_ =	swait.ge [sflag:s14], $0x4000;
	p0 =	sne.s32 s22, s13  }
.Ltmp1:
0x12: {  	[sflag:s14] =	ssyncset.done $0x0;
	(pc) =	sbr.rel @!p0 .LBB2_21-.Ltmp1, $4  }
0x13: {  	[sflag:s14] =	ssyncadd.s32 $0xFFFFC000  }
0x14: {  	_ =	swait.ge [sflag:s14], $0x4000  }
0x15: {  	[sflag:s14] =	ssyncset.done $0x0  }
0x16: {  	[sflag:s14] =	ssyncadd.s32 $0xFFFFC000  }
.LBB2_1:
0x17: {  	[tilespmem:s4], [sflag:$0x5] =	stream.linear.gather [hbm4b:s11+s4], $0x80, $0x38;
	[tilespmem:$0x16200] =	vst v63  }
0x18: {  	_ =	swait.ge [sflag:s16], $0x80  }
0x19: {  	[sflag:s16] =	ssyncset.done $0x0  }
0x1a: {  	[sflag:s16] =	ssyncadd.s32 $0xFFFFFF80  }
0x1b: {  	[tilespmem:s17], [sflag:$0x5] =	stream.linear.gather [hbm4b:s12+s4], $0x80, $0x38;
	[tilespmem:$0x16200] =	vst v63  }
0x1c: {  	_ =	swait.ge [sflag:s16], $0x80  }
.Ltmp2:
0x1d: {  	[sflag:s16] =	ssyncset.done $0x0;
	(pc) =	sbr.rel .LBB2_2-.Ltmp2, $4  }
0x1e: {  	[sflag:s16] =	ssyncadd.s32 $0xFFFFFF80  }
0x1f: {  	[tilespmem:s18], [sflag:$0x1] =	stream.indirect.gather [hbm4b:s5+s17], $0xB0, s4, s17, $0xb8;
	[tilespmem:$0x16200] =	vst v63  }
0x20: {  	s23 =	simm.s32 $0x0  }
0x21: {  	[tilespmem:s19], [sflag:$0x1] =	stream.indirect.gather [hbm4b:s6+s17], $0xB0, s17, s17, $0xb8;
	[tilespmem:$0x16200] =	vst v63  }
.LBB2_18:
0x22: {  	[hbm4b:s0+s4] =	stream.linear.scatter [tilespmem:s25], [sflag:$0x4], $0x80, $0x38;
	[tilespmem:$0x16200] =	vst v63  }
.LBB2_19:
0x23: {  	s23 =	sadd.s32 $0x1, s23  }
0x24: {  	p0 =	sne.s32 s23, $0x14  }
.Ltmp3:
0x25: {  	_ = 	snop;
	(pc) =	sbr.rel @!p0 .LBB2_20-.Ltmp3, $1  }
0x26: {  	_ =	sdelay $0x3  }
.LBB2_2:
0x27: {  	s25 =	sshll.u32 s23, $0x1  }
0x28: {  	p0 =	slt.u32 s25, s9  }
.Ltmp4:
0x29: {  	_ = 	snop;
	(pc) =	sbr.rel @!p0 .LBB2_3-.Ltmp4, $1  }
0x2a: {  	_ =	sdelay $0x3  }
0x2b: {  	p1 =	seq.s32 s23, $0x0  }
0x2c: {  	s0 =	simm.s32 @!p1 $0x4  }
0x2d: {  	_ =	swait.ge @!p1 [sflag:s0], $0x4000  }
0x2e: {  	s24 =	sor.u32 $0x1, s25;
	[sflag:s0] =	ssyncset.done @!p1 $0x0  }
0x2f: {  	p0 =	sge.u32 s24, s9;
	[sflag:s0] =	ssyncadd.s32 @!p1 $0xFFFFC000  }
0x30: {  	s26 =	sadd.s32 @!p0 s10, s24;
	_ =	swait.ge @!p1 [sflag:s0], $0x4000  }
0x31: {  	s26 =	sshll.u32 @!p0 s26, $0x4;
	[sflag:s0] =	ssyncset.done @!p1 $0x0  }
0x32: {  	[sflag:s0] =	ssyncadd.s32 @!p1 $0xFFFFC000;
	s0 =	sand.u32 @!p0 $0x1FFFFFF0, s26  }
0x33: {  	s28 =	simm.s32 @!p0 $0x0;
	s29 =	simm.s32 @!p0 $0x100;
	s26 =	sadd.s32 @!p0 s1, s0  }
0x34: {  	[tilespmem:s29], [sflag:$0x5] =	stream.linear.gather @!p0 [hbm4b:s26+s28], $0x80, $0x38;
	[tilespmem:$0x16200] =	vst v63  }
0x35: {  	s26 =	simm.s32 @!p0 $0x5  }
0x36: {  	_ =	swait.ge @!p0 [sflag:s26], $0x80  }
0x37: {  	[sflag:s26] =	ssyncset.done @!p0 $0x0  }
0x38: {  	s30 =	simm.s32 @!p0 $0x180;
	s0 =	sadd.s32 @!p0 s2, s0;
	[sflag:s26] =	ssyncadd.s32 @!p0 $0xFFFFFF80  }
0x39: {  	[tilespmem:s30], [sflag:$0x5] =	stream.linear.gather @!p0 [hbm4b:s0+s28], $0x80, $0x38;
	[tilespmem:$0x16200] =	vst v63  }
0x3a: {  	_ =	swait.ge @!p0 [sflag:s26], $0x80  }
0x3b: {  	[sflag:s26] =	ssyncset.done @!p0 $0x0  }
0x3c: {  	s0 =	simm.s32 @!p0 $0x80;
	[sflag:s26] =	ssyncadd.s32 @!p0 $0xFFFFFF80;
	s26 =	simm.s32 @!p0 $0xB200  }
0x3d: {  	[tilespmem:s26], [sflag:$0x2] =	stream.indirect.gather @!p0 [hbm4b:s5+s0], $0xB0, s29, s0, $0xb8;
	[tilespmem:$0x16200] =	vst v63  }
0x3e: {  	s26 =	simm.s32 @!p0 $0x10A00  }
0x3f: {  	[tilespmem:s26], [sflag:$0x2] =	stream.indirect.gather @!p0 [hbm4b:s6+s0], $0xB0, s30, s0, $0xb8;
	[tilespmem:$0x16200] =	vst v63  }
0x40: {  	_ =	swait.ge [sflag:s20], $0x5800  }
0x41: {  	[sflag:s20] =	ssyncset.done $0x0  }
0x42: {  	[sflag:s20] =	ssyncadd.s32 $0xFFFFA800  }
0x43: {  	_ =	swait.ge [sflag:s20], $0x5800  }
0x44: {  	[sflag:s20] =	ssyncset.done $0x0  }
0x45: {  	s26 =	simm.s32 $0x0;
	[sflag:s20] =	ssyncadd.s32 $0xFFFFA800  }
0x46: {  	v7 =	vld [tilespmem:s26+$0x280]  }
0x47: {  	v1 =	vld [tilespmem:s26+$0x5A80]  }
0x48: {  	v2 =	vld [tilespmem:s26+$0x290]  }
0x49: {  	v3 =	vld [tilespmem:s26+$0x2A0]  }
0x4a: {  	v8 =	vld [tilespmem:s26+$0x5A90]  }
0x4b: {  	v9 =	vld [tilespmem:s26+$0x5AA0]  }
0x4c: {  	v12 =	vld [tilespmem:s26+$0x5A00]  }
0x4d: {  	v14 =	vld [tilespmem:s26+$0x5A10]  }
0x4e: {  	v6 =	vld [tilespmem:s26+$0x5A20]  }
0x4f: {  	v5 =	vld [tilespmem:s26+$0x5A30]  }
0x50: {  	v4 =	vld [tilespmem:s26+$0x5A40]  }
0x51: {  	v13 =	vld [tilespmem:s26+$0x200]  }
0x52: {  	v11 =	vld [tilespmem:s26+$0x220]  }
0x53: {  	v10 =	vld [tilespmem:s26+$0x230];
	[tilespmem:s26+$0x5A10] =	vst v2  }
0x54: {  	[tilespmem:s26+$0x5A20] =	vst v3;
	v3 =	vld [tilespmem:s26+$0x5A50]  }
0x55: {  	[tilespmem:s26+$0x5A00] =	vst v7;
	v7 =	vld [tilespmem:s26+$0x210]  }
0x56: {  	[tilespmem:s26+$0x5A30] =	vst v1;
	v2 =	vld [tilespmem:s26+$0x5A60]  }
0x57: {  	[tilespmem:s26+$0x5A40] =	vst v8;
	v1 =	vld [tilespmem:s26+$0x5A70]  }
0x58: {  	[tilespmem:s26+$0x5A50] =	vst v9;
	v9 =	vld [tilespmem:s26+$0x240]  }
0x59: {  	[tilespmem:s26+$0x5A60] =	vst v0;
	v8 =	vld [tilespmem:s26+$0x250];
	v13 =	vadd.f32 v12, v13  }
0x5a: {  	s28 =	simm.s32 $0x2C0;
	[tilespmem:s26+$0x5A70] =	vst v0;
	v12 =	vadd.f32 v14, v7;
	v7 =	vld [tilespmem:s26+$0x260]  }
.LBB2_5:
0x5b: {  	s0 =	sshra.s32 s28, $0x2;
	p0 =	sne.s32 s28, $0x15D40;
	[tilespmem:s26+$0x200] =	vst v13;
	v6 =	vadd.f32 v6, v11;
	v11 =	vld [tilespmem:s26+$0x270]  }
0x5c: {  	v13 =	vld [tilespmem:s0+$0x280];
	[tilespmem:s26+$0x210] =	vst v12;
	v5 =	vadd.f32 v5, v10  }
0x5d: {  	v10 =	vld [tilespmem:s0+$0x5A80];
	[tilespmem:s26+$0x220] =	vst v6;
	v4 =	vadd.f32 v4, v9  }
0x5e: {  	v6 =	vld [tilespmem:s0+$0x290];
	[tilespmem:s26+$0x230] =	vst v5;
	v3 =	vadd.f32 v3, v8  }
0x5f: {  	v5 =	vld [tilespmem:s0+$0x2A0];
	[tilespmem:s26+$0x240] =	vst v4;
	v2 =	vadd.f32 v2, v7  }
0x60: {  	v7 =	vld [tilespmem:s0+$0x5A90];
	[tilespmem:s26+$0x250] =	vst v3;
	v1 =	vadd.f32 v1, v11  }
0x61: {  	v8 =	vld [tilespmem:s0+$0x5AA0];
	[tilespmem:s26+$0x260] =	vst v2  }
0x62: {  	v12 =	vld [tilespmem:s0+$0x5A00];
	[tilespmem:s26+$0x270] =	vst v1;
	s26 =	smov.u32 s0  }
0x63: {  	v14 =	vld [tilespmem:s26+$0x5A10];
	[tilespmem:s26+$0x5A10] =	vst v6  }
0x64: {  	v6 =	vld [tilespmem:s26+$0x5A20];
	[tilespmem:s26+$0x5A20] =	vst v5  }
0x65: {  	v5 =	vld [tilespmem:s26+$0x5A30];
	[tilespmem:s26+$0x5A30] =	vst v10  }
0x66: {  	v4 =	vld [tilespmem:s26+$0x5A40];
	[tilespmem:s26+$0x5A40] =	vst v7  }
0x67: {  	v3 =	vld [tilespmem:s26+$0x5A50];
	[tilespmem:s26+$0x5A50] =	vst v8  }
0x68: {  	v2 =	vld [tilespmem:s26+$0x5A60];
	[tilespmem:s26+$0x5A60] =	vst v0  }
0x69: {  	v1 =	vld [tilespmem:s26+$0x5A70];
	[tilespmem:s26+$0x5A70] =	vst v0  }
0x6a: {  	v7 =	vld [tilespmem:s26+$0x200];
	[tilespmem:s26+$0x5A00] =	vst v13  }
0x6b: {  	v15 =	vld [tilespmem:s26+$0x210]  }
.Ltmp5:
0x6c: {  	v11 =	vld [tilespmem:s26+$0x220];
	(pc) =	sbr.rel @p0 .LBB2_5-.Ltmp5, $4  }
0x6d: {  	v10 =	vld [tilespmem:s26+$0x230]  }
0x6e: {  	v9 =	vld [tilespmem:s26+$0x240]  }
0x6f: {  	v13 =	vadd.f32 v12, v7;
	v8 =	vld [tilespmem:s26+$0x250]  }
0x70: {  	s28 =	sadd.s32 $0x2C0, s28;
	v12 =	vadd.f32 v14, v15;
	v7 =	vld [tilespmem:s26+$0x260]  }
0x71: {  	[tilespmem:s26+$0x200] =	vst v13;
	v6 =	vadd.f32 v6, v11;
	v63 =	vld [tilespmem:s26+$0x270]  }
0x72: {  	[tilespmem:s26+$0x210] =	vst v12;
	v5 =	vadd.f32 v5, v10  }
0x73: {  	[tilespmem:s26+$0x220] =	vst v6;
	v4 =	vadd.f32 v4, v9  }
0x74: {  	s0 =	sadd.s32 s10, s25;
	[tilespmem:s26+$0x230] =	vst v5;
	v3 =	vadd.f32 v3, v8  }
0x75: {  	s0 =	sshll.u32 s0, $0xB;
	[tilespmem:s26+$0x240] =	vst v4;
	v2 =	vadd.f32 v2, v7  }
0x76: {  	s28 =	sand.u32 $0x1FFFF800, s0;
	[tilespmem:s26+$0x250] =	vst v3;
	v1 =	vadd.f32 v1, v63  }
0x77: {  	s30 =	simm.s32 $0x200;
	s29 =	sadd.s32 s7, s28;
	[tilespmem:s26+$0x260] =	vst v2  }
0x78: {  	s31 =	simm.s32 $0x2B0;
	s0 =	sadd.s32 $0x0, s29;
	[tilespmem:s26+$0x270] =	vst v1;
	s26 =	simm.s32 $0x10  }
.LBB2_7:
0x79: {  	[hbm4b:s0+s4] =	stream.linear.scatter [tilespmem:s30], [sflag:$0x3], $0x80, $0x38;
	[tilespmem:$0x16200] =	vst v63  }
0x7a: {  	s0 =	smov.u32 s26;
	s30 =	smov.u32 s31;
	p0 =	sne.s32 s26, $0x7F0  }
.Ltmp6:
0x7b: {  	s26 =	sadd.s32 $0x10, s26;
	(pc) =	sbr.rel @p0 .LBB2_7-.Ltmp6, $2  }
0x7c: {  	_ =	sdelay $0x2  }
0x7d: {  	s31 =	sadd.s32 $0xB0, s31;
	s0 =	sadd.s32 s0, s29  }
0x7e: {  	[hbm4b:s0+s4] =	stream.linear.scatter [tilespmem:s30], [sflag:$0x3], $0x80, $0x38;
	[tilespmem:$0x16200] =	vst v63  }
0x7f: {  	s26 =	sadd.s32 s8, s28;
	s28 =	simm.s32 $0x5A00  }
0x80: {  	s29 =	simm.s32 $0x10;
	s30 =	simm.s32 $0x5AB0;
	s0 =	sadd.s32 $0x0, s26  }
.LBB2_9:
0x81: {  	[hbm4b:s0+s4] =	stream.linear.scatter [tilespmem:s28], [sflag:$0x3], $0x80, $0x38;
	[tilespmem:$0x16200] =	vst v63  }
0x82: {  	s0 =	smov.u32 s29;
	s28 =	smov.u32 s30;
	p0 =	sne.s32 s29, $0x7F0  }
.Ltmp7:
0x83: {  	s29 =	sadd.s32 $0x10, s29;
	(pc) =	sbr.rel @p0 .LBB2_9-.Ltmp7, $2  }
0x84: {  	_ =	sdelay $0x2  }
0x85: {  	s30 =	sadd.s32 $0xB0, s30;
	s0 =	sadd.s32 s0, s26  }
.Ltmp8:
0x86: {  	(pc) =	sbr.rel .LBB2_11-.Ltmp8, $2  }
0x87: {  	_ =	sdelay $0x2  }
0x88: {  	[hbm4b:s0+s4] =	stream.linear.scatter [tilespmem:s28], [sflag:$0x3], $0x80, $0x38;
	[tilespmem:$0x16200] =	vst v63  }
.LBB2_3:
0x89: {  	s24 =	sor.u32 $0x1, s25  }
.LBB2_11:
0x8a: {  	p0 =	sge.u32 s24, s9  }
.Ltmp9:
0x8b: {  	_ = 	snop;
	(pc) =	sbr.rel @p0 .LBB2_19-.Ltmp9, $1  }
0x8c: {  	_ =	sdelay $0x3  }
0x8d: {  	_ =	swait.ge [sflag:s15], $0x4000;
	s0 =	sadd.s32 $0x2, s25  }
0x8e: {  	[sflag:s15] =	ssyncset.done $0x0;
	p0 =	sge.u32 s0, s9  }
0x8f: {  	[sflag:s15] =	ssyncadd.s32 $0xFFFFC000;
	s0 =	sadd.s32 @!p0 s10, s0  }
0x90: {  	_ =	swait.ge [sflag:s15], $0x4000;
	s0 =	sshll.u32 @!p0 s0, $0x4  }
0x91: {  	[sflag:s15] =	ssyncset.done $0x0;
	s0 =	sand.u32 @!p0 $0x1FFFFFF0, s0  }
0x92: {  	s26 =	simm.s32 @!p0 $0x0;
	[sflag:s15] =	ssyncadd.s32 $0xFFFFC000;
	s25 =	sadd.s32 @!p0 s1, s0  }
0x93: {  	[tilespmem:s26], [sflag:$0x5] =	stream.linear.gather @!p0 [hbm4b:s25+s26], $0x80, $0x38;
	[tilespmem:$0x16200] =	vst v63  }
0x94: {  	s25 =	simm.s32 @!p0 $0x5  }
0x95: {  	_ =	swait.ge @!p0 [sflag:s25], $0x80  }
0x96: {  	[sflag:s25] =	ssyncset.done @!p0 $0x0  }
0x97: {  	s28 =	simm.s32 @!p0 $0x80;
	s0 =	sadd.s32 @!p0 s2, s0;
	[sflag:s25] =	ssyncadd.s32 @!p0 $0xFFFFFF80  }
0x98: {  	[tilespmem:s28], [sflag:$0x5] =	stream.linear.gather @!p0 [hbm4b:s0+s26], $0x80, $0x38;
	[tilespmem:$0x16200] =	vst v63  }
0x99: {  	_ =	swait.ge @!p0 [sflag:s25], $0x80  }
0x9a: {  	[sflag:s25] =	ssyncset.done @!p0 $0x0  }
0x9b: {  	s0 =	simm.s32 @!p0 $0x200;
	[sflag:s25] =	ssyncadd.s32 @!p0 $0xFFFFFF80  }
0x9c: {  	[tilespmem:s0], [sflag:$0x1] =	stream.indirect.gather @!p0 [hbm4b:s5+s28], $0xB0, s26, s28, $0xb8;
	[tilespmem:$0x16200] =	vst v63  }
0x9d: {  	s0 =	simm.s32 @!p0 $0x5A00  }
0x9e: {  	[tilespmem:s0], [sflag:$0x1] =	stream.indirect.gather @!p0 [hbm4b:s6+s28], $0xB0, s28, s28, $0xb8;
	[tilespmem:$0x16200] =	vst v63  }
0x9f: {  	_ =	swait.ge [sflag:s21], $0x5800  }
0xa0: {  	[sflag:s21] =	ssyncset.done $0x0  }
0xa1: {  	[sflag:s21] =	ssyncadd.s32 $0xFFFFA800  }
0xa2: {  	_ =	swait.ge [sflag:s21], $0x5800  }
0xa3: {  	[sflag:s21] =	ssyncset.done $0x0  }
0xa4: {  	s25 =	simm.s32 $0x0;
	[sflag:s21] =	ssyncadd.s32 $0xFFFFA800  }
0xa5: {  	v7 =	vld [tilespmem:s25+$0xB280]  }
0xa6: {  	v1 =	vld [tilespmem:s25+$0x10A80]  }
0xa7: {  	v2 =	vld [tilespmem:s25+$0xB290]  }
0xa8: {  	v3 =	vld [tilespmem:s25+$0xB2A0]  }
0xa9: {  	v8 =	vld [tilespmem:s25+$0x10A90]  }
0xaa: {  	v9 =	vld [tilespmem:s25+$0x10AA0]  }
0xab: {  	v12 =	vld [tilespmem:s25+$0x10A00]  }
0xac: {  	v14 =	vld [tilespmem:s25+$0x10A10]  }
0xad: {  	v6 =	vld [tilespmem:s25+$0x10A20]  }
0xae: {  	v5 =	vld [tilespmem:s25+$0x10A30]  }
0xaf: {  	v4 =	vld [tilespmem:s25+$0x10A40]  }
0xb0: {  	v13 =	vld [tilespmem:s25+$0xB200]  }
0xb1: {  	v11 =	vld [tilespmem:s25+$0xB220]  }
0xb2: {  	v10 =	vld [tilespmem:s25+$0xB230];
	[tilespmem:s25+$0x10A10] =	vst v2  }
0xb3: {  	[tilespmem:s25+$0x10A20] =	vst v3;
	v3 =	vld [tilespmem:s25+$0x10A50]  }
0xb4: {  	[tilespmem:s25+$0x10A00] =	vst v7;
	v7 =	vld [tilespmem:s25+$0xB210]  }
0xb5: {  	[tilespmem:s25+$0x10A30] =	vst v1;
	v2 =	vld [tilespmem:s25+$0x10A60]  }
0xb6: {  	[tilespmem:s25+$0x10A40] =	vst v8;
	v1 =	vld [tilespmem:s25+$0x10A70]  }
0xb7: {  	[tilespmem:s25+$0x10A50] =	vst v9;
	v9 =	vld [tilespmem:s25+$0xB240]  }
0xb8: {  	[tilespmem:s25+$0x10A60] =	vst v0;
	v8 =	vld [tilespmem:s25+$0xB250];
	v13 =	vadd.f32 v12, v13  }
0xb9: {  	s26 =	simm.s32 $0x2C0;
	[tilespmem:s25+$0x10A70] =	vst v0;
	v12 =	vadd.f32 v14, v7;
	v7 =	vld [tilespmem:s25+$0xB260]  }
.LBB2_13:
0xba: {  	s0 =	sshra.s32 s26, $0x2;
	p0 =	sne.s32 s26, $0x15D40;
	[tilespmem:s25+$0xB200] =	vst v13;
	v6 =	vadd.f32 v6, v11;
	v11 =	vld [tilespmem:s25+$0xB270]  }
0xbb: {  	v13 =	vld [tilespmem:s0+$0xB280];
	[tilespmem:s25+$0xB210] =	vst v12;
	v5 =	vadd.f32 v5, v10  }
0xbc: {  	v10 =	vld [tilespmem:s0+$0x10A80];
	[tilespmem:s25+$0xB220] =	vst v6;
	v4 =	vadd.f32 v4, v9  }
0xbd: {  	v6 =	vld [tilespmem:s0+$0xB290];
	[tilespmem:s25+$0xB230] =	vst v5;
	v3 =	vadd.f32 v3, v8  }
0xbe: {  	v5 =	vld [tilespmem:s0+$0xB2A0];
	[tilespmem:s25+$0xB240] =	vst v4;
	v2 =	vadd.f32 v2, v7  }
0xbf: {  	v7 =	vld [tilespmem:s0+$0x10A90];
	[tilespmem:s25+$0xB250] =	vst v3;
	v1 =	vadd.f32 v1, v11  }
0xc0: {  	v8 =	vld [tilespmem:s0+$0x10AA0];
	[tilespmem:s25+$0xB260] =	vst v2  }
0xc1: {  	v12 =	vld [tilespmem:s0+$0x10A00];
	[tilespmem:s25+$0xB270] =	vst v1;
	s25 =	smov.u32 s0  }
0xc2: {  	v14 =	vld [tilespmem:s25+$0x10A10];
	[tilespmem:s25+$0x10A10] =	vst v6  }
0xc3: {  	v6 =	vld [tilespmem:s25+$0x10A20];
	[tilespmem:s25+$0x10A20] =	vst v5  }
0xc4: {  	v5 =	vld [tilespmem:s25+$0x10A30];
	[tilespmem:s25+$0x10A30] =	vst v10  }
0xc5: {  	v4 =	vld [tilespmem:s25+$0x10A40];
	[tilespmem:s25+$0x10A40] =	vst v7  }
0xc6: {  	v3 =	vld [tilespmem:s25+$0x10A50];
	[tilespmem:s25+$0x10A50] =	vst v8  }
0xc7: {  	v2 =	vld [tilespmem:s25+$0x10A60];
	[tilespmem:s25+$0x10A60] =	vst v0  }
0xc8: {  	v1 =	vld [tilespmem:s25+$0x10A70];
	[tilespmem:s25+$0x10A70] =	vst v0  }
0xc9: {  	v7 =	vld [tilespmem:s25+$0xB200];
	[tilespmem:s25+$0x10A00] =	vst v13  }
0xca: {  	v15 =	vld [tilespmem:s25+$0xB210]  }
.Ltmp10:
0xcb: {  	v11 =	vld [tilespmem:s25+$0xB220];
	(pc) =	sbr.rel @p0 .LBB2_13-.Ltmp10, $4  }
0xcc: {  	v10 =	vld [tilespmem:s25+$0xB230]  }
0xcd: {  	v9 =	vld [tilespmem:s25+$0xB240]  }
0xce: {  	v13 =	vadd.f32 v12, v7;
	v8 =	vld [tilespmem:s25+$0xB250]  }
0xcf: {  	s26 =	sadd.s32 $0x2C0, s26;
	v12 =	vadd.f32 v14, v15;
	v7 =	vld [tilespmem:s25+$0xB260]  }
0xd0: {  	[tilespmem:s25+$0xB200] =	vst v13;
	v6 =	vadd.f32 v6, v11;
	v63 =	vld [tilespmem:s25+$0xB270]  }
0xd1: {  	[tilespmem:s25+$0xB210] =	vst v12;
	v5 =	vadd.f32 v5, v10  }
0xd2: {  	[tilespmem:s25+$0xB220] =	vst v6;
	v4 =	vadd.f32 v4, v9  }
0xd3: {  	s0 =	sadd.s32 s10, s24;
	[tilespmem:s25+$0xB230] =	vst v5;
	v3 =	vadd.f32 v3, v8  }
0xd4: {  	s0 =	sshll.u32 s0, $0xB;
	[tilespmem:s25+$0xB240] =	vst v4;
	v2 =	vadd.f32 v2, v7  }
0xd5: {  	s24 =	sand.u32 $0x1FFFF800, s0;
	[tilespmem:s25+$0xB250] =	vst v3;
	v1 =	vadd.f32 v1, v63  }
0xd6: {  	s28 =	simm.s32 $0xB200;
	s26 =	sadd.s32 s7, s24;
	[tilespmem:s25+$0xB260] =	vst v2  }
0xd7: {  	s29 =	simm.s32 $0xB2B0;
	s0 =	sadd.s32 $0x0, s26;
	[tilespmem:s25+$0xB270] =	vst v1;
	s25 =	simm.s32 $0x10  }
.LBB2_15:
0xd8: {  	[hbm4b:s0+s4] =	stream.linear.scatter [tilespmem:s28], [sflag:$0x4], $0x80, $0x38;
	[tilespmem:$0x16200] =	vst v63  }
0xd9: {  	s0 =	smov.u32 s25;
	s28 =	smov.u32 s29;
	p0 =	sne.s32 s25, $0x7F0  }
.Ltmp11:
0xda: {  	s25 =	sadd.s32 $0x10, s25;
	(pc) =	sbr.rel @p0 .LBB2_15-.Ltmp11, $2  }
0xdb: {  	_ =	sdelay $0x2  }
0xdc: {  	s29 =	sadd.s32 $0xB0, s29;
	s0 =	sadd.s32 s0, s26  }
0xdd: {  	[hbm4b:s0+s4] =	stream.linear.scatter [tilespmem:s28], [sflag:$0x4], $0x80, $0x38;
	[tilespmem:$0x16200] =	vst v63  }
0xde: {  	s24 =	sadd.s32 s8, s24;
	s25 =	simm.s32 $0x10A00  }
0xdf: {  	s26 =	simm.s32 $0x10;
	s28 =	simm.s32 $0x10AB0;
	s0 =	sadd.s32 $0x0, s24  }
.LBB2_17:
0xe0: {  	[hbm4b:s0+s4] =	stream.linear.scatter [tilespmem:s25], [sflag:$0x4], $0x80, $0x38;
	[tilespmem:$0x16200] =	vst v63  }
0xe1: {  	s0 =	smov.u32 s26;
	s25 =	smov.u32 s28;
	p0 =	sne.s32 s26, $0x7F0  }
.Ltmp12:
0xe2: {  	s26 =	sadd.s32 $0x10, s26;
	(pc) =	sbr.rel @p0 .LBB2_17-.Ltmp12, $2  }
0xe3: {  	_ =	sdelay $0x2  }
0xe4: {  	s28 =	sadd.s32 $0xB0, s28;
	s0 =	sadd.s32 s0, s24  }
.Ltmp13:
0xe5: {  	_ = 	snop;
	(pc) =	sbr.rel .LBB2_18-.Ltmp13, $1  }
0xe6: {  	_ =	sdelay $0x3  }
.LBB2_21:
0xe7: {  	_ =	sfence.sel $0x180000  }
0xe8: {  	[bflag:$0x0] =	sbarrier.arrive $0xFFFF  }
0xe9: {  	_ =	strace $0x90000047  }
0xea: {  	[bflag:$0x2] =	sbarrier.arrive $0xFFFF  }
0xeb: {  	p0 =	sne.s32 s3, $0x0;
	s0 =	rddreg [dreg:$0x3]  }
0xec: {  	s0 =	sadd.s32 @!p0 $0x100000, s0  }
0xed: {  	[sflag:s0] =	ssyncadd.tile.s32 @!p0 $0x1;
	_ =	shalt  }
.Lfunc_end2:
_tile_overlayer_lowered:
.L_overlay_start_2:
0xee: {  	(tag) =	ssettag $0x2  }
0xef: {  	s0 =	rddreg [dreg:$0x0];
	s2 =	stileid.u32  }
0xf0: {  	s1 =	rddreg [dreg:$0x1];
	p0 =	sne.s32 s2, $0x0  }
0xf1: {  	s3 =	rddreg [dreg:$0x2];
	[bflag:$0x3] =	sbarrier.arrive $0xFFFF;
	s2 =	simm.s32 @!p0 $0x1C05  }
0xf2: {  	[timem:s3], [sflag:s2] =	dma.local @!p0 [hbm:s0], s1  }
0xf3: {  	s0 =	simm.s32 @!p0 $0x5  }
0xf4: {  	_ =	swait.ge @!p0 [sflag:s0], s1  }
0xf5: {  	s1 =	ssub.s32 @!p0 $0x0, s1;
	[sflag:s0] =	ssyncset.done @!p0 $0x0  }
0xf6: {  	[sflag:s0] =	ssyncadd.s32 @!p0 s1  }
0xf7: {  	[bflag:$0x3] =	sbarrier.arrive $0xFFFF  }
0xf8: {  	_ =	shalt  }

</sc_bundles>
